<compile_context>
chip_gen: v7x
topology: tpu7x:2x2x1
jax: 0.10.2.dev20260603
libtpu: 0.0.44.dev20260713+nightly
codegen_flags: <defaults>
</compile_context>

<pallas_src>
import functools

import jax
import jax.numpy as jnp
from jax import lax
from jax.experimental import pallas as pl
from jax.experimental.pallas import tpu as pltpu
from jax.experimental.pallas import tpu_sc as plsc

NC = 2
NS = 16
CH = 125
G = 128
F32 = jnp.float32


def _bn(h):
    m = jnp.mean(h, axis=0, keepdims=True)
    v = jnp.mean((h - m) ** 2, axis=0, keepdims=True)
    return (h - m) * lax.rsqrt(v + 1e-5) + 1e-4


def _mm(a, b):
    return jnp.dot(a, b, preferred_element_type=F32)



def _sc_mesh():
    return plsc.VectorSubcoreMesh(core_axis_name="c", subcore_axis_name="s")


def _pad_rows(n):
    return ((n + NS * 8 - 1) // (NS * 8)) * (NS * 8)


def _make_deg_kernel(n, e):
    nt = NC * NS
    ept = e // nt
    np_ = _pad_rows(n)
    mesh = _sc_mesh()

    @functools.partial(
        pl.kernel,
        out_type=jax.ShapeDtypeStruct((nt, np_), F32),
        mesh=mesh,
        compiler_params=pltpu.CompilerParams(needs_layout_passes=False),
        scratch_types=[
            pltpu.VMEM((ept,), jnp.int32),
            pltpu.VMEM((np_,), F32),
        ],
    )
    def deg_kernel(row_hbm, out_hbm, idx, cnt):
        c = lax.axis_index("c")
        s = lax.axis_index("s")
        tid = c * NS + s

        def zero(i, _):
            cnt[pl.ds(i * 16, 16)] = jnp.zeros((16,), F32)
            return 0
        lax.fori_loop(0, np_ // 16, zero, 0)
        pltpu.sync_copy(row_hbm.at[pl.ds(tid * ept, ept)], idx)
        ones = jnp.ones((16,), F32)

        def body(i, _):
            plsc.addupdate_scatter(cnt, [idx[pl.ds(i * 16, 16)]], ones)
            return 0
        lax.fori_loop(0, ept // 16, body, 0)
        pltpu.sync_copy(cnt, out_hbm.at[tid])

    return deg_kernel


def _make_prop_kernel(n, h, e):
    hh = h // NC
    nchk = (e // NS) // CH
    np_ = _pad_rows(n)
    zr = np_ // NS
    mesh = _sc_mesh()

    @functools.partial(
        pl.kernel,
        out_type=jax.ShapeDtypeStruct((NC * np_, hh), F32),
        mesh=mesh,
        compiler_params=pltpu.CompilerParams(use_tc_tiling_on_sc=False),
        scratch_types=[
            pltpu.VMEM((nchk, CH), jnp.int32),
            pltpu.VMEM((nchk, CH), jnp.int32),
            [pltpu.VMEM((CH, hh), F32)] * 4,
            pltpu.VMEM((128, hh), F32),
            pltpu.VMEM_SHARED((np_, hh), F32),
            [pltpu.SemaphoreType.DMA] * 4,
            [pltpu.SemaphoreType.DMA] * 4,
        ],
    )
    def prop_kernel(hp_hbm, rowa_hbm, rowb_hbm, col_hbm, out_hbm,
                    idxr, idxc, gbufs, zb, acc, gsems, ssems):
        c = lax.axis_index("c")
        s = lax.axis_index("s")
        start = s * zr

        def gath(j, bi):
            pltpu.async_copy(hp_hbm.at[idxr.at[j]], gbufs[bi], gsems[bi])

        def gath_wait(j, bi):
            pltpu.make_async_copy(
                hp_hbm.at[idxr.at[j]], gbufs[bi], gsems[bi]).wait()

        def scat(j, bi):
            pltpu.async_copy(gbufs[bi], acc.at[idxc.at[j]], ssems[bi],
                             add=True)

        def scat_wait(j, bi):
            pltpu.make_async_copy(
                gbufs[bi], acc.at[idxc.at[j]], ssems[bi]).wait()

        @pl.when(c == 0)
        def _():
            pltpu.sync_copy(rowa_hbm.at[pl.ds(s * nchk, nchk)], idxr)

        @pl.when(c == 1)
        def _():
            pltpu.sync_copy(rowb_hbm.at[pl.ds(s * nchk, nchk)], idxr)
        pltpu.sync_copy(col_hbm.at[pl.ds(s * nchk, nchk)], idxc)

        gath(0, 0)
        gath(1, 1)

        def fill_z(i, _):
            for jj in range(hh // 16):
                zb[i, pl.ds(jj * 16, 16)] = jnp.zeros((16,), F32)
            return 0
        lax.fori_loop(0, 128, fill_z, 0)
        nfull, rem = divmod(zr, 128)
        for k in range(nfull):
            pltpu.sync_copy(zb, acc.at[pl.ds(start + k * 128, 128)])
        if rem:
            pltpu.sync_copy(zb.at[pl.ds(0, rem)],
                            acc.at[pl.ds(start + nfull * 128, rem)])
        plsc.subcore_barrier()

        def body(k, _):
            j0 = 4 * k
            for i in range(4):
                j = j0 + i
                bi = i
                pbi = (i + 2) % 4

                @pl.when(j >= 2)
                def _(j=j, pbi=pbi):
                    scat_wait(j - 2, pbi)

                @pl.when(j + 2 < nchk)
                def _(j=j, pbi=pbi):
                    gath(j + 2, pbi)
                gath_wait(j, bi)
                scat(j, bi)
            return 0
        lax.fori_loop(0, nchk // 4, body, 0)
        for j in range(nchk - 2, nchk):
            scat_wait(j, j % 4)
        plsc.subcore_barrier()
        pltpu.sync_copy(acc.at[pl.ds(start, zr)],
                        out_hbm.at[pl.ds(c * np_ + start, zr)])

    return prop_kernel



def _prep1(x, w_feat, cnt, w1, n, h):
    def body(x_ref, wf_ref, cnt_ref, w1_ref, o_ref, dis_ref):
        xb = _bn(x_ref[...])
        h0 = jnp.maximum(_mm(xb, wf_ref[...]), 0.0)
        degr = jnp.sum(cnt_ref[...], axis=0, keepdims=True) + 1.0
        dis = lax.transpose(lax.rsqrt(degr), (1, 0))[0:n]
        dis_ref[...] = dis
        o_ref[...] = dis * _mm(_bn(h0), w1_ref[...])
    return pl.pallas_call(
        body,
        out_shape=[jax.ShapeDtypeStruct((n, h), F32),
                   jax.ShapeDtypeStruct((n, 1), F32)],
    )(x, w_feat, cnt, w1)


def _unpack_s(s_ref, n, np_):
    hh = s_ref.shape[1] // 2
    spa = s_ref[0:np_ // 2]
    spb = s_ref[np_ // 2:np_]
    t_even = jnp.concatenate([spa[:, 0:hh], spb[:, 0:hh]], axis=1)
    t_odd = jnp.concatenate([spa[:, hh:], spb[:, hh:]], axis=1)
    t = jnp.stack([t_even, t_odd], axis=1).reshape(np_, 2 * hh)
    return t[0:n]


def _tail_bn_mm_scale(s, hp, b, dis, w, n, h):
    np_ = _pad_rows(n)

    def body(s_ref, hp_ref, b_ref, dis_ref, w_ref, o_ref):
        t = _unpack_s(s_ref, n, np_) + hp_ref[...]
        h1 = jnp.maximum(dis_ref[...] * t + b_ref[...], 0.0)
        o_ref[...] = dis_ref[...] * _mm(_bn(h1), w_ref[...])
    return pl.pallas_call(
        body, out_shape=jax.ShapeDtypeStruct((n, h), F32),
    )(s, hp, b, dis, w)


def _head(s, hp2, b3, dis, batch2, w_fc, b_fc, w_cls, b_cls, n, h, c_out):
    np_ = _pad_rows(n)

    def body(s_ref, hp_ref, b3_ref, dis_ref, batch_ref,
             wfc_ref, bfc_ref, wcls_ref, bcls_ref, o_ref):
        t = _unpack_s(s_ref, n, np_) + hp_ref[...]
        h3 = jnp.maximum(dis_ref[...] * t + b3_ref[...], 0.0)
        seg = lax.broadcasted_iota(jnp.int32, (G, n), 0)
        onehot = (seg == batch_ref[...]).astype(F32)
        g = _mm(onehot, h3)
        g = _bn(g)
        g = jnp.maximum(_mm(g, wfc_ref[...]) + bfc_ref[...], 0.0)
        g = _bn(g)
        logits = _mm(g, wcls_ref[...]) + bcls_ref[...]
        mx = jnp.max(logits, axis=-1, keepdims=True)
        lse = jnp.log(jnp.sum(jnp.exp(logits - mx), axis=-1, keepdims=True)) + mx
        o_ref[...] = logits - lse
    return pl.pallas_call(
        body, out_shape=jax.ShapeDtypeStruct((G, c_out), F32),
    )(s, hp2, b3, dis, batch2, w_fc, b_fc, w_cls, b_cls)



def kernel(x, edge_index, batch, W_feat, W1, b1, W2, b2, W3, b3,
           W_fc, b_fc, W_cls, b_cls):
    n, _ = x.shape
    h = W_feat.shape[1]
    e = edge_index.shape[1]
    c_out = W_cls.shape[1]

    row = edge_index[0]
    rowa = (2 * row).reshape(e // CH, CH)
    rowb = rowa + 1
    col2 = edge_index[1].reshape(e // CH, CH)
    batch2 = batch.reshape(1, n)

    cnt = _make_deg_kernel(n, e)(row)
    hp, dis = _prep1(x, W_feat, cnt, W1, n, h)

    np_ = _pad_rows(n)
    prop = _make_prop_kernel(n, h, e)
    s = prop(hp.reshape(2 * n, h // 2), rowa, rowb, col2).reshape(np_, h)
    hp = _tail_bn_mm_scale(s, hp, b1.reshape(1, h), dis, W2, n, h)
    s = prop(hp.reshape(2 * n, h // 2), rowa, rowb, col2).reshape(np_, h)
    hp = _tail_bn_mm_scale(s, hp, b2.reshape(1, h), dis, W3, n, h)
    s = prop(hp.reshape(2 * n, h // 2), rowa, rowb, col2).reshape(np_, h)
    return _head(s, hp, b3.reshape(1, h), dis, batch2,
                 W_fc, b_fc.reshape(1, h), W_cls, b_cls.reshape(1, c_out),
                 n, h, c_out)

# --- scband reference (transcript-rebuilt; emitter-appended) ---
"""Pipeline reference for scband-gcnnet-20968030339555 (READ-ONLY COPY).

The authoritative reference and input builder live on the scoring server;
editing this copy changes nothing except your own understanding.
"""

import jax, jax.numpy as jnp
import numpy as np

N = 10000
E = 320000
F = 128
H = 128
C = 10
G = 128


def setup_inputs(seed: int = 0):
    key = jax.random.key(seed)
    ks = jax.random.split(key, 16)
    inp = {}
    inp["x"] = jax.random.normal(ks[0], (N, F), dtype=jnp.float32)
    inp["edge_index"] = jax.random.randint(ks[1], (2, E), 0, N, dtype=jnp.int32)
    inp["batch"] = jnp.sort(jax.random.randint(ks[2], (N,), 0, G, dtype=jnp.int32))
    inp["W_feat"] = jax.random.normal(ks[3], (F, H), dtype=jnp.float32) * 0.05
    inp["W1"] = jax.random.normal(ks[4], (H, H), dtype=jnp.float32) * 0.05
    inp["b1"] = jnp.zeros((H,), dtype=jnp.float32)
    inp["W2"] = jax.random.normal(ks[5], (H, H), dtype=jnp.float32) * 0.05
    inp["b2"] = jnp.zeros((H,), dtype=jnp.float32)
    inp["W3"] = jax.random.normal(ks[6], (H, H), dtype=jnp.float32) * 0.05
    inp["b3"] = jnp.zeros((H,), dtype=jnp.float32)
    inp["W_fc"] = jax.random.normal(ks[7], (H, H), dtype=jnp.float32) * 0.05
    inp["b_fc"] = jnp.zeros((H,), dtype=jnp.float32)
    inp["W_cls"] = jax.random.normal(ks[8], (H, C), dtype=jnp.float32) * 0.05
    inp["b_cls"] = jnp.zeros((C,), dtype=jnp.float32)
    return inp


def _bn(h):
    # BatchNorm1d in train mode, weight=1, bias=0.0001 (per module init)
    m = h.mean(axis=0)
    v = h.var(axis=0)
    return (h - m) / jnp.sqrt(v + 1e-5) * 1.0 + 0.0001


def _gcn_conv(h, edge_index, W, b):
    # Faithful GCNConv: x @ W, add remaining self-loops, symmetric deg norm,
    # message = norm * x_j aggregated (scatter-add) at target, then + bias
    h = h @ W
    n = h.shape[0]
    loop = jnp.arange(n, dtype=edge_index.dtype)
    row = jnp.concatenate([edge_index[0], loop])
    col = jnp.concatenate([edge_index[1], loop])
    ew = jnp.ones(row.shape[0], dtype=h.dtype)
    deg = jnp.zeros((n,), dtype=h.dtype).at[row].add(ew)
    deg_inv_sqrt = jnp.where(deg > 0, deg ** -0.5, 0.0)
    norm = deg_inv_sqrt[row] * ew * deg_inv_sqrt[col]
    out = jnp.zeros_like(h).at[col].add(norm[:, None] * h[row])
    return out + b


def reference(x, edge_index, batch, W_feat, W1, b1, W2, b2, W3, b3, W_fc, b_fc, W_cls, b_cls):
    h = _bn(x)
    # conv_feat has gfn=True: linear transform only, no propagation, no bias
    h = jax.nn.relu(h @ W_feat)
    for (W, b) in ((W1, b1), (W2, b2), (W3, b3)):
        h = _bn(h)
        h = jax.nn.relu(_gcn_conv(h, edge_index, W, b))
    # global_add_pool
    g = jax.ops.segment_sum(h, batch, num_segments=G)
    # fc_num - 1 = 1 hidden FC layer
    g = _bn(g)
    g = jax.nn.relu(g @ W_fc + b_fc)
    g = _bn(g)
    g = g @ W_cls + b_cls
    return jax.nn.log_softmax(g, axis=-1)

if __name__ == "__main__":
    import jax
    _d = setup_inputs()
    print(jax.jit(kernel)(*tuple(_d.values())))

</pallas_src>

<mosaic_0001>
#map = affine_map<(d0, d1) -> (0)>
#map1 = affine_map<(d0, d1) -> (0, 0)>
module attributes {stable_mosaic.version = 14 : i64} {
  func.func @deg_kernel(%arg0: i32, %arg1: i32, %arg2: memref<320000xi32, #tpu.memory_space<hbm>>, %arg3: memref<32x10112xf32, #tpu.memory_space<hbm>>, %arg4: memref<10000xi32, #tpu.memory_space<vmem>>, %arg5: memref<10112xf32, #tpu.memory_space<vmem>>) attributes {dimension_semantics = [#tpu.dimension_semantics<core_parallel>, #tpu.dimension_semantics<subcore_parallel>], iteration_bounds = array<i64: 2, 16>, scalar_prefetch = 0 : i64, scratch_operands = 2 : i64, tpu.core_type = #tpu.core_type<sc_vector_subcore>, window_params = [{transform_indices = #map}, {transform_indices = #map1}]} {
    %mul3A = arith.constant 16 : i32
    %mul3A_0 = arith.muli %arg0, %mul3A : i32
    %add3A = arith.addi %mul3A_0, %arg1 : i32
    %scan3A = arith.constant 0 : i32
    %scan3A_1 = arith.constant 0 : i32
    %scan3A_2 = arith.constant 632 : i32
    %scan3A_3 = arith.addi %scan3A_1, %scan3A_2 : i32
    %scan3A_4 = arith.constant 1 : i32
    %scan3A_5 = scf.for %scan3A_17 = %scan3A_1 to %scan3A_3 step %scan3A_4 iter_args(%scan3A_18 = %scan3A) -> (i32)  : i32 {
      %broadcast_in_dim3A_19 = arith.constant 0.000000e+00 : f32
      %broadcast_in_dim3A_20 = vector.broadcast %broadcast_in_dim3A_19 : f32 to vector<16xf32>
      %mul3A_21 = arith.constant 16 : i32
      %mul3A_22 = arith.muli %scan3A_17, %mul3A_21 : i32
      %swap3A = arith.index_cast %mul3A_22 : i32 to index
      %swap3A_23 = tpu.vector_load %arg5[%swap3A] {strides = array<i32>} : memref<10112xf32, #tpu.memory_space<vmem>>, vector<16xf32>,
      tpu.vector_store %arg5[%swap3A], %broadcast_in_dim3A_20 {strides = array<i32>} : memref<10112xf32, #tpu.memory_space<vmem>>, vector<16xf32>,
      %scan3A_24 = arith.constant 0 : i32
      scf.yield %scan3A_24 : i32
    }
    %scan3A_6 = arith.constant 632 : i32
    %mul3A_7 = arith.constant 10000 : i32
    %mul3A_8 = arith.muli %add3A, %mul3A_7 : i32
    "tpu.region"() ({
      %run_scoped3A = tpu.sem_alloc : memref<!tpu.dma_semaphore, #tpu.memory_space<semaphore_mem>>
      %dma_start3A = tpu.memref_slice %arg2[%mul3A_8] : memref<320000xi32, #tpu.memory_space<hbm>> -> memref<10000xi32, #tpu.memory_space<hbm>>
      %dma_start3A_17 = tpu.memref_slice %arg2[%mul3A_8] : memref<320000xi32, #tpu.memory_space<hbm>> -> memref<10000xi32, #tpu.memory_space<hbm>>
      tpu.enqueue_dma source(%dma_start3A_17 : memref<10000xi32, #tpu.memory_space<hbm>>) target(%arg4 : memref<10000xi32, #tpu.memory_space<vmem>>) target_semaphore(%run_scoped3A : memref<!tpu.dma_semaphore, #tpu.memory_space<semaphore_mem>>)
      %dma_wait3A = tpu.memref_slice %arg2[%mul3A_8] : memref<320000xi32, #tpu.memory_space<hbm>> -> memref<10000xi32, #tpu.memory_space<hbm>>
      %dma_wait3A_18 = tpu.memref_slice %arg2[%mul3A_8] : memref<320000xi32, #tpu.memory_space<hbm>> -> memref<10000xi32, #tpu.memory_space<hbm>>
      tpu.wait_dma2 semaphore(%run_scoped3A : memref<!tpu.dma_semaphore, #tpu.memory_space<semaphore_mem>>) src(%dma_wait3A_18 : memref<10000xi32, #tpu.memory_space<hbm>>) dst(%arg4 : memref<10000xi32, #tpu.memory_space<vmem>>)
      tpu.yield
    }) : () -> ()
    %broadcast_in_dim3A = arith.constant 1.000000e+00 : f32
    %broadcast_in_dim3A_9 = vector.broadcast %broadcast_in_dim3A : f32 to vector<16xf32>
    %scan3A_10 = arith.constant 0 : i32
    %scan3A_11 = arith.constant 0 : i32
    %scan3A_12 = arith.constant 625 : i32
    %scan3A_13 = arith.addi %scan3A_11, %scan3A_12 : i32
    %scan3A_14 = arith.constant 1 : i32
    %scan3A_15 = scf.for %scan3A_17 = %scan3A_11 to %scan3A_13 step %scan3A_14 iter_args(%scan3A_18 = %scan3A_10) -> (i32)  : i32 {
      %mul3A_19 = arith.constant 16 : i32
      %mul3A_20 = arith.muli %scan3A_17, %mul3A_19 : i32
      %get3A = arith.index_cast %mul3A_20 : i32 to index
      %get3A_21 = tpu.vector_load %arg4[%get3A] {strides = array<i32>} : memref<10000xi32, #tpu.memory_space<vmem>>, vector<16xi32>,
      tpu.vector_store_idx %arg5[%get3A_21], %broadcast_in_dim3A_9 {add = true} : memref<10112xf32, #tpu.memory_space<vmem>>[vector<16xi32>], vector<16xf32>,
      %scan3A_22 = arith.constant 0 : i32
      scf.yield %scan3A_22 : i32
    }
    %scan3A_16 = arith.constant 625 : i32
    "tpu.region"() ({
      %run_scoped3A = tpu.sem_alloc : memref<!tpu.dma_semaphore, #tpu.memory_space<semaphore_mem>>
      %dma_start3A = arith.constant 0 : i32
      %dma_start3A_17 = tpu.memref_slice %arg3[%add3A, %dma_start3A] : memref<32x10112xf32, #tpu.memory_space<hbm>> -> memref<1x10112xf32, #tpu.memory_space<hbm>>
      %dma_start3A_18 = tpu.memref_squeeze %dma_start3A_17 : memref<1x10112xf32, #tpu.memory_space<hbm>> -> memref<10112xf32, #tpu.memory_space<hbm>>
      %dma_start3A_19 = arith.constant 0 : i32
      %dma_start3A_20 = tpu.memref_slice %arg3[%add3A, %dma_start3A_19] : memref<32x10112xf32, #tpu.memory_space<hbm>> -> memref<1x10112xf32, #tpu.memory_space<hbm>>
      %dma_start3A_21 = tpu.memref_squeeze %dma_start3A_20 : memref<1x10112xf32, #tpu.memory_space<hbm>> -> memref<10112xf32, #tpu.memory_space<hbm>>
      tpu.enqueue_dma source(%arg5 : memref<10112xf32, #tpu.memory_space<vmem>>) target(%dma_start3A_21 : memref<10112xf32, #tpu.memory_space<hbm>>) target_semaphore(%run_scoped3A : memref<!tpu.dma_semaphore, #tpu.memory_space<semaphore_mem>>)
      %dma_wait3A = arith.constant 0 : i32
      %dma_wait3A_22 = tpu.memref_slice %arg3[%add3A, %dma_wait3A] : memref<32x10112xf32, #tpu.memory_space<hbm>> -> memref<1x10112xf32, #tpu.memory_space<hbm>>
      %dma_wait3A_23 = tpu.memref_squeeze %dma_wait3A_22 : memref<1x10112xf32, #tpu.memory_space<hbm>> -> memref<10112xf32, #tpu.memory_space<hbm>>
      %dma_wait3A_24 = arith.constant 0 : i32
      %dma_wait3A_25 = tpu.memref_slice %arg3[%add3A, %dma_wait3A_24] : memref<32x10112xf32, #tpu.memory_space<hbm>> -> memref<1x10112xf32, #tpu.memory_space<hbm>>
      %dma_wait3A_26 = tpu.memref_squeeze %dma_wait3A_25 : memref<1x10112xf32, #tpu.memory_space<hbm>> -> memref<10112xf32, #tpu.memory_space<hbm>>
      tpu.wait_dma2 semaphore(%run_scoped3A : memref<!tpu.dma_semaphore, #tpu.memory_space<semaphore_mem>>) src(%arg5 : memref<10112xf32, #tpu.memory_space<vmem>>) dst(%dma_wait3A_26 : memref<10112xf32, #tpu.memory_space<hbm>>)
      tpu.yield
    }) : () -> ()
    return
  }
}

#map = affine_map<(d0, d1) -> (0, 0)>
module attributes {stable_mosaic.version = 14 : i64} {
  func.func @prop_kernel(%arg0: i32, %arg1: i32, %arg2: memref<20000x64xf32, #tpu.memory_space<hbm>>, %arg3: memref<2560x125xi32, #tpu.memory_space<hbm>>, %arg4: memref<2560x125xi32, #tpu.memory_space<hbm>>, %arg5: memref<2560x125xi32, #tpu.memory_space<hbm>>, %arg6: memref<20224x64xf32, #tpu.memory_space<hbm>>, %arg7: memref<160x125xi32, #tpu.memory_space<vmem>>, %arg8: memref<160x125xi32, #tpu.memory_space<vmem>>, %arg9: memref<125x64xf32, #tpu.memory_space<vmem>>, %arg10: memref<125x64xf32, #tpu.memory_space<vmem>>, %arg11: memref<125x64xf32, #tpu.memory_space<vmem>>, %arg12: memref<125x64xf32, #tpu.memory_space<vmem>>, %arg13: memref<128x64xf32, #tpu.memory_space<vmem>>, %arg14: memref<10112x64xf32, #tpu.memory_space<vmem_shared>>, %arg15: memref<!tpu.dma_semaphore, #tpu.memory_space<semaphore_mem>>, %arg16: memref<!tpu.dma_semaphore, #tpu.memory_space<semaphore_mem>>, %arg17: memref<!tpu.dma_semaphore, #tpu.memory_space<semaphore_mem>>, %arg18: memref<!tpu.dma_semaphore, #tpu.memory_space<semaphore_mem>>, %arg19: memref<!tpu.dma_semaphore, #tpu.memory_space<semaphore_mem>>, %arg20: memref<!tpu.dma_semaphore, #tpu.memory_space<semaphore_mem>>, %arg21: memref<!tpu.dma_semaphore, #tpu.memory_space<semaphore_mem>>, %arg22: memref<!tpu.dma_semaphore, #tpu.memory_space<semaphore_mem>>) attributes {dimension_semantics = [#tpu.dimension_semantics<core_parallel>, #tpu.dimension_semantics<subcore_parallel>], iteration_bounds = array<i64: 2, 16>, scalar_prefetch = 0 : i64, scratch_operands = 16 : i64, tpu.core_type = #tpu.core_type<sc_vector_subcore>, window_params = [{transform_indices = #map}, {transform_indices = #map}, {transform_indices = #map}, {transform_indices = #map}, {transform_indices = #map}]} {
    %mul3A = arith.constant 632 : i32
    %mul3A_0 = arith.muli %arg1, %mul3A : i32
    %eq3A = arith.constant 0 : i32
    %eq3A_1 = arith.cmpi eq, %arg0, %eq3A : i32
    %convert_element_type3A = arith.extui %eq3A_1 : i1 to i32
    %cond3A = arith.constant 0 : i32
    %cond3A_2 = arith.cmpi ne, %convert_element_type3A, %cond3A : i32
    scf.if %cond3A_2 {
      %mul3A_62 = arith.constant 160 : i32
      %mul3A_63 = arith.muli %arg1, %mul3A_62 : i32
      "tpu.region"() ({
        %run_scoped3A = tpu.sem_alloc : memref<!tpu.dma_semaphore, #tpu.memory_space<semaphore_mem>>
        %dma_start3A_64 = arith.constant 0 : i32
        %dma_start3A_65 = tpu.memref_slice %arg3[%mul3A_63, %dma_start3A_64] : memref<2560x125xi32, #tpu.memory_space<hbm>> -> memref<160x125xi32, #tpu.memory_space<hbm>>
        %dma_start3A_66 = arith.constant 0 : i32
        %dma_start3A_67 = tpu.memref_slice %arg3[%mul3A_63, %dma_start3A_66] : memref<2560x125xi32, #tpu.memory_space<hbm>> -> memref<160x125xi32, #tpu.memory_space<hbm>>
        tpu.enqueue_dma source(%dma_start3A_67 : memref<160x125xi32, #tpu.memory_space<hbm>>) target(%arg7 : memref<160x125xi32, #tpu.memory_space<vmem>>) target_semaphore(%run_scoped3A : memref<!tpu.dma_semaphore, #tpu.memory_space<semaphore_mem>>)
        %dma_wait3A_68 = arith.constant 0 : i32
        %dma_wait3A_69 = tpu.memref_slice %arg3[%mul3A_63, %dma_wait3A_68] : memref<2560x125xi32, #tpu.memory_space<hbm>> -> memref<160x125xi32, #tpu.memory_space<hbm>>
        %dma_wait3A_70 = arith.constant 0 : i32
        %dma_wait3A_71 = tpu.memref_slice %arg3[%mul3A_63, %dma_wait3A_70] : memref<2560x125xi32, #tpu.memory_space<hbm>> -> memref<160x125xi32, #tpu.memory_space<hbm>>
        tpu.wait_dma2 semaphore(%run_scoped3A : memref<!tpu.dma_semaphore, #tpu.memory_space<semaphore_mem>>) src(%dma_wait3A_71 : memref<160x125xi32, #tpu.memory_space<hbm>>) dst(%arg7 : memref<160x125xi32, #tpu.memory_space<vmem>>)
        tpu.yield
      }) : () -> ()
    } else {
    }
    %eq3A_3 = arith.constant 1 : i32
    %eq3A_4 = arith.cmpi eq, %arg0, %eq3A_3 : i32
    %convert_element_type3A_5 = arith.extui %eq3A_4 : i1 to i32
    %cond3A_6 = arith.constant 0 : i32
    %cond3A_7 = arith.cmpi ne, %convert_element_type3A_5, %cond3A_6 : i32
    scf.if %cond3A_7 {
      %mul3A_62 = arith.constant 160 : i32
      %mul3A_63 = arith.muli %arg1, %mul3A_62 : i32
      "tpu.region"() ({
        %run_scoped3A = tpu.sem_alloc : memref<!tpu.dma_semaphore, #tpu.memory_space<semaphore_mem>>
        %dma_start3A_64 = arith.constant 0 : i32
        %dma_start3A_65 = tpu.memref_slice %arg4[%mul3A_63, %dma_start3A_64] : memref<2560x125xi32, #tpu.memory_space<hbm>> -> memref<160x125xi32, #tpu.memory_space<hbm>>
        %dma_start3A_66 = arith.constant 0 : i32
        %dma_start3A_67 = tpu.memref_slice %arg4[%mul3A_63, %dma_start3A_66] : memref<2560x125xi32, #tpu.memory_space<hbm>> -> memref<160x125xi32, #tpu.memory_space<hbm>>
        tpu.enqueue_dma source(%dma_start3A_67 : memref<160x125xi32, #tpu.memory_space<hbm>>) target(%arg7 : memref<160x125xi32, #tpu.memory_space<vmem>>) target_semaphore(%run_scoped3A : memref<!tpu.dma_semaphore, #tpu.memory_space<semaphore_mem>>)
        %dma_wait3A_68 = arith.constant 0 : i32
        %dma_wait3A_69 = tpu.memref_slice %arg4[%mul3A_63, %dma_wait3A_68] : memref<2560x125xi32, #tpu.memory_space<hbm>> -> memref<160x125xi32, #tpu.memory_space<hbm>>
        %dma_wait3A_70 = arith.constant 0 : i32
        %dma_wait3A_71 = tpu.memref_slice %arg4[%mul3A_63, %dma_wait3A_70] : memref<2560x125xi32, #tpu.memory_space<hbm>> -> memref<160x125xi32, #tpu.memory_space<hbm>>
        tpu.wait_dma2 semaphore(%run_scoped3A : memref<!tpu.dma_semaphore, #tpu.memory_space<semaphore_mem>>) src(%dma_wait3A_71 : memref<160x125xi32, #tpu.memory_space<hbm>>) dst(%arg7 : memref<160x125xi32, #tpu.memory_space<vmem>>)
        tpu.yield
      }) : () -> ()
    } else {
    }
    %mul3A_8 = arith.constant 160 : i32
    %mul3A_9 = arith.muli %arg1, %mul3A_8 : i32
    "tpu.region"() ({
      %run_scoped3A = tpu.sem_alloc : memref<!tpu.dma_semaphore, #tpu.memory_space<semaphore_mem>>
      %dma_start3A_62 = arith.constant 0 : i32
      %dma_start3A_63 = tpu.memref_slice %arg5[%mul3A_9, %dma_start3A_62] : memref<2560x125xi32, #tpu.memory_space<hbm>> -> memref<160x125xi32, #tpu.memory_space<hbm>>
      %dma_start3A_64 = arith.constant 0 : i32
      %dma_start3A_65 = tpu.memref_slice %arg5[%mul3A_9, %dma_start3A_64] : memref<2560x125xi32, #tpu.memory_space<hbm>> -> memref<160x125xi32, #tpu.memory_space<hbm>>
      tpu.enqueue_dma source(%dma_start3A_65 : memref<160x125xi32, #tpu.memory_space<hbm>>) target(%arg8 : memref<160x125xi32, #tpu.memory_space<vmem>>) target_semaphore(%run_scoped3A : memref<!tpu.dma_semaphore, #tpu.memory_space<semaphore_mem>>)
      %dma_wait3A_66 = arith.constant 0 : i32
      %dma_wait3A_67 = tpu.memref_slice %arg5[%mul3A_9, %dma_wait3A_66] : memref<2560x125xi32, #tpu.memory_space<hbm>> -> memref<160x125xi32, #tpu.memory_space<hbm>>
      %dma_wait3A_68 = arith.constant 0 : i32
      %dma_wait3A_69 = tpu.memref_slice %arg5[%mul3A_9, %dma_wait3A_68] : memref<2560x125xi32, #tpu.memory_space<hbm>> -> memref<160x125xi32, #tpu.memory_space<hbm>>
      tpu.wait_dma2 semaphore(%run_scoped3A : memref<!tpu.dma_semaphore, #tpu.memory_space<semaphore_mem>>) src(%dma_wait3A_69 : memref<160x125xi32, #tpu.memory_space<hbm>>) dst(%arg8 : memref<160x125xi32, #tpu.memory_space<vmem>>)
      tpu.yield
    }) : () -> ()
    %dma_start3A = arith.constant 0 : i32
    %dma_start3A_10 = arith.constant 0 : i32
    %dma_start3A_11 = tpu.memref_slice %arg7[%dma_start3A, %dma_start3A_10] : memref<160x125xi32, #tpu.memory_space<vmem>> -> memref<1x125xi32, #tpu.memory_space<vmem>>
    %dma_start3A_12 = tpu.memref_squeeze %dma_start3A_11 : memref<1x125xi32, #tpu.memory_space<vmem>> -> memref<125xi32, #tpu.memory_space<vmem>>
    %dma_start3A_13 = arith.constant 0 : i32
    %dma_start3A_14 = arith.constant 0 : i32
    %dma_start3A_15 = tpu.memref_slice %arg2[%dma_start3A_13, %dma_start3A_14] : memref<20000x64xf32, #tpu.memory_space<hbm>> -> memref<20000x64xf32, #tpu.memory_space<hbm>>
    tpu.enqueue_indirect_dma source(%dma_start3A_15 : memref<20000x64xf32, #tpu.memory_space<hbm>>) target(%arg9 : memref<125x64xf32, #tpu.memory_space<vmem>>) offsets(%dma_start3A_12 : memref<125xi32, #tpu.memory_space<vmem>>) semaphore(%arg15 : memref<!tpu.dma_semaphore, #tpu.memory_space<semaphore_mem>>)
    %dma_start3A_16 = arith.constant 1 : i32
    %dma_start3A_17 = arith.constant 0 : i32
    %dma_start3A_18 = tpu.memref_slice %arg7[%dma_start3A_16, %dma_start3A_17] : memref<160x125xi32, #tpu.memory_space<vmem>> -> memref<1x125xi32, #tpu.memory_space<vmem>>
    %dma_start3A_19 = tpu.memref_squeeze %dma_start3A_18 : memref<1x125xi32, #tpu.memory_space<vmem>> -> memref<125xi32, #tpu.memory_space<vmem>>
    %dma_start3A_20 = arith.constant 0 : i32
    %dma_start3A_21 = arith.constant 0 : i32
    %dma_start3A_22 = tpu.memref_slice %arg2[%dma_start3A_20, %dma_start3A_21] : memref<20000x64xf32, #tpu.memory_space<hbm>> -> memref<20000x64xf32, #tpu.memory_space<hbm>>
    tpu.enqueue_indirect_dma source(%dma_start3A_22 : memref<20000x64xf32, #tpu.memory_space<hbm>>) target(%arg10 : memref<125x64xf32, #tpu.memory_space<vmem>>) offsets(%dma_start3A_19 : memref<125xi32, #tpu.memory_space<vmem>>) semaphore(%arg16 : memref<!tpu.dma_semaphore, #tpu.memory_space<semaphore_mem>>)
    %scan3A = arith.constant 0 : i32
    %scan3A_23 = arith.constant 0 : i32
    %scan3A_24 = arith.constant 128 : i32
    %scan3A_25 = arith.addi %scan3A_23, %scan3A_24 : i32
    %scan3A_26 = arith.constant 1 : i32
    %scan3A_27 = scf.for %scan3A_62 = %scan3A_23 to %scan3A_25 step %scan3A_26 iter_args(%scan3A_63 = %scan3A) -> (i32)  : i32 {
      %broadcast_in_dim3A = arith.constant 0.000000e+00 : f32
      %broadcast_in_dim3A_64 = vector.broadcast %broadcast_in_dim3A : f32 to vector<16xf32>
      %swap3A = arith.index_cast %scan3A_62 : i32 to index
      %swap3A_65 = arith.constant 0 : index
      %swap3A_66 = tpu.vector_load %arg13[%swap3A, %swap3A_65] {strides = array<i32>} : memref<128x64xf32, #tpu.memory_space<vmem>>, vector<1x16xf32>,
      %swap3A_67 = vector.shape_cast %swap3A_66 : vector<1x16xf32> to vector<16xf32>
      %swap3A_68 = vector.shape_cast %broadcast_in_dim3A_64 : vector<16xf32> to vector<1x16xf32>
      tpu.vector_store %arg13[%swap3A, %swap3A_65], %swap3A_68 {strides = array<i32>} : memref<128x64xf32, #tpu.memory_space<vmem>>, vector<1x16xf32>,
      %broadcast_in_dim3A_69 = arith.constant 0.000000e+00 : f32
      %broadcast_in_dim3A_70 = vector.broadcast %broadcast_in_dim3A_69 : f32 to vector<16xf32>
      %swap3A_71 = arith.index_cast %scan3A_62 : i32 to index
      %swap3A_72 = arith.constant 16 : index
      %swap3A_73 = tpu.vector_load %arg13[%swap3A_71, %swap3A_72] {strides = array<i32>} : memref<128x64xf32, #tpu.memory_space<vmem>>, vector<1x16xf32>,
      %swap3A_74 = vector.shape_cast %swap3A_73 : vector<1x16xf32> to vector<16xf32>
      %swap3A_75 = vector.shape_cast %broadcast_in_dim3A_70 : vector<16xf32> to vector<1x16xf32>
      tpu.vector_store %arg13[%swap3A_71, %swap3A_72], %swap3A_75 {strides = array<i32>} : memref<128x64xf32, #tpu.memory_space<vmem>>, vector<1x16xf32>,
      %broadcast_in_dim3A_76 = arith.constant 0.000000e+00 : f32
      %broadcast_in_dim3A_77 = vector.broadcast %broadcast_in_dim3A_76 : f32 to vector<16xf32>
      %swap3A_78 = arith.index_cast %scan3A_62 : i32 to index
      %swap3A_79 = arith.constant 32 : index
      %swap3A_80 = tpu.vector_load %arg13[%swap3A_78, %swap3A_79] {strides = array<i32>} : memref<128x64xf32, #tpu.memory_space<vmem>>, vector<1x16xf32>,
      %swap3A_81 = vector.shape_cast %swap3A_80 : vector<1x16xf32> to vector<16xf32>
      %swap3A_82 = vector.shape_cast %broadcast_in_dim3A_77 : vector<16xf32> to vector<1x16xf32>
      tpu.vector_store %arg13[%swap3A_78, %swap3A_79], %swap3A_82 {strides = array<i32>} : memref<128x64xf32, #tpu.memory_space<vmem>>, vector<1x16xf32>,
      %broadcast_in_dim3A_83 = arith.constant 0.000000e+00 : f32
      %broadcast_in_dim3A_84 = vector.broadcast %broadcast_in_dim3A_83 : f32 to vector<16xf32>
      %swap3A_85 = arith.index_cast %scan3A_62 : i32 to index
      %swap3A_86 = arith.constant 48 : index
      %swap3A_87 = tpu.vector_load %arg13[%swap3A_85, %swap3A_86] {strides = array<i32>} : memref<128x64xf32, #tpu.memory_space<vmem>>, vector<1x16xf32>,
      %swap3A_88 = vector.shape_cast %swap3A_87 : vector<1x16xf32> to vector<16xf32>
      %swap3A_89 = vector.shape_cast %broadcast_in_dim3A_84 : vector<16xf32> to vector<1x16xf32>
      tpu.vector_store %arg13[%swap3A_85, %swap3A_86], %swap3A_89 {strides = array<i32>} : memref<128x64xf32, #tpu.memory_space<vmem>>, vector<1x16xf32>,
      %scan3A_90 = arith.constant 0 : i32
      scf.yield %scan3A_90 : i32
    }
    %scan3A_28 = arith.constant 128 : i32
    %add3A = arith.constant 0 : i32
    %add3A_29 = arith.addi %mul3A_0, %add3A : i32
    "tpu.region"() ({
      %run_scoped3A = tpu.sem_alloc : memref<!tpu.dma_semaphore, #tpu.memory_space<semaphore_mem>>
      %dma_start3A_62 = arith.constant 0 : i32
      %dma_start3A_63 = tpu.memref_slice %arg14[%add3A_29, %dma_start3A_62] : memref<10112x64xf32, #tpu.memory_space<vmem_shared>> -> memref<128x64xf32, #tpu.memory_space<vmem_shared>>
      %dma_start3A_64 = arith.constant 0 : i32
      %dma_start3A_65 = tpu.memref_slice %arg14[%add3A_29, %dma_start3A_64] : memref<10112x64xf32, #tpu.memory_space<vmem_shared>> -> memref<128x64xf32, #tpu.memory_space<vmem_shared>>
      tpu.enqueue_dma source(%arg13 : memref<128x64xf32, #tpu.memory_space<vmem>>) target(%dma_start3A_65 : memref<128x64xf32, #tpu.memory_space<vmem_shared>>) target_semaphore(%run_scoped3A : memref<!tpu.dma_semaphore, #tpu.memory_space<semaphore_mem>>)
      %dma_wait3A_66 = arith.constant 0 : i32
      %dma_wait3A_67 = tpu.memref_slice %arg14[%add3A_29, %dma_wait3A_66] : memref<10112x64xf32, #tpu.memory_space<vmem_shared>> -> memref<128x64xf32, #tpu.memory_space<vmem_shared>>
      %dma_wait3A_68 = arith.constant 0 : i32
      %dma_wait3A_69 = tpu.memref_slice %arg14[%add3A_29, %dma_wait3A_68] : memref<10112x64xf32, #tpu.memory_space<vmem_shared>> -> memref<128x64xf32, #tpu.memory_space<vmem_shared>>
      tpu.wait_dma2 semaphore(%run_scoped3A : memref<!tpu.dma_semaphore, #tpu.memory_space<semaphore_mem>>) src(%arg13 : memref<128x64xf32, #tpu.memory_space<vmem>>) dst(%dma_wait3A_69 : memref<128x64xf32, #tpu.memory_space<vmem_shared>>)
      tpu.yield
    }) : () -> ()
    %add3A_30 = arith.constant 128 : i32
    %add3A_31 = arith.addi %mul3A_0, %add3A_30 : i32
    "tpu.region"() ({
      %run_scoped3A = tpu.sem_alloc : memref<!tpu.dma_semaphore, #tpu.memory_space<semaphore_mem>>
      %dma_start3A_62 = arith.constant 0 : i32
      %dma_start3A_63 = tpu.memref_slice %arg14[%add3A_31, %dma_start3A_62] : memref<10112x64xf32, #tpu.memory_space<vmem_shared>> -> memref<128x64xf32, #tpu.memory_space<vmem_shared>>
      %dma_start3A_64 = arith.constant 0 : i32
      %dma_start3A_65 = tpu.memref_slice %arg14[%add3A_31, %dma_start3A_64] : memref<10112x64xf32, #tpu.memory_space<vmem_shared>> -> memref<128x64xf32, #tpu.memory_space<vmem_shared>>
      tpu.enqueue_dma source(%arg13 : memref<128x64xf32, #tpu.memory_space<vmem>>) target(%dma_start3A_65 : memref<128x64xf32, #tpu.memory_space<vmem_shared>>) target_semaphore(%run_scoped3A : memref<!tpu.dma_semaphore, #tpu.memory_space<semaphore_mem>>)
      %dma_wait3A_66 = arith.constant 0 : i32
      %dma_wait3A_67 = tpu.memref_slice %arg14[%add3A_31, %dma_wait3A_66] : memref<10112x64xf32, #tpu.memory_space<vmem_shared>> -> memref<128x64xf32, #tpu.memory_space<vmem_shared>>
      %dma_wait3A_68 = arith.constant 0 : i32
      %dma_wait3A_69 = tpu.memref_slice %arg14[%add3A_31, %dma_wait3A_68] : memref<10112x64xf32, #tpu.memory_space<vmem_shared>> -> memref<128x64xf32, #tpu.memory_space<vmem_shared>>
      tpu.wait_dma2 semaphore(%run_scoped3A : memref<!tpu.dma_semaphore, #tpu.memory_space<semaphore_mem>>) src(%arg13 : memref<128x64xf32, #tpu.memory_space<vmem>>) dst(%dma_wait3A_69 : memref<128x64xf32, #tpu.memory_space<vmem_shared>>)
      tpu.yield
    }) : () -> ()
    %add3A_32 = arith.constant 256 : i32
    %add3A_33 = arith.addi %mul3A_0, %add3A_32 : i32
    "tpu.region"() ({
      %run_scoped3A = tpu.sem_alloc : memref<!tpu.dma_semaphore, #tpu.memory_space<semaphore_mem>>
      %dma_start3A_62 = arith.constant 0 : i32
      %dma_start3A_63 = tpu.memref_slice %arg14[%add3A_33, %dma_start3A_62] : memref<10112x64xf32, #tpu.memory_space<vmem_shared>> -> memref<128x64xf32, #tpu.memory_space<vmem_shared>>
      %dma_start3A_64 = arith.constant 0 : i32
      %dma_start3A_65 = tpu.memref_slice %arg14[%add3A_33, %dma_start3A_64] : memref<10112x64xf32, #tpu.memory_space<vmem_shared>> -> memref<128x64xf32, #tpu.memory_space<vmem_shared>>
      tpu.enqueue_dma source(%arg13 : memref<128x64xf32, #tpu.memory_space<vmem>>) target(%dma_start3A_65 : memref<128x64xf32, #tpu.memory_space<vmem_shared>>) target_semaphore(%run_scoped3A : memref<!tpu.dma_semaphore, #tpu.memory_space<semaphore_mem>>)
      %dma_wait3A_66 = arith.constant 0 : i32
      %dma_wait3A_67 = tpu.memref_slice %arg14[%add3A_33, %dma_wait3A_66] : memref<10112x64xf32, #tpu.memory_space<vmem_shared>> -> memref<128x64xf32, #tpu.memory_space<vmem_shared>>
      %dma_wait3A_68 = arith.constant 0 : i32
      %dma_wait3A_69 = tpu.memref_slice %arg14[%add3A_33, %dma_wait3A_68] : memref<10112x64xf32, #tpu.memory_space<vmem_shared>> -> memref<128x64xf32, #tpu.memory_space<vmem_shared>>
      tpu.wait_dma2 semaphore(%run_scoped3A : memref<!tpu.dma_semaphore, #tpu.memory_space<semaphore_mem>>) src(%arg13 : memref<128x64xf32, #tpu.memory_space<vmem>>) dst(%dma_wait3A_69 : memref<128x64xf32, #tpu.memory_space<vmem_shared>>)
      tpu.yield
    }) : () -> ()
    %add3A_34 = arith.constant 384 : i32
    %add3A_35 = arith.addi %mul3A_0, %add3A_34 : i32
    "tpu.region"() ({
      %run_scoped3A = tpu.sem_alloc : memref<!tpu.dma_semaphore, #tpu.memory_space<semaphore_mem>>
      %dma_start3A_62 = arith.constant 0 : i32
      %dma_start3A_63 = tpu.memref_slice %arg14[%add3A_35, %dma_start3A_62] : memref<10112x64xf32, #tpu.memory_space<vmem_shared>> -> memref<128x64xf32, #tpu.memory_space<vmem_shared>>
      %dma_start3A_64 = arith.constant 0 : i32
      %dma_start3A_65 = tpu.memref_slice %arg14[%add3A_35, %dma_start3A_64] : memref<10112x64xf32, #tpu.memory_space<vmem_shared>> -> memref<128x64xf32, #tpu.memory_space<vmem_shared>>
      tpu.enqueue_dma source(%arg13 : memref<128x64xf32, #tpu.memory_space<vmem>>) target(%dma_start3A_65 : memref<128x64xf32, #tpu.memory_space<vmem_shared>>) target_semaphore(%run_scoped3A : memref<!tpu.dma_semaphore, #tpu.memory_space<semaphore_mem>>)
      %dma_wait3A_66 = arith.constant 0 : i32
      %dma_wait3A_67 = tpu.memref_slice %arg14[%add3A_35, %dma_wait3A_66] : memref<10112x64xf32, #tpu.memory_space<vmem_shared>> -> memref<128x64xf32, #tpu.memory_space<vmem_shared>>
      %dma_wait3A_68 = arith.constant 0 : i32
      %dma_wait3A_69 = tpu.memref_slice %arg14[%add3A_35, %dma_wait3A_68] : memref<10112x64xf32, #tpu.memory_space<vmem_shared>> -> memref<128x64xf32, #tpu.memory_space<vmem_shared>>
      tpu.wait_dma2 semaphore(%run_scoped3A : memref<!tpu.dma_semaphore, #tpu.memory_space<semaphore_mem>>) src(%arg13 : memref<128x64xf32, #tpu.memory_space<vmem>>) dst(%dma_wait3A_69 : memref<128x64xf32, #tpu.memory_space<vmem_shared>>)
      tpu.yield
    }) : () -> ()
    %add3A_36 = arith.constant 512 : i32
    %add3A_37 = arith.addi %mul3A_0, %add3A_36 : i32
    "tpu.region"() ({
      %run_scoped3A = tpu.sem_alloc : memref<!tpu.dma_semaphore, #tpu.memory_space<semaphore_mem>>
      %dma_start3A_62 = arith.constant 0 : i32
      %dma_start3A_63 = arith.constant 0 : i32
      %dma_start3A_64 = tpu.memref_slice %arg13[%dma_start3A_62, %dma_start3A_63] : memref<128x64xf32, #tpu.memory_space<vmem>> -> memref<120x64xf32, #tpu.memory_space<vmem>>
      %dma_start3A_65 = arith.constant 0 : i32
      %dma_start3A_66 = tpu.memref_slice %arg14[%add3A_37, %dma_start3A_65] : memref<10112x64xf32, #tpu.memory_space<vmem_shared>> -> memref<120x64xf32, #tpu.memory_space<vmem_shared>>
      %dma_start3A_67 = arith.constant 0 : i32
      %dma_start3A_68 = tpu.memref_slice %arg14[%add3A_37, %dma_start3A_67] : memref<10112x64xf32, #tpu.memory_space<vmem_shared>> -> memref<120x64xf32, #tpu.memory_space<vmem_shared>>
      %dma_start3A_69 = arith.constant 0 : i32
      %dma_start3A_70 = arith.constant 0 : i32
      %dma_start3A_71 = tpu.memref_slice %arg13[%dma_start3A_69, %dma_start3A_70] : memref<128x64xf32, #tpu.memory_space<vmem>> -> memref<120x64xf32, #tpu.memory_space<vmem>>
      tpu.enqueue_dma source(%dma_start3A_71 : memref<120x64xf32, #tpu.memory_space<vmem>>) target(%dma_start3A_68 : memref<120x64xf32, #tpu.memory_space<vmem_shared>>) target_semaphore(%run_scoped3A : memref<!tpu.dma_semaphore, #tpu.memory_space<semaphore_mem>>)
      %dma_wait3A_72 = arith.constant 0 : i32
      %dma_wait3A_73 = arith.constant 0 : i32
      %dma_wait3A_74 = tpu.memref_slice %arg13[%dma_wait3A_72, %dma_wait3A_73] : memref<128x64xf32, #tpu.memory_space<vmem>> -> memref<120x64xf32, #tpu.memory_space<vmem>>
      %dma_wait3A_75 = arith.constant 0 : i32
      %dma_wait3A_76 = tpu.memref_slice %arg14[%add3A_37, %dma_wait3A_75] : memref<10112x64xf32, #tpu.memory_space<vmem_shared>> -> memref<120x64xf32, #tpu.memory_space<vmem_shared>>
      %dma_wait3A_77 = arith.constant 0 : i32
      %dma_wait3A_78 = tpu.memref_slice %arg14[%add3A_37, %dma_wait3A_77] : memref<10112x64xf32, #tpu.memory_space<vmem_shared>> -> memref<120x64xf32, #tpu.memory_space<vmem_shared>>
      %dma_wait3A_79 = arith.constant 0 : i32
      %dma_wait3A_80 = arith.constant 0 : i32
      %dma_wait3A_81 = tpu.memref_slice %arg13[%dma_wait3A_79, %dma_wait3A_80] : memref<128x64xf32, #tpu.memory_space<vmem>> -> memref<120x64xf32, #tpu.memory_space<vmem>>
      tpu.wait_dma2 semaphore(%run_scoped3A : memref<!tpu.dma_semaphore, #tpu.memory_space<semaphore_mem>>) src(%dma_wait3A_81 : memref<120x64xf32, #tpu.memory_space<vmem>>) dst(%dma_wait3A_78 : memref<120x64xf32, #tpu.memory_space<vmem_shared>>)
      tpu.yield
    }) : () -> ()
    %barrier3A = arith.constant 0 : index
    tpu.barrier barrier_id(%barrier3A)
    %scan3A_38 = arith.constant 0 : i32
    %scan3A_39 = arith.constant 0 : i32
    %scan3A_40 = arith.constant 40 : i32
    %scan3A_41 = arith.addi %scan3A_39, %scan3A_40 : i32
    %scan3A_42 = arith.constant 1 : i32
    %scan3A_43 = scf.for %scan3A_62 = %scan3A_39 to %scan3A_41 step %scan3A_42 iter_args(%scan3A_63 = %scan3A_38) -> (i32)  : i32 {
      %mul3A_64 = arith.constant 4 : i32
      %mul3A_65 = arith.muli %mul3A_64, %scan3A_62 : i32
      %add3A_66 = arith.constant 0 : i32
      %add3A_67 = arith.addi %mul3A_65, %add3A_66 : i32
      %ge3A = arith.constant 2 : i32
      %ge3A_68 = arith.cmpi sge, %add3A_67, %ge3A : i32
      %convert_element_type3A_69 = arith.extui %ge3A_68 : i1 to i32
      %cond3A_70 = arith.constant 0 : i32
      %cond3A_71 = arith.cmpi ne, %convert_element_type3A_69, %cond3A_70 : i32
      scf.if %cond3A_71 {
        %sub3A = arith.constant 2 : i32
        %sub3A_169 = arith.subi %add3A_67, %sub3A : i32
        %dma_wait3A_170 = arith.constant 0 : i32
        %dma_wait3A_171 = tpu.memref_slice %arg8[%sub3A_169, %dma_wait3A_170] : memref<160x125xi32, #tpu.memory_space<vmem>> -> memref<1x125xi32, #tpu.memory_space<vmem>>
        %dma_wait3A_172 = tpu.memref_squeeze %dma_wait3A_171 : memref<1x125xi32, #tpu.memory_space<vmem>> -> memref<125xi32, #tpu.memory_space<vmem>>
        %dma_wait3A_173 = arith.constant 0 : i32
        %dma_wait3A_174 = arith.constant 0 : i32
        %dma_wait3A_175 = tpu.memref_slice %arg14[%dma_wait3A_173, %dma_wait3A_174] : memref<10112x64xf32, #tpu.memory_space<vmem_shared>> -> memref<10112x64xf32, #tpu.memory_space<vmem_shared>>
        tpu.wait_indirect_dma semaphore(%arg21 : memref<!tpu.dma_semaphore, #tpu.memory_space<semaphore_mem>>) src(%arg11 : memref<125x64xf32, #tpu.memory_space<vmem>>) dst(%dma_wait3A_175 : memref<10112x64xf32, #tpu.memory_space<vmem_shared>>)
      } else {
      }
      %add3A_72 = arith.constant 2 : i32
      %add3A_73 = arith.addi %add3A_67, %add3A_72 : i32
      %lt3A = arith.constant 160 : i32
      %lt3A_74 = arith.cmpi slt, %add3A_73, %lt3A : i32
      %convert_element_type3A_75 = arith.extui %lt3A_74 : i1 to i32
      %cond3A_76 = arith.constant 0 : i32
      %cond3A_77 = arith.cmpi ne, %convert_element_type3A_75, %cond3A_76 : i32
      scf.if %cond3A_77 {
        %add3A_169 = arith.constant 2 : i32
        %add3A_170 = arith.addi %add3A_67, %add3A_169 : i32
        %dma_start3A_171 = arith.constant 0 : i32
        %dma_start3A_172 = tpu.memref_slice %arg7[%add3A_170, %dma_start3A_171] : memref<160x125xi32, #tpu.memory_space<vmem>> -> memref<1x125xi32, #tpu.memory_space<vmem>>
        %dma_start3A_173 = tpu.memref_squeeze %dma_start3A_172 : memref<1x125xi32, #tpu.memory_space<vmem>> -> memref<125xi32, #tpu.memory_space<vmem>>
        %dma_start3A_174 = arith.constant 0 : i32
        %dma_start3A_175 = arith.constant 0 : i32
        %dma_start3A_176 = tpu.memref_slice %arg2[%dma_start3A_174, %dma_start3A_175] : memref<20000x64xf32, #tpu.memory_space<hbm>> -> memref<20000x64xf32, #tpu.memory_space<hbm>>
        tpu.enqueue_indirect_dma source(%dma_start3A_176 : memref<20000x64xf32, #tpu.memory_space<hbm>>) target(%arg11 : memref<125x64xf32, #tpu.memory_space<vmem>>) offsets(%dma_start3A_173 : memref<125xi32, #tpu.memory_space<vmem>>) semaphore(%arg17 : memref<!tpu.dma_semaphore, #tpu.memory_space<semaphore_mem>>)
      } else {
      }
      %dma_wait3A_78 = arith.constant 0 : i32
      %dma_wait3A_79 = tpu.memref_slice %arg7[%add3A_67, %dma_wait3A_78] : memref<160x125xi32, #tpu.memory_space<vmem>> -> memref<1x125xi32, #tpu.memory_space<vmem>>
      %dma_wait3A_80 = tpu.memref_squeeze %dma_wait3A_79 : memref<1x125xi32, #tpu.memory_space<vmem>> -> memref<125xi32, #tpu.memory_space<vmem>>
      %dma_wait3A_81 = arith.constant 0 : i32
      %dma_wait3A_82 = arith.constant 0 : i32
      %dma_wait3A_83 = tpu.memref_slice %arg2[%dma_wait3A_81, %dma_wait3A_82] : memref<20000x64xf32, #tpu.memory_space<hbm>> -> memref<20000x64xf32, #tpu.memory_space<hbm>>
      tpu.wait_indirect_dma semaphore(%arg15 : memref<!tpu.dma_semaphore, #tpu.memory_space<semaphore_mem>>) src(%dma_wait3A_83 : memref<20000x64xf32, #tpu.memory_space<hbm>>) dst(%arg9 : memref<125x64xf32, #tpu.memory_space<vmem>>)
      %dma_start3A_84 = arith.constant 0 : i32
      %dma_start3A_85 = tpu.memref_slice %arg8[%add3A_67, %dma_start3A_84] : memref<160x125xi32, #tpu.memory_space<vmem>> -> memref<1x125xi32, #tpu.memory_space<vmem>>
      %dma_start3A_86 = tpu.memref_squeeze %dma_start3A_85 : memref<1x125xi32, #tpu.memory_space<vmem>> -> memref<125xi32, #tpu.memory_space<vmem>>
      %dma_start3A_87 = arith.constant 0 : i32
      %dma_start3A_88 = arith.constant 0 : i32
      %dma_start3A_89 = tpu.memref_slice %arg14[%dma_start3A_87, %dma_start3A_88] : memref<10112x64xf32, #tpu.memory_space<vmem_shared>> -> memref<10112x64xf32, #tpu.memory_space<vmem_shared>>
      tpu.enqueue_indirect_dma source(%arg9 : memref<125x64xf32, #tpu.memory_space<vmem>>) target(%dma_start3A_89 : memref<10112x64xf32, #tpu.memory_space<vmem_shared>>) offsets(%dma_start3A_86 : memref<125xi32, #tpu.memory_space<vmem>>) semaphore(%arg19 : memref<!tpu.dma_semaphore, #tpu.memory_space<semaphore_mem>>) {add = true}
      %add3A_90 = arith.constant 1 : i32
      %add3A_91 = arith.addi %mul3A_65, %add3A_90 : i32
      %ge3A_92 = arith.constant 2 : i32
      %ge3A_93 = arith.cmpi sge, %add3A_91, %ge3A_92 : i32
      %convert_element_type3A_94 = arith.extui %ge3A_93 : i1 to i32
      %cond3A_95 = arith.constant 0 : i32
      %cond3A_96 = arith.cmpi ne, %convert_element_type3A_94, %cond3A_95 : i32
      scf.if %cond3A_96 {
        %sub3A = arith.constant 2 : i32
        %sub3A_169 = arith.subi %add3A_91, %sub3A : i32
        %dma_wait3A_170 = arith.constant 0 : i32
        %dma_wait3A_171 = tpu.memref_slice %arg8[%sub3A_169, %dma_wait3A_170] : memref<160x125xi32, #tpu.memory_space<vmem>> -> memref<1x125xi32, #tpu.memory_space<vmem>>
        %dma_wait3A_172 = tpu.memref_squeeze %dma_wait3A_171 : memref<1x125xi32, #tpu.memory_space<vmem>> -> memref<125xi32, #tpu.memory_space<vmem>>
        %dma_wait3A_173 = arith.constant 0 : i32
        %dma_wait3A_174 = arith.constant 0 : i32
        %dma_wait3A_175 = tpu.memref_slice %arg14[%dma_wait3A_173, %dma_wait3A_174] : memref<10112x64xf32, #tpu.memory_space<vmem_shared>> -> memref<10112x64xf32, #tpu.memory_space<vmem_shared>>
        tpu.wait_indirect_dma semaphore(%arg22 : memref<!tpu.dma_semaphore, #tpu.memory_space<semaphore_mem>>) src(%arg12 : memref<125x64xf32, #tpu.memory_space<vmem>>) dst(%dma_wait3A_175 : memref<10112x64xf32, #tpu.memory_space<vmem_shared>>)
      } else {
      }
      %add3A_97 = arith.constant 2 : i32
      %add3A_98 = arith.addi %add3A_91, %add3A_97 : i32
      %lt3A_99 = arith.constant 160 : i32
      %lt3A_100 = arith.cmpi slt, %add3A_98, %lt3A_99 : i32
      %convert_element_type3A_101 = arith.extui %lt3A_100 : i1 to i32
      %cond3A_102 = arith.constant 0 : i32
      %cond3A_103 = arith.cmpi ne, %convert_element_type3A_101, %cond3A_102 : i32
      scf.if %cond3A_103 {
        %add3A_169 = arith.constant 2 : i32
        %add3A_170 = arith.addi %add3A_91, %add3A_169 : i32
        %dma_start3A_171 = arith.constant 0 : i32
        %dma_start3A_172 = tpu.memref_slice %arg7[%add3A_170, %dma_start3A_171] : memref<160x125xi32, #tpu.memory_space<vmem>> -> memref<1x125xi32, #tpu.memory_space<vmem>>
        %dma_start3A_173 = tpu.memref_squeeze %dma_start3A_172 : memref<1x125xi32, #tpu.memory_space<vmem>> -> memref<125xi32, #tpu.memory_space<vmem>>
        %dma_start3A_174 = arith.constant 0 : i32
        %dma_start3A_175 = arith.constant 0 : i32
        %dma_start3A_176 = tpu.memref_slice %arg2[%dma_start3A_174, %dma_start3A_175] : memref<20000x64xf32, #tpu.memory_space<hbm>> -> memref<20000x64xf32, #tpu.memory_space<hbm>>
        tpu.enqueue_indirect_dma source(%dma_start3A_176 : memref<20000x64xf32, #tpu.memory_space<hbm>>) target(%arg12 : memref<125x64xf32, #tpu.memory_space<vmem>>) offsets(%dma_start3A_173 : memref<125xi32, #tpu.memory_space<vmem>>) semaphore(%arg18 : memref<!tpu.dma_semaphore, #tpu.memory_space<semaphore_mem>>)
      } else {
      }
      %dma_wait3A_104 = arith.constant 0 : i32
      %dma_wait3A_105 = tpu.memref_slice %arg7[%add3A_91, %dma_wait3A_104] : memref<160x125xi32, #tpu.memory_space<vmem>> -> memref<1x125xi32, #tpu.memory_space<vmem>>
      %dma_wait3A_106 = tpu.memref_squeeze %dma_wait3A_105 : memref<1x125xi32, #tpu.memory_space<vmem>> -> memref<125xi32, #tpu.memory_space<vmem>>
      %dma_wait3A_107 = arith.constant 0 : i32
      %dma_wait3A_108 = arith.constant 0 : i32
      %dma_wait3A_109 = tpu.memref_slice %arg2[%dma_wait3A_107, %dma_wait3A_108] : memref<20000x64xf32, #tpu.memory_space<hbm>> -> memref<20000x64xf32, #tpu.memory_space<hbm>>
      tpu.wait_indirect_dma semaphore(%arg16 : memref<!tpu.dma_semaphore, #tpu.memory_space<semaphore_mem>>) src(%dma_wait3A_109 : memref<20000x64xf32, #tpu.memory_space<hbm>>) dst(%arg10 : memref<125x64xf32, #tpu.memory_space<vmem>>)
      %dma_start3A_110 = arith.constant 0 : i32
      %dma_start3A_111 = tpu.memref_slice %arg8[%add3A_91, %dma_start3A_110] : memref<160x125xi32, #tpu.memory_space<vmem>> -> memref<1x125xi32, #tpu.memory_space<vmem>>
      %dma_start3A_112 = tpu.memref_squeeze %dma_start3A_111 : memref<1x125xi32, #tpu.memory_space<vmem>> -> memref<125xi32, #tpu.memory_space<vmem>>
      %dma_start3A_113 = arith.constant 0 : i32
      %dma_start3A_114 = arith.constant 0 : i32
      %dma_start3A_115 = tpu.memref_slice %arg14[%dma_start3A_113, %dma_start3A_114] : memref<10112x64xf32, #tpu.memory_space<vmem_shared>> -> memref<10112x64xf32, #tpu.memory_space<vmem_shared>>
      tpu.enqueue_indirect_dma source(%arg10 : memref<125x64xf32, #tpu.memory_space<vmem>>) target(%dma_start3A_115 : memref<10112x64xf32, #tpu.memory_space<vmem_shared>>) offsets(%dma_start3A_112 : memref<125xi32, #tpu.memory_space<vmem>>) semaphore(%arg20 : memref<!tpu.dma_semaphore, #tpu.memory_space<semaphore_mem>>) {add = true}
      %add3A_116 = arith.constant 2 : i32
      %add3A_117 = arith.addi %mul3A_65, %add3A_116 : i32
      %ge3A_118 = arith.constant 2 : i32
      %ge3A_119 = arith.cmpi sge, %add3A_117, %ge3A_118 : i32
      %convert_element_type3A_120 = arith.extui %ge3A_119 : i1 to i32
      %cond3A_121 = arith.constant 0 : i32
      %cond3A_122 = arith.cmpi ne, %convert_element_type3A_120, %cond3A_121 : i32
      scf.if %cond3A_122 {
        %sub3A = arith.constant 2 : i32
        %sub3A_169 = arith.subi %add3A_117, %sub3A : i32
        %dma_wait3A_170 = arith.constant 0 : i32
        %dma_wait3A_171 = tpu.memref_slice %arg8[%sub3A_169, %dma_wait3A_170] : memref<160x125xi32, #tpu.memory_space<vmem>> -> memref<1x125xi32, #tpu.memory_space<vmem>>
        %dma_wait3A_172 = tpu.memref_squeeze %dma_wait3A_171 : memref<1x125xi32, #tpu.memory_space<vmem>> -> memref<125xi32, #tpu.memory_space<vmem>>
        %dma_wait3A_173 = arith.constant 0 : i32
        %dma_wait3A_174 = arith.constant 0 : i32
        %dma_wait3A_175 = tpu.memref_slice %arg14[%dma_wait3A_173, %dma_wait3A_174] : memref<10112x64xf32, #tpu.memory_space<vmem_shared>> -> memref<10112x64xf32, #tpu.memory_space<vmem_shared>>
        tpu.wait_indirect_dma semaphore(%arg19 : memref<!tpu.dma_semaphore, #tpu.memory_space<semaphore_mem>>) src(%arg9 : memref<125x64xf32, #tpu.memory_space<vmem>>) dst(%dma_wait3A_175 : memref<10112x64xf32, #tpu.memory_space<vmem_shared>>)
      } else {
      }
      %add3A_123 = arith.constant 2 : i32
      %add3A_124 = arith.addi %add3A_117, %add3A_123 : i32
      %lt3A_125 = arith.constant 160 : i32
      %lt3A_126 = arith.cmpi slt, %add3A_124, %lt3A_125 : i32
      %convert_element_type3A_127 = arith.extui %lt3A_126 : i1 to i32
      %cond3A_128 = arith.constant 0 : i32
      %cond3A_129 = arith.cmpi ne, %convert_element_type3A_127, %cond3A_128 : i32
      scf.if %cond3A_129 {
        %add3A_169 = arith.constant 2 : i32
        %add3A_170 = arith.addi %add3A_117, %add3A_169 : i32
        %dma_start3A_171 = arith.constant 0 : i32
        %dma_start3A_172 = tpu.memref_slice %arg7[%add3A_170, %dma_start3A_171] : memref<160x125xi32, #tpu.memory_space<vmem>> -> memref<1x125xi32, #tpu.memory_space<vmem>>
        %dma_start3A_173 = tpu.memref_squeeze %dma_start3A_172 : memref<1x125xi32, #tpu.memory_space<vmem>> -> memref<125xi32, #tpu.memory_space<vmem>>
        %dma_start3A_174 = arith.constant 0 : i32
        %dma_start3A_175 = arith.constant 0 : i32
        %dma_start3A_176 = tpu.memref_slice %arg2[%dma_start3A_174, %dma_start3A_175] : memref<20000x64xf32, #tpu.memory_space<hbm>> -> memref<20000x64xf32, #tpu.memory_space<hbm>>
        tpu.enqueue_indirect_dma source(%dma_start3A_176 : memref<20000x64xf32, #tpu.memory_space<hbm>>) target(%arg9 : memref<125x64xf32, #tpu.memory_space<vmem>>) offsets(%dma_start3A_173 : memref<125xi32, #tpu.memory_space<vmem>>) semaphore(%arg15 : memref<!tpu.dma_semaphore, #tpu.memory_space<semaphore_mem>>)
      } else {
      }
      %dma_wait3A_130 = arith.constant 0 : i32
      %dma_wait3A_131 = tpu.memref_slice %arg7[%add3A_117, %dma_wait3A_130] : memref<160x125xi32, #tpu.memory_space<vmem>> -> memref<1x125xi32, #tpu.memory_space<vmem>>
      %dma_wait3A_132 = tpu.memref_squeeze %dma_wait3A_131 : memref<1x125xi32, #tpu.memory_space<vmem>> -> memref<125xi32, #tpu.memory_space<vmem>>
      %dma_wait3A_133 = arith.constant 0 : i32
      %dma_wait3A_134 = arith.constant 0 : i32
      %dma_wait3A_135 = tpu.memref_slice %arg2[%dma_wait3A_133, %dma_wait3A_134] : memref<20000x64xf32, #tpu.memory_space<hbm>> -> memref<20000x64xf32, #tpu.memory_space<hbm>>
      tpu.wait_indirect_dma semaphore(%arg17 : memref<!tpu.dma_semaphore, #tpu.memory_space<semaphore_mem>>) src(%dma_wait3A_135 : memref<20000x64xf32, #tpu.memory_space<hbm>>) dst(%arg11 : memref<125x64xf32, #tpu.memory_space<vmem>>)
      %dma_start3A_136 = arith.constant 0 : i32
      %dma_start3A_137 = tpu.memref_slice %arg8[%add3A_117, %dma_start3A_136] : memref<160x125xi32, #tpu.memory_space<vmem>> -> memref<1x125xi32, #tpu.memory_space<vmem>>
      %dma_start3A_138 = tpu.memref_squeeze %dma_start3A_137 : memref<1x125xi32, #tpu.memory_space<vmem>> -> memref<125xi32, #tpu.memory_space<vmem>>
      %dma_start3A_139 = arith.constant 0 : i32
      %dma_start3A_140 = arith.constant 0 : i32
      %dma_start3A_141 = tpu.memref_slice %arg14[%dma_start3A_139, %dma_start3A_140] : memref<10112x64xf32, #tpu.memory_space<vmem_shared>> -> memref<10112x64xf32, #tpu.memory_space<vmem_shared>>
      tpu.enqueue_indirect_dma source(%arg11 : memref<125x64xf32, #tpu.memory_space<vmem>>) target(%dma_start3A_141 : memref<10112x64xf32, #tpu.memory_space<vmem_shared>>) offsets(%dma_start3A_138 : memref<125xi32, #tpu.memory_space<vmem>>) semaphore(%arg21 : memref<!tpu.dma_semaphore, #tpu.memory_space<semaphore_mem>>) {add = true}
      %add3A_142 = arith.constant 3 : i32
      %add3A_143 = arith.addi %mul3A_65, %add3A_142 : i32
      %ge3A_144 = arith.constant 2 : i32
      %ge3A_145 = arith.cmpi sge, %add3A_143, %ge3A_144 : i32
      %convert_element_type3A_146 = arith.extui %ge3A_145 : i1 to i32
      %cond3A_147 = arith.constant 0 : i32
      %cond3A_148 = arith.cmpi ne, %convert_element_type3A_146, %cond3A_147 : i32
      scf.if %cond3A_148 {
        %sub3A = arith.constant 2 : i32
        %sub3A_169 = arith.subi %add3A_143, %sub3A : i32
        %dma_wait3A_170 = arith.constant 0 : i32
        %dma_wait3A_171 = tpu.memref_slice %arg8[%sub3A_169, %dma_wait3A_170] : memref<160x125xi32, #tpu.memory_space<vmem>> -> memref<1x125xi32, #tpu.memory_space<vmem>>
        %dma_wait3A_172 = tpu.memref_squeeze %dma_wait3A_171 : memref<1x125xi32, #tpu.memory_space<vmem>> -> memref<125xi32, #tpu.memory_space<vmem>>
        %dma_wait3A_173 = arith.constant 0 : i32
        %dma_wait3A_174 = arith.constant 0 : i32
        %dma_wait3A_175 = tpu.memref_slice %arg14[%dma_wait3A_173, %dma_wait3A_174] : memref<10112x64xf32, #tpu.memory_space<vmem_shared>> -> memref<10112x64xf32, #tpu.memory_space<vmem_shared>>
        tpu.wait_indirect_dma semaphore(%arg20 : memref<!tpu.dma_semaphore, #tpu.memory_space<semaphore_mem>>) src(%arg10 : memref<125x64xf32, #tpu.memory_space<vmem>>) dst(%dma_wait3A_175 : memref<10112x64xf32, #tpu.memory_space<vmem_shared>>)
      } else {
      }
      %add3A_149 = arith.constant 2 : i32
      %add3A_150 = arith.addi %add3A_143, %add3A_149 : i32
      %lt3A_151 = arith.constant 160 : i32
      %lt3A_152 = arith.cmpi slt, %add3A_150, %lt3A_151 : i32
      %convert_element_type3A_153 = arith.extui %lt3A_152 : i1 to i32
      %cond3A_154 = arith.constant 0 : i32
      %cond3A_155 = arith.cmpi ne, %convert_element_type3A_153, %cond3A_154 : i32
      scf.if %cond3A_155 {
        %add3A_169 = arith.constant 2 : i32
        %add3A_170 = arith.addi %add3A_143, %add3A_169 : i32
        %dma_start3A_171 = arith.constant 0 : i32
        %dma_start3A_172 = tpu.memref_slice %arg7[%add3A_170, %dma_start3A_171] : memref<160x125xi32, #tpu.memory_space<vmem>> -> memref<1x125xi32, #tpu.memory_space<vmem>>
        %dma_start3A_173 = tpu.memref_squeeze %dma_start3A_172 : memref<1x125xi32, #tpu.memory_space<vmem>> -> memref<125xi32, #tpu.memory_space<vmem>>
        %dma_start3A_174 = arith.constant 0 : i32
        %dma_start3A_175 = arith.constant 0 : i32
        %dma_start3A_176 = tpu.memref_slice %arg2[%dma_start3A_174, %dma_start3A_175] : memref<20000x64xf32, #tpu.memory_space<hbm>> -> memref<20000x64xf32, #tpu.memory_space<hbm>>
        tpu.enqueue_indirect_dma source(%dma_start3A_176 : memref<20000x64xf32, #tpu.memory_space<hbm>>) target(%arg10 : memref<125x64xf32, #tpu.memory_space<vmem>>) offsets(%dma_start3A_173 : memref<125xi32, #tpu.memory_space<vmem>>) semaphore(%arg16 : memref<!tpu.dma_semaphore, #tpu.memory_space<semaphore_mem>>)
      } else {
      }
      %dma_wait3A_156 = arith.constant 0 : i32
      %dma_wait3A_157 = tpu.memref_slice %arg7[%add3A_143, %dma_wait3A_156] : memref<160x125xi32, #tpu.memory_space<vmem>> -> memref<1x125xi32, #tpu.memory_space<vmem>>
      %dma_wait3A_158 = tpu.memref_squeeze %dma_wait3A_157 : memref<1x125xi32, #tpu.memory_space<vmem>> -> memref<125xi32, #tpu.memory_space<vmem>>
      %dma_wait3A_159 = arith.constant 0 : i32
      %dma_wait3A_160 = arith.constant 0 : i32
      %dma_wait3A_161 = tpu.memref_slice %arg2[%dma_wait3A_159, %dma_wait3A_160] : memref<20000x64xf32, #tpu.memory_space<hbm>> -> memref<20000x64xf32, #tpu.memory_space<hbm>>
      tpu.wait_indirect_dma semaphore(%arg18 : memref<!tpu.dma_semaphore, #tpu.memory_space<semaphore_mem>>) src(%dma_wait3A_161 : memref<20000x64xf32, #tpu.memory_space<hbm>>) dst(%arg12 : memref<125x64xf32, #tpu.memory_space<vmem>>)
      %dma_start3A_162 = arith.constant 0 : i32
      %dma_start3A_163 = tpu.memref_slice %arg8[%add3A_143, %dma_start3A_162] : memref<160x125xi32, #tpu.memory_space<vmem>> -> memref<1x125xi32, #tpu.memory_space<vmem>>
      %dma_start3A_164 = tpu.memref_squeeze %dma_start3A_163 : memref<1x125xi32, #tpu.memory_space<vmem>> -> memref<125xi32, #tpu.memory_space<vmem>>
      %dma_start3A_165 = arith.constant 0 : i32
      %dma_start3A_166 = arith.constant 0 : i32
      %dma_start3A_167 = tpu.memref_slice %arg14[%dma_start3A_165, %dma_start3A_166] : memref<10112x64xf32, #tpu.memory_space<vmem_shared>> -> memref<10112x64xf32, #tpu.memory_space<vmem_shared>>
      tpu.enqueue_indirect_dma source(%arg12 : memref<125x64xf32, #tpu.memory_space<vmem>>) target(%dma_start3A_167 : memref<10112x64xf32, #tpu.memory_space<vmem_shared>>) offsets(%dma_start3A_164 : memref<125xi32, #tpu.memory_space<vmem>>) semaphore(%arg22 : memref<!tpu.dma_semaphore, #tpu.memory_space<semaphore_mem>>) {add = true}
      %scan3A_168 = arith.constant 0 : i32
      scf.yield %scan3A_168 : i32
    }
    %scan3A_44 = arith.constant 40 : i32
    %dma_wait3A = arith.constant 158 : i32
    %dma_wait3A_45 = arith.constant 0 : i32
    %dma_wait3A_46 = tpu.memref_slice %arg8[%dma_wait3A, %dma_wait3A_45] : memref<160x125xi32, #tpu.memory_space<vmem>> -> memref<1x125xi32, #tpu.memory_space<vmem>>
    %dma_wait3A_47 = tpu.memref_squeeze %dma_wait3A_46 : memref<1x125xi32, #tpu.memory_space<vmem>> -> memref<125xi32, #tpu.memory_space<vmem>>
    %dma_wait3A_48 = arith.constant 0 : i32
    %dma_wait3A_49 = arith.constant 0 : i32
    %dma_wait3A_50 = tpu.memref_slice %arg14[%dma_wait3A_48, %dma_wait3A_49] : memref<10112x64xf32, #tpu.memory_space<vmem_shared>> -> memref<10112x64xf32, #tpu.memory_space<vmem_shared>>
    tpu.wait_indirect_dma semaphore(%arg21 : memref<!tpu.dma_semaphore, #tpu.memory_space<semaphore_mem>>) src(%arg11 : memref<125x64xf32, #tpu.memory_space<vmem>>) dst(%dma_wait3A_50 : memref<10112x64xf32, #tpu.memory_space<vmem_shared>>)
    %dma_wait3A_51 = arith.constant 159 : i32
    %dma_wait3A_52 = arith.constant 0 : i32
    %dma_wait3A_53 = tpu.memref_slice %arg8[%dma_wait3A_51, %dma_wait3A_52] : memref<160x125xi32, #tpu.memory_space<vmem>> -> memref<1x125xi32, #tpu.memory_space<vmem>>
    %dma_wait3A_54 = tpu.memref_squeeze %dma_wait3A_53 : memref<1x125xi32, #tpu.memory_space<vmem>> -> memref<125xi32, #tpu.memory_space<vmem>>
    %dma_wait3A_55 = arith.constant 0 : i32
    %dma_wait3A_56 = arith.constant 0 : i32
    %dma_wait3A_57 = tpu.memref_slice %arg14[%dma_wait3A_55, %dma_wait3A_56] : memref<10112x64xf32, #tpu.memory_space<vmem_shared>> -> memref<10112x64xf32, #tpu.memory_space<vmem_shared>>
    tpu.wait_indirect_dma semaphore(%arg22 : memref<!tpu.dma_semaphore, #tpu.memory_space<semaphore_mem>>) src(%arg12 : memref<125x64xf32, #tpu.memory_space<vmem>>) dst(%dma_wait3A_57 : memref<10112x64xf32, #tpu.memory_space<vmem_shared>>)
    %barrier3A_58 = arith.constant 0 : index
    tpu.barrier barrier_id(%barrier3A_58)
    %mul3A_59 = arith.constant 10112 : i32
    %mul3A_60 = arith.muli %arg0, %mul3A_59 : i32
    %add3A_61 = arith.addi %mul3A_60, %mul3A_0 : i32
    "tpu.region"() ({
      %run_scoped3A = tpu.sem_alloc : memref<!tpu.dma_semaphore, #tpu.memory_space<semaphore_mem>>
      %dma_start3A_62 = arith.constant 0 : i32
      %dma_start3A_63 = tpu.memref_slice %arg6[%add3A_61, %dma_start3A_62] : memref<20224x64xf32, #tpu.memory_space<hbm>> -> memref<632x64xf32, #tpu.memory_space<hbm>>
      %dma_start3A_64 = arith.constant 0 : i32
      %dma_start3A_65 = tpu.memref_slice %arg14[%mul3A_0, %dma_start3A_64] : memref<10112x64xf32, #tpu.memory_space<vmem_shared>> -> memref<632x64xf32, #tpu.memory_space<vmem_shared>>
      tpu.enqueue_dma source(%dma_start3A_65 : memref<632x64xf32, #tpu.memory_space<vmem_shared>>) target(%dma_start3A_63 : memref<632x64xf32, #tpu.memory_space<hbm>>) target_semaphore(%run_scoped3A : memref<!tpu.dma_semaphore, #tpu.memory_space<semaphore_mem>>)
      %dma_wait3A_66 = arith.constant 0 : i32
      %dma_wait3A_67 = tpu.memref_slice %arg6[%add3A_61, %dma_wait3A_66] : memref<20224x64xf32, #tpu.memory_space<hbm>> -> memref<632x64xf32, #tpu.memory_space<hbm>>
      %dma_wait3A_68 = arith.constant 0 : i32
      %dma_wait3A_69 = tpu.memref_slice %arg14[%mul3A_0, %dma_wait3A_68] : memref<10112x64xf32, #tpu.memory_space<vmem_shared>> -> memref<632x64xf32, #tpu.memory_space<vmem_shared>>
      tpu.wait_dma2 semaphore(%run_scoped3A : memref<!tpu.dma_semaphore, #tpu.memory_space<semaphore_mem>>) src(%dma_wait3A_69 : memref<632x64xf32, #tpu.memory_space<vmem_shared>>) dst(%dma_wait3A_67 : memref<632x64xf32, #tpu.memory_space<hbm>>)
      tpu.yield
    }) : () -> ()
    return
  }
}

#map = affine_map<(d0, d1) -> (0, 0)>
module attributes {stable_mosaic.version = 14 : i64} {
  func.func @prop_kernel(%arg0: i32, %arg1: i32, %arg2: memref<20000x64xf32, #tpu.memory_space<hbm>>, %arg3: memref<2560x125xi32, #tpu.memory_space<hbm>>, %arg4: memref<2560x125xi32, #tpu.memory_space<hbm>>, %arg5: memref<2560x125xi32, #tpu.memory_space<hbm>>, %arg6: memref<20224x64xf32, #tpu.memory_space<hbm>>, %arg7: memref<160x125xi32, #tpu.memory_space<vmem>>, %arg8: memref<160x125xi32, #tpu.memory_space<vmem>>, %arg9: memref<125x64xf32, #tpu.memory_space<vmem>>, %arg10: memref<125x64xf32, #tpu.memory_space<vmem>>, %arg11: memref<125x64xf32, #tpu.memory_space<vmem>>, %arg12: memref<125x64xf32, #tpu.memory_space<vmem>>, %arg13: memref<128x64xf32, #tpu.memory_space<vmem>>, %arg14: memref<10112x64xf32, #tpu.memory_space<vmem_shared>>, %arg15: memref<!tpu.dma_semaphore, #tpu.memory_space<semaphore_mem>>, %arg16: memref<!tpu.dma_semaphore, #tpu.memory_space<semaphore_mem>>, %arg17: memref<!tpu.dma_semaphore, #tpu.memory_space<semaphore_mem>>, %arg18: memref<!tpu.dma_semaphore, #tpu.memory_space<semaphore_mem>>, %arg19: memref<!tpu.dma_semaphore, #tpu.memory_space<semaphore_mem>>, %arg20: memref<!tpu.dma_semaphore, #tpu.memory_space<semaphore_mem>>, %arg21: memref<!tpu.dma_semaphore, #tpu.memory_space<semaphore_mem>>, %arg22: memref<!tpu.dma_semaphore, #tpu.memory_space<semaphore_mem>>) attributes {dimension_semantics = [#tpu.dimension_semantics<core_parallel>, #tpu.dimension_semantics<subcore_parallel>], iteration_bounds = array<i64: 2, 16>, scalar_prefetch = 0 : i64, scratch_operands = 16 : i64, tpu.core_type = #tpu.core_type<sc_vector_subcore>, window_params = [{transform_indices = #map}, {transform_indices = #map}, {transform_indices = #map}, {transform_indices = #map}, {transform_indices = #map}]} {
    %mul3A = arith.constant 632 : i32
    %mul3A_0 = arith.muli %arg1, %mul3A : i32
    %eq3A = arith.constant 0 : i32
    %eq3A_1 = arith.cmpi eq, %arg0, %eq3A : i32
    %convert_element_type3A = arith.extui %eq3A_1 : i1 to i32
    %cond3A = arith.constant 0 : i32
    %cond3A_2 = arith.cmpi ne, %convert_element_type3A, %cond3A : i32
    scf.if %cond3A_2 {
      %mul3A_62 = arith.constant 160 : i32
      %mul3A_63 = arith.muli %arg1, %mul3A_62 : i32
      "tpu.region"() ({
        %run_scoped3A = tpu.sem_alloc : memref<!tpu.dma_semaphore, #tpu.memory_space<semaphore_mem>>
        %dma_start3A_64 = arith.constant 0 : i32
        %dma_start3A_65 = tpu.memref_slice %arg3[%mul3A_63, %dma_start3A_64] : memref<2560x125xi32, #tpu.memory_space<hbm>> -> memref<160x125xi32, #tpu.memory_space<hbm>>
        %dma_start3A_66 = arith.constant 0 : i32
        %dma_start3A_67 = tpu.memref_slice %arg3[%mul3A_63, %dma_start3A_66] : memref<2560x125xi32, #tpu.memory_space<hbm>> -> memref<160x125xi32, #tpu.memory_space<hbm>>
        tpu.enqueue_dma source(%dma_start3A_67 : memref<160x125xi32, #tpu.memory_space<hbm>>) target(%arg7 : memref<160x125xi32, #tpu.memory_space<vmem>>) target_semaphore(%run_scoped3A : memref<!tpu.dma_semaphore, #tpu.memory_space<semaphore_mem>>)
        %dma_wait3A_68 = arith.constant 0 : i32
        %dma_wait3A_69 = tpu.memref_slice %arg3[%mul3A_63, %dma_wait3A_68] : memref<2560x125xi32, #tpu.memory_space<hbm>> -> memref<160x125xi32, #tpu.memory_space<hbm>>
        %dma_wait3A_70 = arith.constant 0 : i32
        %dma_wait3A_71 = tpu.memref_slice %arg3[%mul3A_63, %dma_wait3A_70] : memref<2560x125xi32, #tpu.memory_space<hbm>> -> memref<160x125xi32, #tpu.memory_space<hbm>>
        tpu.wait_dma2 semaphore(%run_scoped3A : memref<!tpu.dma_semaphore, #tpu.memory_space<semaphore_mem>>) src(%dma_wait3A_71 : memref<160x125xi32, #tpu.memory_space<hbm>>) dst(%arg7 : memref<160x125xi32, #tpu.memory_space<vmem>>)
        tpu.yield
      }) : () -> ()
    } else {
    }
    %eq3A_3 = arith.constant 1 : i32
    %eq3A_4 = arith.cmpi eq, %arg0, %eq3A_3 : i32
    %convert_element_type3A_5 = arith.extui %eq3A_4 : i1 to i32
    %cond3A_6 = arith.constant 0 : i32
    %cond3A_7 = arith.cmpi ne, %convert_element_type3A_5, %cond3A_6 : i32
    scf.if %cond3A_7 {
      %mul3A_62 = arith.constant 160 : i32
      %mul3A_63 = arith.muli %arg1, %mul3A_62 : i32
      "tpu.region"() ({
        %run_scoped3A = tpu.sem_alloc : memref<!tpu.dma_semaphore, #tpu.memory_space<semaphore_mem>>
        %dma_start3A_64 = arith.constant 0 : i32
        %dma_start3A_65 = tpu.memref_slice %arg4[%mul3A_63, %dma_start3A_64] : memref<2560x125xi32, #tpu.memory_space<hbm>> -> memref<160x125xi32, #tpu.memory_space<hbm>>
        %dma_start3A_66 = arith.constant 0 : i32
        %dma_start3A_67 = tpu.memref_slice %arg4[%mul3A_63, %dma_start3A_66] : memref<2560x125xi32, #tpu.memory_space<hbm>> -> memref<160x125xi32, #tpu.memory_space<hbm>>
        tpu.enqueue_dma source(%dma_start3A_67 : memref<160x125xi32, #tpu.memory_space<hbm>>) target(%arg7 : memref<160x125xi32, #tpu.memory_space<vmem>>) target_semaphore(%run_scoped3A : memref<!tpu.dma_semaphore, #tpu.memory_space<semaphore_mem>>)
        %dma_wait3A_68 = arith.constant 0 : i32
        %dma_wait3A_69 = tpu.memref_slice %arg4[%mul3A_63, %dma_wait3A_68] : memref<2560x125xi32, #tpu.memory_space<hbm>> -> memref<160x125xi32, #tpu.memory_space<hbm>>
        %dma_wait3A_70 = arith.constant 0 : i32
        %dma_wait3A_71 = tpu.memref_slice %arg4[%mul3A_63, %dma_wait3A_70] : memref<2560x125xi32, #tpu.memory_space<hbm>> -> memref<160x125xi32, #tpu.memory_space<hbm>>
        tpu.wait_dma2 semaphore(%run_scoped3A : memref<!tpu.dma_semaphore, #tpu.memory_space<semaphore_mem>>) src(%dma_wait3A_71 : memref<160x125xi32, #tpu.memory_space<hbm>>) dst(%arg7 : memref<160x125xi32, #tpu.memory_space<vmem>>)
        tpu.yield
      }) : () -> ()
    } else {
    }
    %mul3A_8 = arith.constant 160 : i32
    %mul3A_9 = arith.muli %arg1, %mul3A_8 : i32
    "tpu.region"() ({
      %run_scoped3A = tpu.sem_alloc : memref<!tpu.dma_semaphore, #tpu.memory_space<semaphore_mem>>
      %dma_start3A_62 = arith.constant 0 : i32
      %dma_start3A_63 = tpu.memref_slice %arg5[%mul3A_9, %dma_start3A_62] : memref<2560x125xi32, #tpu.memory_space<hbm>> -> memref<160x125xi32, #tpu.memory_space<hbm>>
      %dma_start3A_64 = arith.constant 0 : i32
      %dma_start3A_65 = tpu.memref_slice %arg5[%mul3A_9, %dma_start3A_64] : memref<2560x125xi32, #tpu.memory_space<hbm>> -> memref<160x125xi32, #tpu.memory_space<hbm>>
      tpu.enqueue_dma source(%dma_start3A_65 : memref<160x125xi32, #tpu.memory_space<hbm>>) target(%arg8 : memref<160x125xi32, #tpu.memory_space<vmem>>) target_semaphore(%run_scoped3A : memref<!tpu.dma_semaphore, #tpu.memory_space<semaphore_mem>>)
      %dma_wait3A_66 = arith.constant 0 : i32
      %dma_wait3A_67 = tpu.memref_slice %arg5[%mul3A_9, %dma_wait3A_66] : memref<2560x125xi32, #tpu.memory_space<hbm>> -> memref<160x125xi32, #tpu.memory_space<hbm>>
      %dma_wait3A_68 = arith.constant 0 : i32
      %dma_wait3A_69 = tpu.memref_slice %arg5[%mul3A_9, %dma_wait3A_68] : memref<2560x125xi32, #tpu.memory_space<hbm>> -> memref<160x125xi32, #tpu.memory_space<hbm>>
      tpu.wait_dma2 semaphore(%run_scoped3A : memref<!tpu.dma_semaphore, #tpu.memory_space<semaphore_mem>>) src(%dma_wait3A_69 : memref<160x125xi32, #tpu.memory_space<hbm>>) dst(%arg8 : memref<160x125xi32, #tpu.memory_space<vmem>>)
      tpu.yield
    }) : () -> ()
    %dma_start3A = arith.constant 0 : i32
    %dma_start3A_10 = arith.constant 0 : i32
    %dma_start3A_11 = tpu.memref_slice %arg7[%dma_start3A, %dma_start3A_10] : memref<160x125xi32, #tpu.memory_space<vmem>> -> memref<1x125xi32, #tpu.memory_space<vmem>>
    %dma_start3A_12 = tpu.memref_squeeze %dma_start3A_11 : memref<1x125xi32, #tpu.memory_space<vmem>> -> memref<125xi32, #tpu.memory_space<vmem>>
    %dma_start3A_13 = arith.constant 0 : i32
    %dma_start3A_14 = arith.constant 0 : i32
    %dma_start3A_15 = tpu.memref_slice %arg2[%dma_start3A_13, %dma_start3A_14] : memref<20000x64xf32, #tpu.memory_space<hbm>> -> memref<20000x64xf32, #tpu.memory_space<hbm>>
    tpu.enqueue_indirect_dma source(%dma_start3A_15 : memref<20000x64xf32, #tpu.memory_space<hbm>>) target(%arg9 : memref<125x64xf32, #tpu.memory_space<vmem>>) offsets(%dma_start3A_12 : memref<125xi32, #tpu.memory_space<vmem>>) semaphore(%arg15 : memref<!tpu.dma_semaphore, #tpu.memory_space<semaphore_mem>>)
    %dma_start3A_16 = arith.constant 1 : i32
    %dma_start3A_17 = arith.constant 0 : i32
    %dma_start3A_18 = tpu.memref_slice %arg7[%dma_start3A_16, %dma_start3A_17] : memref<160x125xi32, #tpu.memory_space<vmem>> -> memref<1x125xi32, #tpu.memory_space<vmem>>
    %dma_start3A_19 = tpu.memref_squeeze %dma_start3A_18 : memref<1x125xi32, #tpu.memory_space<vmem>> -> memref<125xi32, #tpu.memory_space<vmem>>
    %dma_start3A_20 = arith.constant 0 : i32
    %dma_start3A_21 = arith.constant 0 : i32
    %dma_start3A_22 = tpu.memref_slice %arg2[%dma_start3A_20, %dma_start3A_21] : memref<20000x64xf32, #tpu.memory_space<hbm>> -> memref<20000x64xf32, #tpu.memory_space<hbm>>
    tpu.enqueue_indirect_dma source(%dma_start3A_22 : memref<20000x64xf32, #tpu.memory_space<hbm>>) target(%arg10 : memref<125x64xf32, #tpu.memory_space<vmem>>) offsets(%dma_start3A_19 : memref<125xi32, #tpu.memory_space<vmem>>) semaphore(%arg16 : memref<!tpu.dma_semaphore, #tpu.memory_space<semaphore_mem>>)
    %scan3A = arith.constant 0 : i32
    %scan3A_23 = arith.constant 0 : i32
    %scan3A_24 = arith.constant 128 : i32
    %scan3A_25 = arith.addi %scan3A_23, %scan3A_24 : i32
    %scan3A_26 = arith.constant 1 : i32
    %scan3A_27 = scf.for %scan3A_62 = %scan3A_23 to %scan3A_25 step %scan3A_26 iter_args(%scan3A_63 = %scan3A) -> (i32)  : i32 {
      %broadcast_in_dim3A = arith.constant 0.000000e+00 : f32
      %broadcast_in_dim3A_64 = vector.broadcast %broadcast_in_dim3A : f32 to vector<16xf32>
      %swap3A = arith.index_cast %scan3A_62 : i32 to index
      %swap3A_65 = arith.constant 0 : index
      %swap3A_66 = tpu.vector_load %arg13[%swap3A, %swap3A_65] {strides = array<i32>} : memref<128x64xf32, #tpu.memory_space<vmem>>, vector<1x16xf32>,
      %swap3A_67 = vector.shape_cast %swap3A_66 : vector<1x16xf32> to vector<16xf32>
      %swap3A_68 = vector.shape_cast %broadcast_in_dim3A_64 : vector<16xf32> to vector<1x16xf32>
      tpu.vector_store %arg13[%swap3A, %swap3A_65], %swap3A_68 {strides = array<i32>} : memref<128x64xf32, #tpu.memory_space<vmem>>, vector<1x16xf32>,
      %broadcast_in_dim3A_69 = arith.constant 0.000000e+00 : f32
      %broadcast_in_dim3A_70 = vector.broadcast %broadcast_in_dim3A_69 : f32 to vector<16xf32>
      %swap3A_71 = arith.index_cast %scan3A_62 : i32 to index
      %swap3A_72 = arith.constant 16 : index
      %swap3A_73 = tpu.vector_load %arg13[%swap3A_71, %swap3A_72] {strides = array<i32>} : memref<128x64xf32, #tpu.memory_space<vmem>>, vector<1x16xf32>,
      %swap3A_74 = vector.shape_cast %swap3A_73 : vector<1x16xf32> to vector<16xf32>
      %swap3A_75 = vector.shape_cast %broadcast_in_dim3A_70 : vector<16xf32> to vector<1x16xf32>
      tpu.vector_store %arg13[%swap3A_71, %swap3A_72], %swap3A_75 {strides = array<i32>} : memref<128x64xf32, #tpu.memory_space<vmem>>, vector<1x16xf32>,
      %broadcast_in_dim3A_76 = arith.constant 0.000000e+00 : f32
      %broadcast_in_dim3A_77 = vector.broadcast %broadcast_in_dim3A_76 : f32 to vector<16xf32>
      %swap3A_78 = arith.index_cast %scan3A_62 : i32 to index
      %swap3A_79 = arith.constant 32 : index
      %swap3A_80 = tpu.vector_load %arg13[%swap3A_78, %swap3A_79] {strides = array<i32>} : memref<128x64xf32, #tpu.memory_space<vmem>>, vector<1x16xf32>,
      %swap3A_81 = vector.shape_cast %swap3A_80 : vector<1x16xf32> to vector<16xf32>
      %swap3A_82 = vector.shape_cast %broadcast_in_dim3A_77 : vector<16xf32> to vector<1x16xf32>
      tpu.vector_store %arg13[%swap3A_78, %swap3A_79], %swap3A_82 {strides = array<i32>} : memref<128x64xf32, #tpu.memory_space<vmem>>, vector<1x16xf32>,
      %broadcast_in_dim3A_83 = arith.constant 0.000000e+00 : f32
      %broadcast_in_dim3A_84 = vector.broadcast %broadcast_in_dim3A_83 : f32 to vector<16xf32>
      %swap3A_85 = arith.index_cast %scan3A_62 : i32 to index
      %swap3A_86 = arith.constant 48 : index
      %swap3A_87 = tpu.vector_load %arg13[%swap3A_85, %swap3A_86] {strides = array<i32>} : memref<128x64xf32, #tpu.memory_space<vmem>>, vector<1x16xf32>,
      %swap3A_88 = vector.shape_cast %swap3A_87 : vector<1x16xf32> to vector<16xf32>
      %swap3A_89 = vector.shape_cast %broadcast_in_dim3A_84 : vector<16xf32> to vector<1x16xf32>
      tpu.vector_store %arg13[%swap3A_85, %swap3A_86], %swap3A_89 {strides = array<i32>} : memref<128x64xf32, #tpu.memory_space<vmem>>, vector<1x16xf32>,
      %scan3A_90 = arith.constant 0 : i32
      scf.yield %scan3A_90 : i32
    }
    %scan3A_28 = arith.constant 128 : i32
    %add3A = arith.constant 0 : i32
    %add3A_29 = arith.addi %mul3A_0, %add3A : i32
    "tpu.region"() ({
      %run_scoped3A = tpu.sem_alloc : memref<!tpu.dma_semaphore, #tpu.memory_space<semaphore_mem>>
      %dma_start3A_62 = arith.constant 0 : i32
      %dma_start3A_63 = tpu.memref_slice %arg14[%add3A_29, %dma_start3A_62] : memref<10112x64xf32, #tpu.memory_space<vmem_shared>> -> memref<128x64xf32, #tpu.memory_space<vmem_shared>>
      %dma_start3A_64 = arith.constant 0 : i32
      %dma_start3A_65 = tpu.memref_slice %arg14[%add3A_29, %dma_start3A_64] : memref<10112x64xf32, #tpu.memory_space<vmem_shared>> -> memref<128x64xf32, #tpu.memory_space<vmem_shared>>
      tpu.enqueue_dma source(%arg13 : memref<128x64xf32, #tpu.memory_space<vmem>>) target(%dma_start3A_65 : memref<128x64xf32, #tpu.memory_space<vmem_shared>>) target_semaphore(%run_scoped3A : memref<!tpu.dma_semaphore, #tpu.memory_space<semaphore_mem>>)
      %dma_wait3A_66 = arith.constant 0 : i32
      %dma_wait3A_67 = tpu.memref_slice %arg14[%add3A_29, %dma_wait3A_66] : memref<10112x64xf32, #tpu.memory_space<vmem_shared>> -> memref<128x64xf32, #tpu.memory_space<vmem_shared>>
      %dma_wait3A_68 = arith.constant 0 : i32
      %dma_wait3A_69 = tpu.memref_slice %arg14[%add3A_29, %dma_wait3A_68] : memref<10112x64xf32, #tpu.memory_space<vmem_shared>> -> memref<128x64xf32, #tpu.memory_space<vmem_shared>>
      tpu.wait_dma2 semaphore(%run_scoped3A : memref<!tpu.dma_semaphore, #tpu.memory_space<semaphore_mem>>) src(%arg13 : memref<128x64xf32, #tpu.memory_space<vmem>>) dst(%dma_wait3A_69 : memref<128x64xf32, #tpu.memory_space<vmem_shared>>)
      tpu.yield
    }) : () -> ()
    %add3A_30 = arith.constant 128 : i32
    %add3A_31 = arith.addi %mul3A_0, %add3A_30 : i32
    "tpu.region"() ({
      %run_scoped3A = tpu.sem_alloc : memref<!tpu.dma_semaphore, #tpu.memory_space<semaphore_mem>>
      %dma_start3A_62 = arith.constant 0 : i32
      %dma_start3A_63 = tpu.memref_slice %arg14[%add3A_31, %dma_start3A_62] : memref<10112x64xf32, #tpu.memory_space<vmem_shared>> -> memref<128x64xf32, #tpu.memory_space<vmem_shared>>
      %dma_start3A_64 = arith.constant 0 : i32
      %dma_start3A_65 = tpu.memref_slice %arg14[%add3A_31, %dma_start3A_64] : memref<10112x64xf32, #tpu.memory_space<vmem_shared>> -> memref<128x64xf32, #tpu.memory_space<vmem_shared>>
      tpu.enqueue_dma source(%arg13 : memref<128x64xf32, #tpu.memory_space<vmem>>) target(%dma_start3A_65 : memref<128x64xf32, #tpu.memory_space<vmem_shared>>) target_semaphore(%run_scoped3A : memref<!tpu.dma_semaphore, #tpu.memory_space<semaphore_mem>>)
      %dma_wait3A_66 = arith.constant 0 : i32
      %dma_wait3A_67 = tpu.memref_slice %arg14[%add3A_31, %dma_wait3A_66] : memref<10112x64xf32, #tpu.memory_space<vmem_shared>> -> memref<128x64xf32, #tpu.memory_space<vmem_shared>>
      %dma_wait3A_68 = arith.constant 0 : i32
      %dma_wait3A_69 = tpu.memref_slice %arg14[%add3A_31, %dma_wait3A_68] : memref<10112x64xf32, #tpu.memory_space<vmem_shared>> -> memref<128x64xf32, #tpu.memory_space<vmem_shared>>
      tpu.wait_dma2 semaphore(%run_scoped3A : memref<!tpu.dma_semaphore, #tpu.memory_space<semaphore_mem>>) src(%arg13 : memref<128x64xf32, #tpu.memory_space<vmem>>) dst(%dma_wait3A_69 : memref<128x64xf32, #tpu.memory_space<vmem_shared>>)
      tpu.yield
    }) : () -> ()
    %add3A_32 = arith.constant 256 : i32
    %add3A_33 = arith.addi %mul3A_0, %add3A_32 : i32
    "tpu.region"() ({
      %run_scoped3A = tpu.sem_alloc : memref<!tpu.dma_semaphore, #tpu.memory_space<semaphore_mem>>
      %dma_start3A_62 = arith.constant 0 : i32
      %dma_start3A_63 = tpu.memref_slice %arg14[%add3A_33, %dma_start3A_62] : memref<10112x64xf32, #tpu.memory_space<vmem_shared>> -> memref<128x64xf32, #tpu.memory_space<vmem_shared>>
      %dma_start3A_64 = arith.constant 0 : i32
      %dma_start3A_65 = tpu.memref_slice %arg14[%add3A_33, %dma_start3A_64] : memref<10112x64xf32, #tpu.memory_space<vmem_shared>> -> memref<128x64xf32, #tpu.memory_space<vmem_shared>>
      tpu.enqueue_dma source(%arg13 : memref<128x64xf32, #tpu.memory_space<vmem>>) target(%dma_start3A_65 : memref<128x64xf32, #tpu.memory_space<vmem_shared>>) target_semaphore(%run_scoped3A : memref<!tpu.dma_semaphore, #tpu.memory_space<semaphore_mem>>)
      %dma_wait3A_66 = arith.constant 0 : i32
      %dma_wait3A_67 = tpu.memref_slice %arg14[%add3A_33, %dma_wait3A_66] : memref<10112x64xf32, #tpu.memory_space<vmem_shared>> -> memref<128x64xf32, #tpu.memory_space<vmem_shared>>
      %dma_wait3A_68 = arith.constant 0 : i32
      %dma_wait3A_69 = tpu.memref_slice %arg14[%add3A_33, %dma_wait3A_68] : memref<10112x64xf32, #tpu.memory_space<vmem_shared>> -> memref<128x64xf32, #tpu.memory_space<vmem_shared>>
      tpu.wait_dma2 semaphore(%run_scoped3A : memref<!tpu.dma_semaphore, #tpu.memory_space<semaphore_mem>>) src(%arg13 : memref<128x64xf32, #tpu.memory_space<vmem>>) dst(%dma_wait3A_69 : memref<128x64xf32, #tpu.memory_space<vmem_shared>>)
      tpu.yield
    }) : () -> ()
    %add3A_34 = arith.constant 384 : i32
    %add3A_35 = arith.addi %mul3A_0, %add3A_34 : i32
    "tpu.region"() ({
      %run_scoped3A = tpu.sem_alloc : memref<!tpu.dma_semaphore, #tpu.memory_space<semaphore_mem>>
      %dma_start3A_62 = arith.constant 0 : i32
      %dma_start3A_63 = tpu.memref_slice %arg14[%add3A_35, %dma_start3A_62] : memref<10112x64xf32, #tpu.memory_space<vmem_shared>> -> memref<128x64xf32, #tpu.memory_space<vmem_shared>>
      %dma_start3A_64 = arith.constant 0 : i32
      %dma_start3A_65 = tpu.memref_slice %arg14[%add3A_35, %dma_start3A_64] : memref<10112x64xf32, #tpu.memory_space<vmem_shared>> -> memref<128x64xf32, #tpu.memory_space<vmem_shared>>
      tpu.enqueue_dma source(%arg13 : memref<128x64xf32, #tpu.memory_space<vmem>>) target(%dma_start3A_65 : memref<128x64xf32, #tpu.memory_space<vmem_shared>>) target_semaphore(%run_scoped3A : memref<!tpu.dma_semaphore, #tpu.memory_space<semaphore_mem>>)
      %dma_wait3A_66 = arith.constant 0 : i32
      %dma_wait3A_67 = tpu.memref_slice %arg14[%add3A_35, %dma_wait3A_66] : memref<10112x64xf32, #tpu.memory_space<vmem_shared>> -> memref<128x64xf32, #tpu.memory_space<vmem_shared>>
      %dma_wait3A_68 = arith.constant 0 : i32
      %dma_wait3A_69 = tpu.memref_slice %arg14[%add3A_35, %dma_wait3A_68] : memref<10112x64xf32, #tpu.memory_space<vmem_shared>> -> memref<128x64xf32, #tpu.memory_space<vmem_shared>>
      tpu.wait_dma2 semaphore(%run_scoped3A : memref<!tpu.dma_semaphore, #tpu.memory_space<semaphore_mem>>) src(%arg13 : memref<128x64xf32, #tpu.memory_space<vmem>>) dst(%dma_wait3A_69 : memref<128x64xf32, #tpu.memory_space<vmem_shared>>)
      tpu.yield
    }) : () -> ()
    %add3A_36 = arith.constant 512 : i32
    %add3A_37 = arith.addi %mul3A_0, %add3A_36 : i32
    "tpu.region"() ({
      %run_scoped3A = tpu.sem_alloc : memref<!tpu.dma_semaphore, #tpu.memory_space<semaphore_mem>>
      %dma_start3A_62 = arith.constant 0 : i32
      %dma_start3A_63 = arith.constant 0 : i32
      %dma_start3A_64 = tpu.memref_slice %arg13[%dma_start3A_62, %dma_start3A_63] : memref<128x64xf32, #tpu.memory_space<vmem>> -> memref<120x64xf32, #tpu.memory_space<vmem>>
      %dma_start3A_65 = arith.constant 0 : i32
      %dma_start3A_66 = tpu.memref_slice %arg14[%add3A_37, %dma_start3A_65] : memref<10112x64xf32, #tpu.memory_space<vmem_shared>> -> memref<120x64xf32, #tpu.memory_space<vmem_shared>>
      %dma_start3A_67 = arith.constant 0 : i32
      %dma_start3A_68 = tpu.memref_slice %arg14[%add3A_37, %dma_start3A_67] : memref<10112x64xf32, #tpu.memory_space<vmem_shared>> -> memref<120x64xf32, #tpu.memory_space<vmem_shared>>
      %dma_start3A_69 = arith.constant 0 : i32
      %dma_start3A_70 = arith.constant 0 : i32
      %dma_start3A_71 = tpu.memref_slice %arg13[%dma_start3A_69, %dma_start3A_70] : memref<128x64xf32, #tpu.memory_space<vmem>> -> memref<120x64xf32, #tpu.memory_space<vmem>>
      tpu.enqueue_dma source(%dma_start3A_71 : memref<120x64xf32, #tpu.memory_space<vmem>>) target(%dma_start3A_68 : memref<120x64xf32, #tpu.memory_space<vmem_shared>>) target_semaphore(%run_scoped3A : memref<!tpu.dma_semaphore, #tpu.memory_space<semaphore_mem>>)
      %dma_wait3A_72 = arith.constant 0 : i32
      %dma_wait3A_73 = arith.constant 0 : i32
      %dma_wait3A_74 = tpu.memref_slice %arg13[%dma_wait3A_72, %dma_wait3A_73] : memref<128x64xf32, #tpu.memory_space<vmem>> -> memref<120x64xf32, #tpu.memory_space<vmem>>
      %dma_wait3A_75 = arith.constant 0 : i32
      %dma_wait3A_76 = tpu.memref_slice %arg14[%add3A_37, %dma_wait3A_75] : memref<10112x64xf32, #tpu.memory_space<vmem_shared>> -> memref<120x64xf32, #tpu.memory_space<vmem_shared>>
      %dma_wait3A_77 = arith.constant 0 : i32
      %dma_wait3A_78 = tpu.memref_slice %arg14[%add3A_37, %dma_wait3A_77] : memref<10112x64xf32, #tpu.memory_space<vmem_shared>> -> memref<120x64xf32, #tpu.memory_space<vmem_shared>>
      %dma_wait3A_79 = arith.constant 0 : i32
      %dma_wait3A_80 = arith.constant 0 : i32
      %dma_wait3A_81 = tpu.memref_slice %arg13[%dma_wait3A_79, %dma_wait3A_80] : memref<128x64xf32, #tpu.memory_space<vmem>> -> memref<120x64xf32, #tpu.memory_space<vmem>>
      tpu.wait_dma2 semaphore(%run_scoped3A : memref<!tpu.dma_semaphore, #tpu.memory_space<semaphore_mem>>) src(%dma_wait3A_81 : memref<120x64xf32, #tpu.memory_space<vmem>>) dst(%dma_wait3A_78 : memref<120x64xf32, #tpu.memory_space<vmem_shared>>)
      tpu.yield
    }) : () -> ()
    %barrier3A = arith.constant 0 : index
    tpu.barrier barrier_id(%barrier3A)
    %scan3A_38 = arith.constant 0 : i32
    %scan3A_39 = arith.constant 0 : i32
    %scan3A_40 = arith.constant 40 : i32
    %scan3A_41 = arith.addi %scan3A_39, %scan3A_40 : i32
    %scan3A_42 = arith.constant 1 : i32
    %scan3A_43 = scf.for %scan3A_62 = %scan3A_39 to %scan3A_41 step %scan3A_42 iter_args(%scan3A_63 = %scan3A_38) -> (i32)  : i32 {
      %mul3A_64 = arith.constant 4 : i32
      %mul3A_65 = arith.muli %mul3A_64, %scan3A_62 : i32
      %add3A_66 = arith.constant 0 : i32
      %add3A_67 = arith.addi %mul3A_65, %add3A_66 : i32
      %ge3A = arith.constant 2 : i32
      %ge3A_68 = arith.cmpi sge, %add3A_67, %ge3A : i32
      %convert_element_type3A_69 = arith.extui %ge3A_68 : i1 to i32
      %cond3A_70 = arith.constant 0 : i32
      %cond3A_71 = arith.cmpi ne, %convert_element_type3A_69, %cond3A_70 : i32
      scf.if %cond3A_71 {
        %sub3A = arith.constant 2 : i32
        %sub3A_169 = arith.subi %add3A_67, %sub3A : i32
        %dma_wait3A_170 = arith.constant 0 : i32
        %dma_wait3A_171 = tpu.memref_slice %arg8[%sub3A_169, %dma_wait3A_170] : memref<160x125xi32, #tpu.memory_space<vmem>> -> memref<1x125xi32, #tpu.memory_space<vmem>>
        %dma_wait3A_172 = tpu.memref_squeeze %dma_wait3A_171 : memref<1x125xi32, #tpu.memory_space<vmem>> -> memref<125xi32, #tpu.memory_space<vmem>>
        %dma_wait3A_173 = arith.constant 0 : i32
        %dma_wait3A_174 = arith.constant 0 : i32
        %dma_wait3A_175 = tpu.memref_slice %arg14[%dma_wait3A_173, %dma_wait3A_174] : memref<10112x64xf32, #tpu.memory_space<vmem_shared>> -> memref<10112x64xf32, #tpu.memory_space<vmem_shared>>
        tpu.wait_indirect_dma semaphore(%arg21 : memref<!tpu.dma_semaphore, #tpu.memory_space<semaphore_mem>>) src(%arg11 : memref<125x64xf32, #tpu.memory_space<vmem>>) dst(%dma_wait3A_175 : memref<10112x64xf32, #tpu.memory_space<vmem_shared>>)
      } else {
      }
      %add3A_72 = arith.constant 2 : i32
      %add3A_73 = arith.addi %add3A_67, %add3A_72 : i32
      %lt3A = arith.constant 160 : i32
      %lt3A_74 = arith.cmpi slt, %add3A_73, %lt3A : i32
      %convert_element_type3A_75 = arith.extui %lt3A_74 : i1 to i32
      %cond3A_76 = arith.constant 0 : i32
      %cond3A_77 = arith.cmpi ne, %convert_element_type3A_75, %cond3A_76 : i32
      scf.if %cond3A_77 {
        %add3A_169 = arith.constant 2 : i32
        %add3A_170 = arith.addi %add3A_67, %add3A_169 : i32
        %dma_start3A_171 = arith.constant 0 : i32
        %dma_start3A_172 = tpu.memref_slice %arg7[%add3A_170, %dma_start3A_171] : memref<160x125xi32, #tpu.memory_space<vmem>> -> memref<1x125xi32, #tpu.memory_space<vmem>>
        %dma_start3A_173 = tpu.memref_squeeze %dma_start3A_172 : memref<1x125xi32, #tpu.memory_space<vmem>> -> memref<125xi32, #tpu.memory_space<vmem>>
        %dma_start3A_174 = arith.constant 0 : i32
        %dma_start3A_175 = arith.constant 0 : i32
        %dma_start3A_176 = tpu.memref_slice %arg2[%dma_start3A_174, %dma_start3A_175] : memref<20000x64xf32, #tpu.memory_space<hbm>> -> memref<20000x64xf32, #tpu.memory_space<hbm>>
        tpu.enqueue_indirect_dma source(%dma_start3A_176 : memref<20000x64xf32, #tpu.memory_space<hbm>>) target(%arg11 : memref<125x64xf32, #tpu.memory_space<vmem>>) offsets(%dma_start3A_173 : memref<125xi32, #tpu.memory_space<vmem>>) semaphore(%arg17 : memref<!tpu.dma_semaphore, #tpu.memory_space<semaphore_mem>>)
      } else {
      }
      %dma_wait3A_78 = arith.constant 0 : i32
      %dma_wait3A_79 = tpu.memref_slice %arg7[%add3A_67, %dma_wait3A_78] : memref<160x125xi32, #tpu.memory_space<vmem>> -> memref<1x125xi32, #tpu.memory_space<vmem>>
      %dma_wait3A_80 = tpu.memref_squeeze %dma_wait3A_79 : memref<1x125xi32, #tpu.memory_space<vmem>> -> memref<125xi32, #tpu.memory_space<vmem>>
      %dma_wait3A_81 = arith.constant 0 : i32
      %dma_wait3A_82 = arith.constant 0 : i32
      %dma_wait3A_83 = tpu.memref_slice %arg2[%dma_wait3A_81, %dma_wait3A_82] : memref<20000x64xf32, #tpu.memory_space<hbm>> -> memref<20000x64xf32, #tpu.memory_space<hbm>>
      tpu.wait_indirect_dma semaphore(%arg15 : memref<!tpu.dma_semaphore, #tpu.memory_space<semaphore_mem>>) src(%dma_wait3A_83 : memref<20000x64xf32, #tpu.memory_space<hbm>>) dst(%arg9 : memref<125x64xf32, #tpu.memory_space<vmem>>)
      %dma_start3A_84 = arith.constant 0 : i32
      %dma_start3A_85 = tpu.memref_slice %arg8[%add3A_67, %dma_start3A_84] : memref<160x125xi32, #tpu.memory_space<vmem>> -> memref<1x125xi32, #tpu.memory_space<vmem>>
      %dma_start3A_86 = tpu.memref_squeeze %dma_start3A_85 : memref<1x125xi32, #tpu.memory_space<vmem>> -> memref<125xi32, #tpu.memory_space<vmem>>
      %dma_start3A_87 = arith.constant 0 : i32
      %dma_start3A_88 = arith.constant 0 : i32
      %dma_start3A_89 = tpu.memref_slice %arg14[%dma_start3A_87, %dma_start3A_88] : memref<10112x64xf32, #tpu.memory_space<vmem_shared>> -> memref<10112x64xf32, #tpu.memory_space<vmem_shared>>
      tpu.enqueue_indirect_dma source(%arg9 : memref<125x64xf32, #tpu.memory_space<vmem>>) target(%dma_start3A_89 : memref<10112x64xf32, #tpu.memory_space<vmem_shared>>) offsets(%dma_start3A_86 : memref<125xi32, #tpu.memory_space<vmem>>) semaphore(%arg19 : memref<!tpu.dma_semaphore, #tpu.memory_space<semaphore_mem>>) {add = true}
      %add3A_90 = arith.constant 1 : i32
      %add3A_91 = arith.addi %mul3A_65, %add3A_90 : i32
      %ge3A_92 = arith.constant 2 : i32
      %ge3A_93 = arith.cmpi sge, %add3A_91, %ge3A_92 : i32
      %convert_element_type3A_94 = arith.extui %ge3A_93 : i1 to i32
      %cond3A_95 = arith.constant 0 : i32
      %cond3A_96 = arith.cmpi ne, %convert_element_type3A_94, %cond3A_95 : i32
      scf.if %cond3A_96 {
        %sub3A = arith.constant 2 : i32
        %sub3A_169 = arith.subi %add3A_91, %sub3A : i32
        %dma_wait3A_170 = arith.constant 0 : i32
        %dma_wait3A_171 = tpu.memref_slice %arg8[%sub3A_169, %dma_wait3A_170] : memref<160x125xi32, #tpu.memory_space<vmem>> -> memref<1x125xi32, #tpu.memory_space<vmem>>
        %dma_wait3A_172 = tpu.memref_squeeze %dma_wait3A_171 : memref<1x125xi32, #tpu.memory_space<vmem>> -> memref<125xi32, #tpu.memory_space<vmem>>
        %dma_wait3A_173 = arith.constant 0 : i32
        %dma_wait3A_174 = arith.constant 0 : i32
        %dma_wait3A_175 = tpu.memref_slice %arg14[%dma_wait3A_173, %dma_wait3A_174] : memref<10112x64xf32, #tpu.memory_space<vmem_shared>> -> memref<10112x64xf32, #tpu.memory_space<vmem_shared>>
        tpu.wait_indirect_dma semaphore(%arg22 : memref<!tpu.dma_semaphore, #tpu.memory_space<semaphore_mem>>) src(%arg12 : memref<125x64xf32, #tpu.memory_space<vmem>>) dst(%dma_wait3A_175 : memref<10112x64xf32, #tpu.memory_space<vmem_shared>>)
      } else {
      }
      %add3A_97 = arith.constant 2 : i32
      %add3A_98 = arith.addi %add3A_91, %add3A_97 : i32
      %lt3A_99 = arith.constant 160 : i32
      %lt3A_100 = arith.cmpi slt, %add3A_98, %lt3A_99 : i32
      %convert_element_type3A_101 = arith.extui %lt3A_100 : i1 to i32
      %cond3A_102 = arith.constant 0 : i32
      %cond3A_103 = arith.cmpi ne, %convert_element_type3A_101, %cond3A_102 : i32
      scf.if %cond3A_103 {
        %add3A_169 = arith.constant 2 : i32
        %add3A_170 = arith.addi %add3A_91, %add3A_169 : i32
        %dma_start3A_171 = arith.constant 0 : i32
        %dma_start3A_172 = tpu.memref_slice %arg7[%add3A_170, %dma_start3A_171] : memref<160x125xi32, #tpu.memory_space<vmem>> -> memref<1x125xi32, #tpu.memory_space<vmem>>
        %dma_start3A_173 = tpu.memref_squeeze %dma_start3A_172 : memref<1x125xi32, #tpu.memory_space<vmem>> -> memref<125xi32, #tpu.memory_space<vmem>>
        %dma_start3A_174 = arith.constant 0 : i32
        %dma_start3A_175 = arith.constant 0 : i32
        %dma_start3A_176 = tpu.memref_slice %arg2[%dma_start3A_174, %dma_start3A_175] : memref<20000x64xf32, #tpu.memory_space<hbm>> -> memref<20000x64xf32, #tpu.memory_space<hbm>>
        tpu.enqueue_indirect_dma source(%dma_start3A_176 : memref<20000x64xf32, #tpu.memory_space<hbm>>) target(%arg12 : memref<125x64xf32, #tpu.memory_space<vmem>>) offsets(%dma_start3A_173 : memref<125xi32, #tpu.memory_space<vmem>>) semaphore(%arg18 : memref<!tpu.dma_semaphore, #tpu.memory_space<semaphore_mem>>)
      } else {
      }
      %dma_wait3A_104 = arith.constant 0 : i32
      %dma_wait3A_105 = tpu.memref_slice %arg7[%add3A_91, %dma_wait3A_104] : memref<160x125xi32, #tpu.memory_space<vmem>> -> memref<1x125xi32, #tpu.memory_space<vmem>>
      %dma_wait3A_106 = tpu.memref_squeeze %dma_wait3A_105 : memref<1x125xi32, #tpu.memory_space<vmem>> -> memref<125xi32, #tpu.memory_space<vmem>>
      %dma_wait3A_107 = arith.constant 0 : i32
      %dma_wait3A_108 = arith.constant 0 : i32
      %dma_wait3A_109 = tpu.memref_slice %arg2[%dma_wait3A_107, %dma_wait3A_108] : memref<20000x64xf32, #tpu.memory_space<hbm>> -> memref<20000x64xf32, #tpu.memory_space<hbm>>
      tpu.wait_indirect_dma semaphore(%arg16 : memref<!tpu.dma_semaphore, #tpu.memory_space<semaphore_mem>>) src(%dma_wait3A_109 : memref<20000x64xf32, #tpu.memory_space<hbm>>) dst(%arg10 : memref<125x64xf32, #tpu.memory_space<vmem>>)
      %dma_start3A_110 = arith.constant 0 : i32
      %dma_start3A_111 = tpu.memref_slice %arg8[%add3A_91, %dma_start3A_110] : memref<160x125xi32, #tpu.memory_space<vmem>> -> memref<1x125xi32, #tpu.memory_space<vmem>>
      %dma_start3A_112 = tpu.memref_squeeze %dma_start3A_111 : memref<1x125xi32, #tpu.memory_space<vmem>> -> memref<125xi32, #tpu.memory_space<vmem>>
      %dma_start3A_113 = arith.constant 0 : i32
      %dma_start3A_114 = arith.constant 0 : i32
      %dma_start3A_115 = tpu.memref_slice %arg14[%dma_start3A_113, %dma_start3A_114] : memref<10112x64xf32, #tpu.memory_space<vmem_shared>> -> memref<10112x64xf32, #tpu.memory_space<vmem_shared>>
      tpu.enqueue_indirect_dma source(%arg10 : memref<125x64xf32, #tpu.memory_space<vmem>>) target(%dma_start3A_115 : memref<10112x64xf32, #tpu.memory_space<vmem_shared>>) offsets(%dma_start3A_112 : memref<125xi32, #tpu.memory_space<vmem>>) semaphore(%arg20 : memref<!tpu.dma_semaphore, #tpu.memory_space<semaphore_mem>>) {add = true}
      %add3A_116 = arith.constant 2 : i32
      %add3A_117 = arith.addi %mul3A_65, %add3A_116 : i32
      %ge3A_118 = arith.constant 2 : i32
      %ge3A_119 = arith.cmpi sge, %add3A_117, %ge3A_118 : i32
      %convert_element_type3A_120 = arith.extui %ge3A_119 : i1 to i32
      %cond3A_121 = arith.constant 0 : i32
      %cond3A_122 = arith.cmpi ne, %convert_element_type3A_120, %cond3A_121 : i32
      scf.if %cond3A_122 {
        %sub3A = arith.constant 2 : i32
        %sub3A_169 = arith.subi %add3A_117, %sub3A : i32
        %dma_wait3A_170 = arith.constant 0 : i32
        %dma_wait3A_171 = tpu.memref_slice %arg8[%sub3A_169, %dma_wait3A_170] : memref<160x125xi32, #tpu.memory_space<vmem>> -> memref<1x125xi32, #tpu.memory_space<vmem>>
        %dma_wait3A_172 = tpu.memref_squeeze %dma_wait3A_171 : memref<1x125xi32, #tpu.memory_space<vmem>> -> memref<125xi32, #tpu.memory_space<vmem>>
        %dma_wait3A_173 = arith.constant 0 : i32
        %dma_wait3A_174 = arith.constant 0 : i32
        %dma_wait3A_175 = tpu.memref_slice %arg14[%dma_wait3A_173, %dma_wait3A_174] : memref<10112x64xf32, #tpu.memory_space<vmem_shared>> -> memref<10112x64xf32, #tpu.memory_space<vmem_shared>>
        tpu.wait_indirect_dma semaphore(%arg19 : memref<!tpu.dma_semaphore, #tpu.memory_space<semaphore_mem>>) src(%arg9 : memref<125x64xf32, #tpu.memory_space<vmem>>) dst(%dma_wait3A_175 : memref<10112x64xf32, #tpu.memory_space<vmem_shared>>)
      } else {
      }
      %add3A_123 = arith.constant 2 : i32
      %add3A_124 = arith.addi %add3A_117, %add3A_123 : i32
      %lt3A_125 = arith.constant 160 : i32
      %lt3A_126 = arith.cmpi slt, %add3A_124, %lt3A_125 : i32
      %convert_element_type3A_127 = arith.extui %lt3A_126 : i1 to i32
      %cond3A_128 = arith.constant 0 : i32
      %cond3A_129 = arith.cmpi ne, %convert_element_type3A_127, %cond3A_128 : i32
      scf.if %cond3A_129 {
        %add3A_169 = arith.constant 2 : i32
        %add3A_170 = arith.addi %add3A_117, %add3A_169 : i32
        %dma_start3A_171 = arith.constant 0 : i32
        %dma_start3A_172 = tpu.memref_slice %arg7[%add3A_170, %dma_start3A_171] : memref<160x125xi32, #tpu.memory_space<vmem>> -> memref<1x125xi32, #tpu.memory_space<vmem>>
        %dma_start3A_173 = tpu.memref_squeeze %dma_start3A_172 : memref<1x125xi32, #tpu.memory_space<vmem>> -> memref<125xi32, #tpu.memory_space<vmem>>
        %dma_start3A_174 = arith.constant 0 : i32
        %dma_start3A_175 = arith.constant 0 : i32
        %dma_start3A_176 = tpu.memref_slice %arg2[%dma_start3A_174, %dma_start3A_175] : memref<20000x64xf32, #tpu.memory_space<hbm>> -> memref<20000x64xf32, #tpu.memory_space<hbm>>
        tpu.enqueue_indirect_dma source(%dma_start3A_176 : memref<20000x64xf32, #tpu.memory_space<hbm>>) target(%arg9 : memref<125x64xf32, #tpu.memory_space<vmem>>) offsets(%dma_start3A_173 : memref<125xi32, #tpu.memory_space<vmem>>) semaphore(%arg15 : memref<!tpu.dma_semaphore, #tpu.memory_space<semaphore_mem>>)
      } else {
      }
      %dma_wait3A_130 = arith.constant 0 : i32
      %dma_wait3A_131 = tpu.memref_slice %arg7[%add3A_117, %dma_wait3A_130] : memref<160x125xi32, #tpu.memory_space<vmem>> -> memref<1x125xi32, #tpu.memory_space<vmem>>
      %dma_wait3A_132 = tpu.memref_squeeze %dma_wait3A_131 : memref<1x125xi32, #tpu.memory_space<vmem>> -> memref<125xi32, #tpu.memory_space<vmem>>
      %dma_wait3A_133 = arith.constant 0 : i32
      %dma_wait3A_134 = arith.constant 0 : i32
      %dma_wait3A_135 = tpu.memref_slice %arg2[%dma_wait3A_133, %dma_wait3A_134] : memref<20000x64xf32, #tpu.memory_space<hbm>> -> memref<20000x64xf32, #tpu.memory_space<hbm>>
      tpu.wait_indirect_dma semaphore(%arg17 : memref<!tpu.dma_semaphore, #tpu.memory_space<semaphore_mem>>) src(%dma_wait3A_135 : memref<20000x64xf32, #tpu.memory_space<hbm>>) dst(%arg11 : memref<125x64xf32, #tpu.memory_space<vmem>>)
      %dma_start3A_136 = arith.constant 0 : i32
      %dma_start3A_137 = tpu.memref_slice %arg8[%add3A_117, %dma_start3A_136] : memref<160x125xi32, #tpu.memory_space<vmem>> -> memref<1x125xi32, #tpu.memory_space<vmem>>
      %dma_start3A_138 = tpu.memref_squeeze %dma_start3A_137 : memref<1x125xi32, #tpu.memory_space<vmem>> -> memref<125xi32, #tpu.memory_space<vmem>>
      %dma_start3A_139 = arith.constant 0 : i32
      %dma_start3A_140 = arith.constant 0 : i32
      %dma_start3A_141 = tpu.memref_slice %arg14[%dma_start3A_139, %dma_start3A_140] : memref<10112x64xf32, #tpu.memory_space<vmem_shared>> -> memref<10112x64xf32, #tpu.memory_space<vmem_shared>>
      tpu.enqueue_indirect_dma source(%arg11 : memref<125x64xf32, #tpu.memory_space<vmem>>) target(%dma_start3A_141 : memref<10112x64xf32, #tpu.memory_space<vmem_shared>>) offsets(%dma_start3A_138 : memref<125xi32, #tpu.memory_space<vmem>>) semaphore(%arg21 : memref<!tpu.dma_semaphore, #tpu.memory_space<semaphore_mem>>) {add = true}
      %add3A_142 = arith.constant 3 : i32
      %add3A_143 = arith.addi %mul3A_65, %add3A_142 : i32
      %ge3A_144 = arith.constant 2 : i32
      %ge3A_145 = arith.cmpi sge, %add3A_143, %ge3A_144 : i32
      %convert_element_type3A_146 = arith.extui %ge3A_145 : i1 to i32
      %cond3A_147 = arith.constant 0 : i32
      %cond3A_148 = arith.cmpi ne, %convert_element_type3A_146, %cond3A_147 : i32
      scf.if %cond3A_148 {
        %sub3A = arith.constant 2 : i32
        %sub3A_169 = arith.subi %add3A_143, %sub3A : i32
        %dma_wait3A_170 = arith.constant 0 : i32
        %dma_wait3A_171 = tpu.memref_slice %arg8[%sub3A_169, %dma_wait3A_170] : memref<160x125xi32, #tpu.memory_space<vmem>> -> memref<1x125xi32, #tpu.memory_space<vmem>>
        %dma_wait3A_172 = tpu.memref_squeeze %dma_wait3A_171 : memref<1x125xi32, #tpu.memory_space<vmem>> -> memref<125xi32, #tpu.memory_space<vmem>>
        %dma_wait3A_173 = arith.constant 0 : i32
        %dma_wait3A_174 = arith.constant 0 : i32
        %dma_wait3A_175 = tpu.memref_slice %arg14[%dma_wait3A_173, %dma_wait3A_174] : memref<10112x64xf32, #tpu.memory_space<vmem_shared>> -> memref<10112x64xf32, #tpu.memory_space<vmem_shared>>
        tpu.wait_indirect_dma semaphore(%arg20 : memref<!tpu.dma_semaphore, #tpu.memory_space<semaphore_mem>>) src(%arg10 : memref<125x64xf32, #tpu.memory_space<vmem>>) dst(%dma_wait3A_175 : memref<10112x64xf32, #tpu.memory_space<vmem_shared>>)
      } else {
      }
      %add3A_149 = arith.constant 2 : i32
      %add3A_150 = arith.addi %add3A_143, %add3A_149 : i32
      %lt3A_151 = arith.constant 160 : i32
      %lt3A_152 = arith.cmpi slt, %add3A_150, %lt3A_151 : i32
      %convert_element_type3A_153 = arith.extui %lt3A_152 : i1 to i32
      %cond3A_154 = arith.constant 0 : i32
      %cond3A_155 = arith.cmpi ne, %convert_element_type3A_153, %cond3A_154 : i32
      scf.if %cond3A_155 {
        %add3A_169 = arith.constant 2 : i32
        %add3A_170 = arith.addi %add3A_143, %add3A_169 : i32
        %dma_start3A_171 = arith.constant 0 : i32
        %dma_start3A_172 = tpu.memref_slice %arg7[%add3A_170, %dma_start3A_171] : memref<160x125xi32, #tpu.memory_space<vmem>> -> memref<1x125xi32, #tpu.memory_space<vmem>>
        %dma_start3A_173 = tpu.memref_squeeze %dma_start3A_172 : memref<1x125xi32, #tpu.memory_space<vmem>> -> memref<125xi32, #tpu.memory_space<vmem>>
        %dma_start3A_174 = arith.constant 0 : i32
        %dma_start3A_175 = arith.constant 0 : i32
        %dma_start3A_176 = tpu.memref_slice %arg2[%dma_start3A_174, %dma_start3A_175] : memref<20000x64xf32, #tpu.memory_space<hbm>> -> memref<20000x64xf32, #tpu.memory_space<hbm>>
        tpu.enqueue_indirect_dma source(%dma_start3A_176 : memref<20000x64xf32, #tpu.memory_space<hbm>>) target(%arg10 : memref<125x64xf32, #tpu.memory_space<vmem>>) offsets(%dma_start3A_173 : memref<125xi32, #tpu.memory_space<vmem>>) semaphore(%arg16 : memref<!tpu.dma_semaphore, #tpu.memory_space<semaphore_mem>>)
      } else {
      }
      %dma_wait3A_156 = arith.constant 0 : i32
      %dma_wait3A_157 = tpu.memref_slice %arg7[%add3A_143, %dma_wait3A_156] : memref<160x125xi32, #tpu.memory_space<vmem>> -> memref<1x125xi32, #tpu.memory_space<vmem>>
      %dma_wait3A_158 = tpu.memref_squeeze %dma_wait3A_157 : memref<1x125xi32, #tpu.memory_space<vmem>> -> memref<125xi32, #tpu.memory_space<vmem>>
      %dma_wait3A_159 = arith.constant 0 : i32
      %dma_wait3A_160 = arith.constant 0 : i32
      %dma_wait3A_161 = tpu.memref_slice %arg2[%dma_wait3A_159, %dma_wait3A_160] : memref<20000x64xf32, #tpu.memory_space<hbm>> -> memref<20000x64xf32, #tpu.memory_space<hbm>>
      tpu.wait_indirect_dma semaphore(%arg18 : memref<!tpu.dma_semaphore, #tpu.memory_space<semaphore_mem>>) src(%dma_wait3A_161 : memref<20000x64xf32, #tpu.memory_space<hbm>>) dst(%arg12 : memref<125x64xf32, #tpu.memory_space<vmem>>)
      %dma_start3A_162 = arith.constant 0 : i32
      %dma_start3A_163 = tpu.memref_slice %arg8[%add3A_143, %dma_start3A_162] : memref<160x125xi32, #tpu.memory_space<vmem>> -> memref<1x125xi32, #tpu.memory_space<vmem>>
      %dma_start3A_164 = tpu.memref_squeeze %dma_start3A_163 : memref<1x125xi32, #tpu.memory_space<vmem>> -> memref<125xi32, #tpu.memory_space<vmem>>
      %dma_start3A_165 = arith.constant 0 : i32
      %dma_start3A_166 = arith.constant 0 : i32
      %dma_start3A_167 = tpu.memref_slice %arg14[%dma_start3A_165, %dma_start3A_166] : memref<10112x64xf32, #tpu.memory_space<vmem_shared>> -> memref<10112x64xf32, #tpu.memory_space<vmem_shared>>
      tpu.enqueue_indirect_dma source(%arg12 : memref<125x64xf32, #tpu.memory_space<vmem>>) target(%dma_start3A_167 : memref<10112x64xf32, #tpu.memory_space<vmem_shared>>) offsets(%dma_start3A_164 : memref<125xi32, #tpu.memory_space<vmem>>) semaphore(%arg22 : memref<!tpu.dma_semaphore, #tpu.memory_space<semaphore_mem>>) {add = true}
      %scan3A_168 = arith.constant 0 : i32
      scf.yield %scan3A_168 : i32
    }
    %scan3A_44 = arith.constant 40 : i32
    %dma_wait3A = arith.constant 158 : i32
    %dma_wait3A_45 = arith.constant 0 : i32
    %dma_wait3A_46 = tpu.memref_slice %arg8[%dma_wait3A, %dma_wait3A_45] : memref<160x125xi32, #tpu.memory_space<vmem>> -> memref<1x125xi32, #tpu.memory_space<vmem>>
    %dma_wait3A_47 = tpu.memref_squeeze %dma_wait3A_46 : memref<1x125xi32, #tpu.memory_space<vmem>> -> memref<125xi32, #tpu.memory_space<vmem>>
    %dma_wait3A_48 = arith.constant 0 : i32
    %dma_wait3A_49 = arith.constant 0 : i32
    %dma_wait3A_50 = tpu.memref_slice %arg14[%dma_wait3A_48, %dma_wait3A_49] : memref<10112x64xf32, #tpu.memory_space<vmem_shared>> -> memref<10112x64xf32, #tpu.memory_space<vmem_shared>>
    tpu.wait_indirect_dma semaphore(%arg21 : memref<!tpu.dma_semaphore, #tpu.memory_space<semaphore_mem>>) src(%arg11 : memref<125x64xf32, #tpu.memory_space<vmem>>) dst(%dma_wait3A_50 : memref<10112x64xf32, #tpu.memory_space<vmem_shared>>)
    %dma_wait3A_51 = arith.constant 159 : i32
    %dma_wait3A_52 = arith.constant 0 : i32
    %dma_wait3A_53 = tpu.memref_slice %arg8[%dma_wait3A_51, %dma_wait3A_52] : memref<160x125xi32, #tpu.memory_space<vmem>> -> memref<1x125xi32, #tpu.memory_space<vmem>>
    %dma_wait3A_54 = tpu.memref_squeeze %dma_wait3A_53 : memref<1x125xi32, #tpu.memory_space<vmem>> -> memref<125xi32, #tpu.memory_space<vmem>>
    %dma_wait3A_55 = arith.constant 0 : i32
    %dma_wait3A_56 = arith.constant 0 : i32
    %dma_wait3A_57 = tpu.memref_slice %arg14[%dma_wait3A_55, %dma_wait3A_56] : memref<10112x64xf32, #tpu.memory_space<vmem_shared>> -> memref<10112x64xf32, #tpu.memory_space<vmem_shared>>
    tpu.wait_indirect_dma semaphore(%arg22 : memref<!tpu.dma_semaphore, #tpu.memory_space<semaphore_mem>>) src(%arg12 : memref<125x64xf32, #tpu.memory_space<vmem>>) dst(%dma_wait3A_57 : memref<10112x64xf32, #tpu.memory_space<vmem_shared>>)
    %barrier3A_58 = arith.constant 0 : index
    tpu.barrier barrier_id(%barrier3A_58)
    %mul3A_59 = arith.constant 10112 : i32
    %mul3A_60 = arith.muli %arg0, %mul3A_59 : i32
    %add3A_61 = arith.addi %mul3A_60, %mul3A_0 : i32
    "tpu.region"() ({
      %run_scoped3A = tpu.sem_alloc : memref<!tpu.dma_semaphore, #tpu.memory_space<semaphore_mem>>
      %dma_start3A_62 = arith.constant 0 : i32
      %dma_start3A_63 = tpu.memref_slice %arg6[%add3A_61, %dma_start3A_62] : memref<20224x64xf32, #tpu.memory_space<hbm>> -> memref<632x64xf32, #tpu.memory_space<hbm>>
      %dma_start3A_64 = arith.constant 0 : i32
      %dma_start3A_65 = tpu.memref_slice %arg14[%mul3A_0, %dma_start3A_64] : memref<10112x64xf32, #tpu.memory_space<vmem_shared>> -> memref<632x64xf32, #tpu.memory_space<vmem_shared>>
      tpu.enqueue_dma source(%dma_start3A_65 : memref<632x64xf32, #tpu.memory_space<vmem_shared>>) target(%dma_start3A_63 : memref<632x64xf32, #tpu.memory_space<hbm>>) target_semaphore(%run_scoped3A : memref<!tpu.dma_semaphore, #tpu.memory_space<semaphore_mem>>)
      %dma_wait3A_66 = arith.constant 0 : i32
      %dma_wait3A_67 = tpu.memref_slice %arg6[%add3A_61, %dma_wait3A_66] : memref<20224x64xf32, #tpu.memory_space<hbm>> -> memref<632x64xf32, #tpu.memory_space<hbm>>
      %dma_wait3A_68 = arith.constant 0 : i32
      %dma_wait3A_69 = tpu.memref_slice %arg14[%mul3A_0, %dma_wait3A_68] : memref<10112x64xf32, #tpu.memory_space<vmem_shared>> -> memref<632x64xf32, #tpu.memory_space<vmem_shared>>
      tpu.wait_dma2 semaphore(%run_scoped3A : memref<!tpu.dma_semaphore, #tpu.memory_space<semaphore_mem>>) src(%dma_wait3A_69 : memref<632x64xf32, #tpu.memory_space<vmem_shared>>) dst(%dma_wait3A_67 : memref<632x64xf32, #tpu.memory_space<hbm>>)
      tpu.yield
    }) : () -> ()
    return
  }
}

#map = affine_map<(d0, d1) -> (0, 0)>
module attributes {stable_mosaic.version = 14 : i64} {
  func.func @prop_kernel(%arg0: i32, %arg1: i32, %arg2: memref<20000x64xf32, #tpu.memory_space<hbm>>, %arg3: memref<2560x125xi32, #tpu.memory_space<hbm>>, %arg4: memref<2560x125xi32, #tpu.memory_space<hbm>>, %arg5: memref<2560x125xi32, #tpu.memory_space<hbm>>, %arg6: memref<20224x64xf32, #tpu.memory_space<hbm>>, %arg7: memref<160x125xi32, #tpu.memory_space<vmem>>, %arg8: memref<160x125xi32, #tpu.memory_space<vmem>>, %arg9: memref<125x64xf32, #tpu.memory_space<vmem>>, %arg10: memref<125x64xf32, #tpu.memory_space<vmem>>, %arg11: memref<125x64xf32, #tpu.memory_space<vmem>>, %arg12: memref<125x64xf32, #tpu.memory_space<vmem>>, %arg13: memref<128x64xf32, #tpu.memory_space<vmem>>, %arg14: memref<10112x64xf32, #tpu.memory_space<vmem_shared>>, %arg15: memref<!tpu.dma_semaphore, #tpu.memory_space<semaphore_mem>>, %arg16: memref<!tpu.dma_semaphore, #tpu.memory_space<semaphore_mem>>, %arg17: memref<!tpu.dma_semaphore, #tpu.memory_space<semaphore_mem>>, %arg18: memref<!tpu.dma_semaphore, #tpu.memory_space<semaphore_mem>>, %arg19: memref<!tpu.dma_semaphore, #tpu.memory_space<semaphore_mem>>, %arg20: memref<!tpu.dma_semaphore, #tpu.memory_space<semaphore_mem>>, %arg21: memref<!tpu.dma_semaphore, #tpu.memory_space<semaphore_mem>>, %arg22: memref<!tpu.dma_semaphore, #tpu.memory_space<semaphore_mem>>) attributes {dimension_semantics = [#tpu.dimension_semantics<core_parallel>, #tpu.dimension_semantics<subcore_parallel>], iteration_bounds = array<i64: 2, 16>, scalar_prefetch = 0 : i64, scratch_operands = 16 : i64, tpu.core_type = #tpu.core_type<sc_vector_subcore>, window_params = [{transform_indices = #map}, {transform_indices = #map}, {transform_indices = #map}, {transform_indices = #map}, {transform_indices = #map}]} {
    %mul3A = arith.constant 632 : i32
    %mul3A_0 = arith.muli %arg1, %mul3A : i32
    %eq3A = arith.constant 0 : i32
    %eq3A_1 = arith.cmpi eq, %arg0, %eq3A : i32
    %convert_element_type3A = arith.extui %eq3A_1 : i1 to i32
    %cond3A = arith.constant 0 : i32
    %cond3A_2 = arith.cmpi ne, %convert_element_type3A, %cond3A : i32
    scf.if %cond3A_2 {
      %mul3A_62 = arith.constant 160 : i32
      %mul3A_63 = arith.muli %arg1, %mul3A_62 : i32
      "tpu.region"() ({
        %run_scoped3A = tpu.sem_alloc : memref<!tpu.dma_semaphore, #tpu.memory_space<semaphore_mem>>
        %dma_start3A_64 = arith.constant 0 : i32
        %dma_start3A_65 = tpu.memref_slice %arg3[%mul3A_63, %dma_start3A_64] : memref<2560x125xi32, #tpu.memory_space<hbm>> -> memref<160x125xi32, #tpu.memory_space<hbm>>
        %dma_start3A_66 = arith.constant 0 : i32
        %dma_start3A_67 = tpu.memref_slice %arg3[%mul3A_63, %dma_start3A_66] : memref<2560x125xi32, #tpu.memory_space<hbm>> -> memref<160x125xi32, #tpu.memory_space<hbm>>
        tpu.enqueue_dma source(%dma_start3A_67 : memref<160x125xi32, #tpu.memory_space<hbm>>) target(%arg7 : memref<160x125xi32, #tpu.memory_space<vmem>>) target_semaphore(%run_scoped3A : memref<!tpu.dma_semaphore, #tpu.memory_space<semaphore_mem>>)
        %dma_wait3A_68 = arith.constant 0 : i32
        %dma_wait3A_69 = tpu.memref_slice %arg3[%mul3A_63, %dma_wait3A_68] : memref<2560x125xi32, #tpu.memory_space<hbm>> -> memref<160x125xi32, #tpu.memory_space<hbm>>
        %dma_wait3A_70 = arith.constant 0 : i32
        %dma_wait3A_71 = tpu.memref_slice %arg3[%mul3A_63, %dma_wait3A_70] : memref<2560x125xi32, #tpu.memory_space<hbm>> -> memref<160x125xi32, #tpu.memory_space<hbm>>
        tpu.wait_dma2 semaphore(%run_scoped3A : memref<!tpu.dma_semaphore, #tpu.memory_space<semaphore_mem>>) src(%dma_wait3A_71 : memref<160x125xi32, #tpu.memory_space<hbm>>) dst(%arg7 : memref<160x125xi32, #tpu.memory_space<vmem>>)
        tpu.yield
      }) : () -> ()
    } else {
    }
    %eq3A_3 = arith.constant 1 : i32
    %eq3A_4 = arith.cmpi eq, %arg0, %eq3A_3 : i32
    %convert_element_type3A_5 = arith.extui %eq3A_4 : i1 to i32
    %cond3A_6 = arith.constant 0 : i32
    %cond3A_7 = arith.cmpi ne, %convert_element_type3A_5, %cond3A_6 : i32
    scf.if %cond3A_7 {
      %mul3A_62 = arith.constant 160 : i32
      %mul3A_63 = arith.muli %arg1, %mul3A_62 : i32
      "tpu.region"() ({
        %run_scoped3A = tpu.sem_alloc : memref<!tpu.dma_semaphore, #tpu.memory_space<semaphore_mem>>
        %dma_start3A_64 = arith.constant 0 : i32
        %dma_start3A_65 = tpu.memref_slice %arg4[%mul3A_63, %dma_start3A_64] : memref<2560x125xi32, #tpu.memory_space<hbm>> -> memref<160x125xi32, #tpu.memory_space<hbm>>
        %dma_start3A_66 = arith.constant 0 : i32
        %dma_start3A_67 = tpu.memref_slice %arg4[%mul3A_63, %dma_start3A_66] : memref<2560x125xi32, #tpu.memory_space<hbm>> -> memref<160x125xi32, #tpu.memory_space<hbm>>
        tpu.enqueue_dma source(%dma_start3A_67 : memref<160x125xi32, #tpu.memory_space<hbm>>) target(%arg7 : memref<160x125xi32, #tpu.memory_space<vmem>>) target_semaphore(%run_scoped3A : memref<!tpu.dma_semaphore, #tpu.memory_space<semaphore_mem>>)
        %dma_wait3A_68 = arith.constant 0 : i32
        %dma_wait3A_69 = tpu.memref_slice %arg4[%mul3A_63, %dma_wait3A_68] : memref<2560x125xi32, #tpu.memory_space<hbm>> -> memref<160x125xi32, #tpu.memory_space<hbm>>
        %dma_wait3A_70 = arith.constant 0 : i32
        %dma_wait3A_71 = tpu.memref_slice %arg4[%mul3A_63, %dma_wait3A_70] : memref<2560x125xi32, #tpu.memory_space<hbm>> -> memref<160x125xi32, #tpu.memory_space<hbm>>
        tpu.wait_dma2 semaphore(%run_scoped3A : memref<!tpu.dma_semaphore, #tpu.memory_space<semaphore_mem>>) src(%dma_wait3A_71 : memref<160x125xi32, #tpu.memory_space<hbm>>) dst(%arg7 : memref<160x125xi32, #tpu.memory_space<vmem>>)
        tpu.yield
      }) : () -> ()
    } else {
    }
    %mul3A_8 = arith.constant 160 : i32
    %mul3A_9 = arith.muli %arg1, %mul3A_8 : i32
    "tpu.region"() ({
      %run_scoped3A = tpu.sem_alloc : memref<!tpu.dma_semaphore, #tpu.memory_space<semaphore_mem>>
      %dma_start3A_62 = arith.constant 0 : i32
      %dma_start3A_63 = tpu.memref_slice %arg5[%mul3A_9, %dma_start3A_62] : memref<2560x125xi32, #tpu.memory_space<hbm>> -> memref<160x125xi32, #tpu.memory_space<hbm>>
      %dma_start3A_64 = arith.constant 0 : i32
      %dma_start3A_65 = tpu.memref_slice %arg5[%mul3A_9, %dma_start3A_64] : memref<2560x125xi32, #tpu.memory_space<hbm>> -> memref<160x125xi32, #tpu.memory_space<hbm>>
      tpu.enqueue_dma source(%dma_start3A_65 : memref<160x125xi32, #tpu.memory_space<hbm>>) target(%arg8 : memref<160x125xi32, #tpu.memory_space<vmem>>) target_semaphore(%run_scoped3A : memref<!tpu.dma_semaphore, #tpu.memory_space<semaphore_mem>>)
      %dma_wait3A_66 = arith.constant 0 : i32
      %dma_wait3A_67 = tpu.memref_slice %arg5[%mul3A_9, %dma_wait3A_66] : memref<2560x125xi32, #tpu.memory_space<hbm>> -> memref<160x125xi32, #tpu.memory_space<hbm>>
      %dma_wait3A_68 = arith.constant 0 : i32
      %dma_wait3A_69 = tpu.memref_slice %arg5[%mul3A_9, %dma_wait3A_68] : memref<2560x125xi32, #tpu.memory_space<hbm>> -> memref<160x125xi32, #tpu.memory_space<hbm>>
      tpu.wait_dma2 semaphore(%run_scoped3A : memref<!tpu.dma_semaphore, #tpu.memory_space<semaphore_mem>>) src(%dma_wait3A_69 : memref<160x125xi32, #tpu.memory_space<hbm>>) dst(%arg8 : memref<160x125xi32, #tpu.memory_space<vmem>>)
      tpu.yield
    }) : () -> ()
    %dma_start3A = arith.constant 0 : i32
    %dma_start3A_10 = arith.constant 0 : i32
    %dma_start3A_11 = tpu.memref_slice %arg7[%dma_start3A, %dma_start3A_10] : memref<160x125xi32, #tpu.memory_space<vmem>> -> memref<1x125xi32, #tpu.memory_space<vmem>>
    %dma_start3A_12 = tpu.memref_squeeze %dma_start3A_11 : memref<1x125xi32, #tpu.memory_space<vmem>> -> memref<125xi32, #tpu.memory_space<vmem>>
    %dma_start3A_13 = arith.constant 0 : i32
    %dma_start3A_14 = arith.constant 0 : i32
    %dma_start3A_15 = tpu.memref_slice %arg2[%dma_start3A_13, %dma_start3A_14] : memref<20000x64xf32, #tpu.memory_space<hbm>> -> memref<20000x64xf32, #tpu.memory_space<hbm>>
    tpu.enqueue_indirect_dma source(%dma_start3A_15 : memref<20000x64xf32, #tpu.memory_space<hbm>>) target(%arg9 : memref<125x64xf32, #tpu.memory_space<vmem>>) offsets(%dma_start3A_12 : memref<125xi32, #tpu.memory_space<vmem>>) semaphore(%arg15 : memref<!tpu.dma_semaphore, #tpu.memory_space<semaphore_mem>>)
    %dma_start3A_16 = arith.constant 1 : i32
    %dma_start3A_17 = arith.constant 0 : i32
    %dma_start3A_18 = tpu.memref_slice %arg7[%dma_start3A_16, %dma_start3A_17] : memref<160x125xi32, #tpu.memory_space<vmem>> -> memref<1x125xi32, #tpu.memory_space<vmem>>
    %dma_start3A_19 = tpu.memref_squeeze %dma_start3A_18 : memref<1x125xi32, #tpu.memory_space<vmem>> -> memref<125xi32, #tpu.memory_space<vmem>>
    %dma_start3A_20 = arith.constant 0 : i32
    %dma_start3A_21 = arith.constant 0 : i32
    %dma_start3A_22 = tpu.memref_slice %arg2[%dma_start3A_20, %dma_start3A_21] : memref<20000x64xf32, #tpu.memory_space<hbm>> -> memref<20000x64xf32, #tpu.memory_space<hbm>>
    tpu.enqueue_indirect_dma source(%dma_start3A_22 : memref<20000x64xf32, #tpu.memory_space<hbm>>) target(%arg10 : memref<125x64xf32, #tpu.memory_space<vmem>>) offsets(%dma_start3A_19 : memref<125xi32, #tpu.memory_space<vmem>>) semaphore(%arg16 : memref<!tpu.dma_semaphore, #tpu.memory_space<semaphore_mem>>)
    %scan3A = arith.constant 0 : i32
    %scan3A_23 = arith.constant 0 : i32
    %scan3A_24 = arith.constant 128 : i32
    %scan3A_25 = arith.addi %scan3A_23, %scan3A_24 : i32
    %scan3A_26 = arith.constant 1 : i32
    %scan3A_27 = scf.for %scan3A_62 = %scan3A_23 to %scan3A_25 step %scan3A_26 iter_args(%scan3A_63 = %scan3A) -> (i32)  : i32 {
      %broadcast_in_dim3A = arith.constant 0.000000e+00 : f32
      %broadcast_in_dim3A_64 = vector.broadcast %broadcast_in_dim3A : f32 to vector<16xf32>
      %swap3A = arith.index_cast %scan3A_62 : i32 to index
      %swap3A_65 = arith.constant 0 : index
      %swap3A_66 = tpu.vector_load %arg13[%swap3A, %swap3A_65] {strides = array<i32>} : memref<128x64xf32, #tpu.memory_space<vmem>>, vector<1x16xf32>,
      %swap3A_67 = vector.shape_cast %swap3A_66 : vector<1x16xf32> to vector<16xf32>
      %swap3A_68 = vector.shape_cast %broadcast_in_dim3A_64 : vector<16xf32> to vector<1x16xf32>
      tpu.vector_store %arg13[%swap3A, %swap3A_65], %swap3A_68 {strides = array<i32>} : memref<128x64xf32, #tpu.memory_space<vmem>>, vector<1x16xf32>,
      %broadcast_in_dim3A_69 = arith.constant 0.000000e+00 : f32
      %broadcast_in_dim3A_70 = vector.broadcast %broadcast_in_dim3A_69 : f32 to vector<16xf32>
      %swap3A_71 = arith.index_cast %scan3A_62 : i32 to index
      %swap3A_72 = arith.constant 16 : index
      %swap3A_73 = tpu.vector_load %arg13[%swap3A_71, %swap3A_72] {strides = array<i32>} : memref<128x64xf32, #tpu.memory_space<vmem>>, vector<1x16xf32>,
      %swap3A_74 = vector.shape_cast %swap3A_73 : vector<1x16xf32> to vector<16xf32>
      %swap3A_75 = vector.shape_cast %broadcast_in_dim3A_70 : vector<16xf32> to vector<1x16xf32>
      tpu.vector_store %arg13[%swap3A_71, %swap3A_72], %swap3A_75 {strides = array<i32>} : memref<128x64xf32, #tpu.memory_space<vmem>>, vector<1x16xf32>,
      %broadcast_in_dim3A_76 = arith.constant 0.000000e+00 : f32
      %broadcast_in_dim3A_77 = vector.broadcast %broadcast_in_dim3A_76 : f32 to vector<16xf32>
      %swap3A_78 = arith.index_cast %scan3A_62 : i32 to index
      %swap3A_79 = arith.constant 32 : index
      %swap3A_80 = tpu.vector_load %arg13[%swap3A_78, %swap3A_79] {strides = array<i32>} : memref<128x64xf32, #tpu.memory_space<vmem>>, vector<1x16xf32>,
      %swap3A_81 = vector.shape_cast %swap3A_80 : vector<1x16xf32> to vector<16xf32>
      %swap3A_82 = vector.shape_cast %broadcast_in_dim3A_77 : vector<16xf32> to vector<1x16xf32>
      tpu.vector_store %arg13[%swap3A_78, %swap3A_79], %swap3A_82 {strides = array<i32>} : memref<128x64xf32, #tpu.memory_space<vmem>>, vector<1x16xf32>,
      %broadcast_in_dim3A_83 = arith.constant 0.000000e+00 : f32
      %broadcast_in_dim3A_84 = vector.broadcast %broadcast_in_dim3A_83 : f32 to vector<16xf32>
      %swap3A_85 = arith.index_cast %scan3A_62 : i32 to index
      %swap3A_86 = arith.constant 48 : index
      %swap3A_87 = tpu.vector_load %arg13[%swap3A_85, %swap3A_86] {strides = array<i32>} : memref<128x64xf32, #tpu.memory_space<vmem>>, vector<1x16xf32>,
      %swap3A_88 = vector.shape_cast %swap3A_87 : vector<1x16xf32> to vector<16xf32>
      %swap3A_89 = vector.shape_cast %broadcast_in_dim3A_84 : vector<16xf32> to vector<1x16xf32>
      tpu.vector_store %arg13[%swap3A_85, %swap3A_86], %swap3A_89 {strides = array<i32>} : memref<128x64xf32, #tpu.memory_space<vmem>>, vector<1x16xf32>,
      %scan3A_90 = arith.constant 0 : i32
      scf.yield %scan3A_90 : i32
    }
    %scan3A_28 = arith.constant 128 : i32
    %add3A = arith.constant 0 : i32
    %add3A_29 = arith.addi %mul3A_0, %add3A : i32
    "tpu.region"() ({
      %run_scoped3A = tpu.sem_alloc : memref<!tpu.dma_semaphore, #tpu.memory_space<semaphore_mem>>
      %dma_start3A_62 = arith.constant 0 : i32
      %dma_start3A_63 = tpu.memref_slice %arg14[%add3A_29, %dma_start3A_62] : memref<10112x64xf32, #tpu.memory_space<vmem_shared>> -> memref<128x64xf32, #tpu.memory_space<vmem_shared>>
      %dma_start3A_64 = arith.constant 0 : i32
      %dma_start3A_65 = tpu.memref_slice %arg14[%add3A_29, %dma_start3A_64] : memref<10112x64xf32, #tpu.memory_space<vmem_shared>> -> memref<128x64xf32, #tpu.memory_space<vmem_shared>>
      tpu.enqueue_dma source(%arg13 : memref<128x64xf32, #tpu.memory_space<vmem>>) target(%dma_start3A_65 : memref<128x64xf32, #tpu.memory_space<vmem_shared>>) target_semaphore(%run_scoped3A : memref<!tpu.dma_semaphore, #tpu.memory_space<semaphore_mem>>)
      %dma_wait3A_66 = arith.constant 0 : i32
      %dma_wait3A_67 = tpu.memref_slice %arg14[%add3A_29, %dma_wait3A_66] : memref<10112x64xf32, #tpu.memory_space<vmem_shared>> -> memref<128x64xf32, #tpu.memory_space<vmem_shared>>
      %dma_wait3A_68 = arith.constant 0 : i32
      %dma_wait3A_69 = tpu.memref_slice %arg14[%add3A_29, %dma_wait3A_68] : memref<10112x64xf32, #tpu.memory_space<vmem_shared>> -> memref<128x64xf32, #tpu.memory_space<vmem_shared>>
      tpu.wait_dma2 semaphore(%run_scoped3A : memref<!tpu.dma_semaphore, #tpu.memory_space<semaphore_mem>>) src(%arg13 : memref<128x64xf32, #tpu.memory_space<vmem>>) dst(%dma_wait3A_69 : memref<128x64xf32, #tpu.memory_space<vmem_shared>>)
      tpu.yield
    }) : () -> ()
    %add3A_30 = arith.constant 128 : i32
    %add3A_31 = arith.addi %mul3A_0, %add3A_30 : i32
    "tpu.region"() ({
      %run_scoped3A = tpu.sem_alloc : memref<!tpu.dma_semaphore, #tpu.memory_space<semaphore_mem>>
      %dma_start3A_62 = arith.constant 0 : i32
      %dma_start3A_63 = tpu.memref_slice %arg14[%add3A_31, %dma_start3A_62] : memref<10112x64xf32, #tpu.memory_space<vmem_shared>> -> memref<128x64xf32, #tpu.memory_space<vmem_shared>>
      %dma_start3A_64 = arith.constant 0 : i32
      %dma_start3A_65 = tpu.memref_slice %arg14[%add3A_31, %dma_start3A_64] : memref<10112x64xf32, #tpu.memory_space<vmem_shared>> -> memref<128x64xf32, #tpu.memory_space<vmem_shared>>
      tpu.enqueue_dma source(%arg13 : memref<128x64xf32, #tpu.memory_space<vmem>>) target(%dma_start3A_65 : memref<128x64xf32, #tpu.memory_space<vmem_shared>>) target_semaphore(%run_scoped3A : memref<!tpu.dma_semaphore, #tpu.memory_space<semaphore_mem>>)
      %dma_wait3A_66 = arith.constant 0 : i32
      %dma_wait3A_67 = tpu.memref_slice %arg14[%add3A_31, %dma_wait3A_66] : memref<10112x64xf32, #tpu.memory_space<vmem_shared>> -> memref<128x64xf32, #tpu.memory_space<vmem_shared>>
      %dma_wait3A_68 = arith.constant 0 : i32
      %dma_wait3A_69 = tpu.memref_slice %arg14[%add3A_31, %dma_wait3A_68] : memref<10112x64xf32, #tpu.memory_space<vmem_shared>> -> memref<128x64xf32, #tpu.memory_space<vmem_shared>>
      tpu.wait_dma2 semaphore(%run_scoped3A : memref<!tpu.dma_semaphore, #tpu.memory_space<semaphore_mem>>) src(%arg13 : memref<128x64xf32, #tpu.memory_space<vmem>>) dst(%dma_wait3A_69 : memref<128x64xf32, #tpu.memory_space<vmem_shared>>)
      tpu.yield
    }) : () -> ()
    %add3A_32 = arith.constant 256 : i32
    %add3A_33 = arith.addi %mul3A_0, %add3A_32 : i32
    "tpu.region"() ({
      %run_scoped3A = tpu.sem_alloc : memref<!tpu.dma_semaphore, #tpu.memory_space<semaphore_mem>>
      %dma_start3A_62 = arith.constant 0 : i32
      %dma_start3A_63 = tpu.memref_slice %arg14[%add3A_33, %dma_start3A_62] : memref<10112x64xf32, #tpu.memory_space<vmem_shared>> -> memref<128x64xf32, #tpu.memory_space<vmem_shared>>
      %dma_start3A_64 = arith.constant 0 : i32
      %dma_start3A_65 = tpu.memref_slice %arg14[%add3A_33, %dma_start3A_64] : memref<10112x64xf32, #tpu.memory_space<vmem_shared>> -> memref<128x64xf32, #tpu.memory_space<vmem_shared>>
      tpu.enqueue_dma source(%arg13 : memref<128x64xf32, #tpu.memory_space<vmem>>) target(%dma_start3A_65 : memref<128x64xf32, #tpu.memory_space<vmem_shared>>) target_semaphore(%run_scoped3A : memref<!tpu.dma_semaphore, #tpu.memory_space<semaphore_mem>>)
      %dma_wait3A_66 = arith.constant 0 : i32
      %dma_wait3A_67 = tpu.memref_slice %arg14[%add3A_33, %dma_wait3A_66] : memref<10112x64xf32, #tpu.memory_space<vmem_shared>> -> memref<128x64xf32, #tpu.memory_space<vmem_shared>>
      %dma_wait3A_68 = arith.constant 0 : i32
      %dma_wait3A_69 = tpu.memref_slice %arg14[%add3A_33, %dma_wait3A_68] : memref<10112x64xf32, #tpu.memory_space<vmem_shared>> -> memref<128x64xf32, #tpu.memory_space<vmem_shared>>
      tpu.wait_dma2 semaphore(%run_scoped3A : memref<!tpu.dma_semaphore, #tpu.memory_space<semaphore_mem>>) src(%arg13 : memref<128x64xf32, #tpu.memory_space<vmem>>) dst(%dma_wait3A_69 : memref<128x64xf32, #tpu.memory_space<vmem_shared>>)
      tpu.yield
    }) : () -> ()
    %add3A_34 = arith.constant 384 : i32
    %add3A_35 = arith.addi %mul3A_0, %add3A_34 : i32
    "tpu.region"() ({
      %run_scoped3A = tpu.sem_alloc : memref<!tpu.dma_semaphore, #tpu.memory_space<semaphore_mem>>
      %dma_start3A_62 = arith.constant 0 : i32
      %dma_start3A_63 = tpu.memref_slice %arg14[%add3A_35, %dma_start3A_62] : memref<10112x64xf32, #tpu.memory_space<vmem_shared>> -> memref<128x64xf32, #tpu.memory_space<vmem_shared>>
      %dma_start3A_64 = arith.constant 0 : i32
      %dma_start3A_65 = tpu.memref_slice %arg14[%add3A_35, %dma_start3A_64] : memref<10112x64xf32, #tpu.memory_space<vmem_shared>> -> memref<128x64xf32, #tpu.memory_space<vmem_shared>>
      tpu.enqueue_dma source(%arg13 : memref<128x64xf32, #tpu.memory_space<vmem>>) target(%dma_start3A_65 : memref<128x64xf32, #tpu.memory_space<vmem_shared>>) target_semaphore(%run_scoped3A : memref<!tpu.dma_semaphore, #tpu.memory_space<semaphore_mem>>)
      %dma_wait3A_66 = arith.constant 0 : i32
      %dma_wait3A_67 = tpu.memref_slice %arg14[%add3A_35, %dma_wait3A_66] : memref<10112x64xf32, #tpu.memory_space<vmem_shared>> -> memref<128x64xf32, #tpu.memory_space<vmem_shared>>
      %dma_wait3A_68 = arith.constant 0 : i32
      %dma_wait3A_69 = tpu.memref_slice %arg14[%add3A_35, %dma_wait3A_68] : memref<10112x64xf32, #tpu.memory_space<vmem_shared>> -> memref<128x64xf32, #tpu.memory_space<vmem_shared>>
      tpu.wait_dma2 semaphore(%run_scoped3A : memref<!tpu.dma_semaphore, #tpu.memory_space<semaphore_mem>>) src(%arg13 : memref<128x64xf32, #tpu.memory_space<vmem>>) dst(%dma_wait3A_69 : memref<128x64xf32, #tpu.memory_space<vmem_shared>>)
      tpu.yield
    }) : () -> ()
    %add3A_36 = arith.constant 512 : i32
    %add3A_37 = arith.addi %mul3A_0, %add3A_36 : i32
    "tpu.region"() ({
      %run_scoped3A = tpu.sem_alloc : memref<!tpu.dma_semaphore, #tpu.memory_space<semaphore_mem>>
      %dma_start3A_62 = arith.constant 0 : i32
      %dma_start3A_63 = arith.constant 0 : i32
      %dma_start3A_64 = tpu.memref_slice %arg13[%dma_start3A_62, %dma_start3A_63] : memref<128x64xf32, #tpu.memory_space<vmem>> -> memref<120x64xf32, #tpu.memory_space<vmem>>
      %dma_start3A_65 = arith.constant 0 : i32
      %dma_start3A_66 = tpu.memref_slice %arg14[%add3A_37, %dma_start3A_65] : memref<10112x64xf32, #tpu.memory_space<vmem_shared>> -> memref<120x64xf32, #tpu.memory_space<vmem_shared>>
      %dma_start3A_67 = arith.constant 0 : i32
      %dma_start3A_68 = tpu.memref_slice %arg14[%add3A_37, %dma_start3A_67] : memref<10112x64xf32, #tpu.memory_space<vmem_shared>> -> memref<120x64xf32, #tpu.memory_space<vmem_shared>>
      %dma_start3A_69 = arith.constant 0 : i32
      %dma_start3A_70 = arith.constant 0 : i32
      %dma_start3A_71 = tpu.memref_slice %arg13[%dma_start3A_69, %dma_start3A_70] : memref<128x64xf32, #tpu.memory_space<vmem>> -> memref<120x64xf32, #tpu.memory_space<vmem>>
      tpu.enqueue_dma source(%dma_start3A_71 : memref<120x64xf32, #tpu.memory_space<vmem>>) target(%dma_start3A_68 : memref<120x64xf32, #tpu.memory_space<vmem_shared>>) target_semaphore(%run_scoped3A : memref<!tpu.dma_semaphore, #tpu.memory_space<semaphore_mem>>)
      %dma_wait3A_72 = arith.constant 0 : i32
      %dma_wait3A_73 = arith.constant 0 : i32
      %dma_wait3A_74 = tpu.memref_slice %arg13[%dma_wait3A_72, %dma_wait3A_73] : memref<128x64xf32, #tpu.memory_space<vmem>> -> memref<120x64xf32, #tpu.memory_space<vmem>>
      %dma_wait3A_75 = arith.constant 0 : i32
      %dma_wait3A_76 = tpu.memref_slice %arg14[%add3A_37, %dma_wait3A_75] : memref<10112x64xf32, #tpu.memory_space<vmem_shared>> -> memref<120x64xf32, #tpu.memory_space<vmem_shared>>
      %dma_wait3A_77 = arith.constant 0 : i32
      %dma_wait3A_78 = tpu.memref_slice %arg14[%add3A_37, %dma_wait3A_77] : memref<10112x64xf32, #tpu.memory_space<vmem_shared>> -> memref<120x64xf32, #tpu.memory_space<vmem_shared>>
      %dma_wait3A_79 = arith.constant 0 : i32
      %dma_wait3A_80 = arith.constant 0 : i32
      %dma_wait3A_81 = tpu.memref_slice %arg13[%dma_wait3A_79, %dma_wait3A_80] : memref<128x64xf32, #tpu.memory_space<vmem>> -> memref<120x64xf32, #tpu.memory_space<vmem>>
      tpu.wait_dma2 semaphore(%run_scoped3A : memref<!tpu.dma_semaphore, #tpu.memory_space<semaphore_mem>>) src(%dma_wait3A_81 : memref<120x64xf32, #tpu.memory_space<vmem>>) dst(%dma_wait3A_78 : memref<120x64xf32, #tpu.memory_space<vmem_shared>>)
      tpu.yield
    }) : () -> ()
    %barrier3A = arith.constant 0 : index
    tpu.barrier barrier_id(%barrier3A)
    %scan3A_38 = arith.constant 0 : i32
    %scan3A_39 = arith.constant 0 : i32
    %scan3A_40 = arith.constant 40 : i32
    %scan3A_41 = arith.addi %scan3A_39, %scan3A_40 : i32
    %scan3A_42 = arith.constant 1 : i32
    %scan3A_43 = scf.for %scan3A_62 = %scan3A_39 to %scan3A_41 step %scan3A_42 iter_args(%scan3A_63 = %scan3A_38) -> (i32)  : i32 {
      %mul3A_64 = arith.constant 4 : i32
      %mul3A_65 = arith.muli %mul3A_64, %scan3A_62 : i32
      %add3A_66 = arith.constant 0 : i32
      %add3A_67 = arith.addi %mul3A_65, %add3A_66 : i32
      %ge3A = arith.constant 2 : i32
      %ge3A_68 = arith.cmpi sge, %add3A_67, %ge3A : i32
      %convert_element_type3A_69 = arith.extui %ge3A_68 : i1 to i32
      %cond3A_70 = arith.constant 0 : i32
      %cond3A_71 = arith.cmpi ne, %convert_element_type3A_69, %cond3A_70 : i32
      scf.if %cond3A_71 {
        %sub3A = arith.constant 2 : i32
        %sub3A_169 = arith.subi %add3A_67, %sub3A : i32
        %dma_wait3A_170 = arith.constant 0 : i32
        %dma_wait3A_171 = tpu.memref_slice %arg8[%sub3A_169, %dma_wait3A_170] : memref<160x125xi32, #tpu.memory_space<vmem>> -> memref<1x125xi32, #tpu.memory_space<vmem>>
        %dma_wait3A_172 = tpu.memref_squeeze %dma_wait3A_171 : memref<1x125xi32, #tpu.memory_space<vmem>> -> memref<125xi32, #tpu.memory_space<vmem>>
        %dma_wait3A_173 = arith.constant 0 : i32
        %dma_wait3A_174 = arith.constant 0 : i32
        %dma_wait3A_175 = tpu.memref_slice %arg14[%dma_wait3A_173, %dma_wait3A_174] : memref<10112x64xf32, #tpu.memory_space<vmem_shared>> -> memref<10112x64xf32, #tpu.memory_space<vmem_shared>>
        tpu.wait_indirect_dma semaphore(%arg21 : memref<!tpu.dma_semaphore, #tpu.memory_space<semaphore_mem>>) src(%arg11 : memref<125x64xf32, #tpu.memory_space<vmem>>) dst(%dma_wait3A_175 : memref<10112x64xf32, #tpu.memory_space<vmem_shared>>)
      } else {
      }
      %add3A_72 = arith.constant 2 : i32
      %add3A_73 = arith.addi %add3A_67, %add3A_72 : i32
      %lt3A = arith.constant 160 : i32
      %lt3A_74 = arith.cmpi slt, %add3A_73, %lt3A : i32
      %convert_element_type3A_75 = arith.extui %lt3A_74 : i1 to i32
      %cond3A_76 = arith.constant 0 : i32
      %cond3A_77 = arith.cmpi ne, %convert_element_type3A_75, %cond3A_76 : i32
      scf.if %cond3A_77 {
        %add3A_169 = arith.constant 2 : i32
        %add3A_170 = arith.addi %add3A_67, %add3A_169 : i32
        %dma_start3A_171 = arith.constant 0 : i32
        %dma_start3A_172 = tpu.memref_slice %arg7[%add3A_170, %dma_start3A_171] : memref<160x125xi32, #tpu.memory_space<vmem>> -> memref<1x125xi32, #tpu.memory_space<vmem>>
        %dma_start3A_173 = tpu.memref_squeeze %dma_start3A_172 : memref<1x125xi32, #tpu.memory_space<vmem>> -> memref<125xi32, #tpu.memory_space<vmem>>
        %dma_start3A_174 = arith.constant 0 : i32
        %dma_start3A_175 = arith.constant 0 : i32
        %dma_start3A_176 = tpu.memref_slice %arg2[%dma_start3A_174, %dma_start3A_175] : memref<20000x64xf32, #tpu.memory_space<hbm>> -> memref<20000x64xf32, #tpu.memory_space<hbm>>
        tpu.enqueue_indirect_dma source(%dma_start3A_176 : memref<20000x64xf32, #tpu.memory_space<hbm>>) target(%arg11 : memref<125x64xf32, #tpu.memory_space<vmem>>) offsets(%dma_start3A_173 : memref<125xi32, #tpu.memory_space<vmem>>) semaphore(%arg17 : memref<!tpu.dma_semaphore, #tpu.memory_space<semaphore_mem>>)
      } else {
      }
      %dma_wait3A_78 = arith.constant 0 : i32
      %dma_wait3A_79 = tpu.memref_slice %arg7[%add3A_67, %dma_wait3A_78] : memref<160x125xi32, #tpu.memory_space<vmem>> -> memref<1x125xi32, #tpu.memory_space<vmem>>
      %dma_wait3A_80 = tpu.memref_squeeze %dma_wait3A_79 : memref<1x125xi32, #tpu.memory_space<vmem>> -> memref<125xi32, #tpu.memory_space<vmem>>
      %dma_wait3A_81 = arith.constant 0 : i32
      %dma_wait3A_82 = arith.constant 0 : i32
      %dma_wait3A_83 = tpu.memref_slice %arg2[%dma_wait3A_81, %dma_wait3A_82] : memref<20000x64xf32, #tpu.memory_space<hbm>> -> memref<20000x64xf32, #tpu.memory_space<hbm>>
      tpu.wait_indirect_dma semaphore(%arg15 : memref<!tpu.dma_semaphore, #tpu.memory_space<semaphore_mem>>) src(%dma_wait3A_83 : memref<20000x64xf32, #tpu.memory_space<hbm>>) dst(%arg9 : memref<125x64xf32, #tpu.memory_space<vmem>>)
      %dma_start3A_84 = arith.constant 0 : i32
      %dma_start3A_85 = tpu.memref_slice %arg8[%add3A_67, %dma_start3A_84] : memref<160x125xi32, #tpu.memory_space<vmem>> -> memref<1x125xi32, #tpu.memory_space<vmem>>
      %dma_start3A_86 = tpu.memref_squeeze %dma_start3A_85 : memref<1x125xi32, #tpu.memory_space<vmem>> -> memref<125xi32, #tpu.memory_space<vmem>>
      %dma_start3A_87 = arith.constant 0 : i32
      %dma_start3A_88 = arith.constant 0 : i32
      %dma_start3A_89 = tpu.memref_slice %arg14[%dma_start3A_87, %dma_start3A_88] : memref<10112x64xf32, #tpu.memory_space<vmem_shared>> -> memref<10112x64xf32, #tpu.memory_space<vmem_shared>>
      tpu.enqueue_indirect_dma source(%arg9 : memref<125x64xf32, #tpu.memory_space<vmem>>) target(%dma_start3A_89 : memref<10112x64xf32, #tpu.memory_space<vmem_shared>>) offsets(%dma_start3A_86 : memref<125xi32, #tpu.memory_space<vmem>>) semaphore(%arg19 : memref<!tpu.dma_semaphore, #tpu.memory_space<semaphore_mem>>) {add = true}
      %add3A_90 = arith.constant 1 : i32
      %add3A_91 = arith.addi %mul3A_65, %add3A_90 : i32
      %ge3A_92 = arith.constant 2 : i32
      %ge3A_93 = arith.cmpi sge, %add3A_91, %ge3A_92 : i32
      %convert_element_type3A_94 = arith.extui %ge3A_93 : i1 to i32
      %cond3A_95 = arith.constant 0 : i32
      %cond3A_96 = arith.cmpi ne, %convert_element_type3A_94, %cond3A_95 : i32
      scf.if %cond3A_96 {
        %sub3A = arith.constant 2 : i32
        %sub3A_169 = arith.subi %add3A_91, %sub3A : i32
        %dma_wait3A_170 = arith.constant 0 : i32
        %dma_wait3A_171 = tpu.memref_slice %arg8[%sub3A_169, %dma_wait3A_170] : memref<160x125xi32, #tpu.memory_space<vmem>> -> memref<1x125xi32, #tpu.memory_space<vmem>>
        %dma_wait3A_172 = tpu.memref_squeeze %dma_wait3A_171 : memref<1x125xi32, #tpu.memory_space<vmem>> -> memref<125xi32, #tpu.memory_space<vmem>>
        %dma_wait3A_173 = arith.constant 0 : i32
        %dma_wait3A_174 = arith.constant 0 : i32
        %dma_wait3A_175 = tpu.memref_slice %arg14[%dma_wait3A_173, %dma_wait3A_174] : memref<10112x64xf32, #tpu.memory_space<vmem_shared>> -> memref<10112x64xf32, #tpu.memory_space<vmem_shared>>
        tpu.wait_indirect_dma semaphore(%arg22 : memref<!tpu.dma_semaphore, #tpu.memory_space<semaphore_mem>>) src(%arg12 : memref<125x64xf32, #tpu.memory_space<vmem>>) dst(%dma_wait3A_175 : memref<10112x64xf32, #tpu.memory_space<vmem_shared>>)
      } else {
      }
      %add3A_97 = arith.constant 2 : i32
      %add3A_98 = arith.addi %add3A_91, %add3A_97 : i32
      %lt3A_99 = arith.constant 160 : i32
      %lt3A_100 = arith.cmpi slt, %add3A_98, %lt3A_99 : i32
      %convert_element_type3A_101 = arith.extui %lt3A_100 : i1 to i32
      %cond3A_102 = arith.constant 0 : i32
      %cond3A_103 = arith.cmpi ne, %convert_element_type3A_101, %cond3A_102 : i32
      scf.if %cond3A_103 {
        %add3A_169 = arith.constant 2 : i32
        %add3A_170 = arith.addi %add3A_91, %add3A_169 : i32
        %dma_start3A_171 = arith.constant 0 : i32
        %dma_start3A_172 = tpu.memref_slice %arg7[%add3A_170, %dma_start3A_171] : memref<160x125xi32, #tpu.memory_space<vmem>> -> memref<1x125xi32, #tpu.memory_space<vmem>>
        %dma_start3A_173 = tpu.memref_squeeze %dma_start3A_172 : memref<1x125xi32, #tpu.memory_space<vmem>> -> memref<125xi32, #tpu.memory_space<vmem>>
        %dma_start3A_174 = arith.constant 0 : i32
        %dma_start3A_175 = arith.constant 0 : i32
        %dma_start3A_176 = tpu.memref_slice %arg2[%dma_start3A_174, %dma_start3A_175] : memref<20000x64xf32, #tpu.memory_space<hbm>> -> memref<20000x64xf32, #tpu.memory_space<hbm>>
        tpu.enqueue_indirect_dma source(%dma_start3A_176 : memref<20000x64xf32, #tpu.memory_space<hbm>>) target(%arg12 : memref<125x64xf32, #tpu.memory_space<vmem>>) offsets(%dma_start3A_173 : memref<125xi32, #tpu.memory_space<vmem>>) semaphore(%arg18 : memref<!tpu.dma_semaphore, #tpu.memory_space<semaphore_mem>>)
      } else {
      }
      %dma_wait3A_104 = arith.constant 0 : i32
      %dma_wait3A_105 = tpu.memref_slice %arg7[%add3A_91, %dma_wait3A_104] : memref<160x125xi32, #tpu.memory_space<vmem>> -> memref<1x125xi32, #tpu.memory_space<vmem>>
      %dma_wait3A_106 = tpu.memref_squeeze %dma_wait3A_105 : memref<1x125xi32, #tpu.memory_space<vmem>> -> memref<125xi32, #tpu.memory_space<vmem>>
      %dma_wait3A_107 = arith.constant 0 : i32
      %dma_wait3A_108 = arith.constant 0 : i32
      %dma_wait3A_109 = tpu.memref_slice %arg2[%dma_wait3A_107, %dma_wait3A_108] : memref<20000x64xf32, #tpu.memory_space<hbm>> -> memref<20000x64xf32, #tpu.memory_space<hbm>>
      tpu.wait_indirect_dma semaphore(%arg16 : memref<!tpu.dma_semaphore, #tpu.memory_space<semaphore_mem>>) src(%dma_wait3A_109 : memref<20000x64xf32, #tpu.memory_space<hbm>>) dst(%arg10 : memref<125x64xf32, #tpu.memory_space<vmem>>)
      %dma_start3A_110 = arith.constant 0 : i32
      %dma_start3A_111 = tpu.memref_slice %arg8[%add3A_91, %dma_start3A_110] : memref<160x125xi32, #tpu.memory_space<vmem>> -> memref<1x125xi32, #tpu.memory_space<vmem>>
      %dma_start3A_112 = tpu.memref_squeeze %dma_start3A_111 : memref<1x125xi32, #tpu.memory_space<vmem>> -> memref<125xi32, #tpu.memory_space<vmem>>
      %dma_start3A_113 = arith.constant 0 : i32
      %dma_start3A_114 = arith.constant 0 : i32
      %dma_start3A_115 = tpu.memref_slice %arg14[%dma_start3A_113, %dma_start3A_114] : memref<10112x64xf32, #tpu.memory_space<vmem_shared>> -> memref<10112x64xf32, #tpu.memory_space<vmem_shared>>
      tpu.enqueue_indirect_dma source(%arg10 : memref<125x64xf32, #tpu.memory_space<vmem>>) target(%dma_start3A_115 : memref<10112x64xf32, #tpu.memory_space<vmem_shared>>) offsets(%dma_start3A_112 : memref<125xi32, #tpu.memory_space<vmem>>) semaphore(%arg20 : memref<!tpu.dma_semaphore, #tpu.memory_space<semaphore_mem>>) {add = true}
      %add3A_116 = arith.constant 2 : i32
      %add3A_117 = arith.addi %mul3A_65, %add3A_116 : i32
      %ge3A_118 = arith.constant 2 : i32
      %ge3A_119 = arith.cmpi sge, %add3A_117, %ge3A_118 : i32
      %convert_element_type3A_120 = arith.extui %ge3A_119 : i1 to i32
      %cond3A_121 = arith.constant 0 : i32
      %cond3A_122 = arith.cmpi ne, %convert_element_type3A_120, %cond3A_121 : i32
      scf.if %cond3A_122 {
        %sub3A = arith.constant 2 : i32
        %sub3A_169 = arith.subi %add3A_117, %sub3A : i32
        %dma_wait3A_170 = arith.constant 0 : i32
        %dma_wait3A_171 = tpu.memref_slice %arg8[%sub3A_169, %dma_wait3A_170] : memref<160x125xi32, #tpu.memory_space<vmem>> -> memref<1x125xi32, #tpu.memory_space<vmem>>
        %dma_wait3A_172 = tpu.memref_squeeze %dma_wait3A_171 : memref<1x125xi32, #tpu.memory_space<vmem>> -> memref<125xi32, #tpu.memory_space<vmem>>
        %dma_wait3A_173 = arith.constant 0 : i32
        %dma_wait3A_174 = arith.constant 0 : i32
        %dma_wait3A_175 = tpu.memref_slice %arg14[%dma_wait3A_173, %dma_wait3A_174] : memref<10112x64xf32, #tpu.memory_space<vmem_shared>> -> memref<10112x64xf32, #tpu.memory_space<vmem_shared>>
        tpu.wait_indirect_dma semaphore(%arg19 : memref<!tpu.dma_semaphore, #tpu.memory_space<semaphore_mem>>) src(%arg9 : memref<125x64xf32, #tpu.memory_space<vmem>>) dst(%dma_wait3A_175 : memref<10112x64xf32, #tpu.memory_space<vmem_shared>>)
      } else {
      }
      %add3A_123 = arith.constant 2 : i32
      %add3A_124 = arith.addi %add3A_117, %add3A_123 : i32
      %lt3A_125 = arith.constant 160 : i32
      %lt3A_126 = arith.cmpi slt, %add3A_124, %lt3A_125 : i32
      %convert_element_type3A_127 = arith.extui %lt3A_126 : i1 to i32
      %cond3A_128 = arith.constant 0 : i32
      %cond3A_129 = arith.cmpi ne, %convert_element_type3A_127, %cond3A_128 : i32
      scf.if %cond3A_129 {
        %add3A_169 = arith.constant 2 : i32
        %add3A_170 = arith.addi %add3A_117, %add3A_169 : i32
        %dma_start3A_171 = arith.constant 0 : i32
        %dma_start3A_172 = tpu.memref_slice %arg7[%add3A_170, %dma_start3A_171] : memref<160x125xi32, #tpu.memory_space<vmem>> -> memref<1x125xi32, #tpu.memory_space<vmem>>
        %dma_start3A_173 = tpu.memref_squeeze %dma_start3A_172 : memref<1x125xi32, #tpu.memory_space<vmem>> -> memref<125xi32, #tpu.memory_space<vmem>>
        %dma_start3A_174 = arith.constant 0 : i32
        %dma_start3A_175 = arith.constant 0 : i32
        %dma_start3A_176 = tpu.memref_slice %arg2[%dma_start3A_174, %dma_start3A_175] : memref<20000x64xf32, #tpu.memory_space<hbm>> -> memref<20000x64xf32, #tpu.memory_space<hbm>>
        tpu.enqueue_indirect_dma source(%dma_start3A_176 : memref<20000x64xf32, #tpu.memory_space<hbm>>) target(%arg9 : memref<125x64xf32, #tpu.memory_space<vmem>>) offsets(%dma_start3A_173 : memref<125xi32, #tpu.memory_space<vmem>>) semaphore(%arg15 : memref<!tpu.dma_semaphore, #tpu.memory_space<semaphore_mem>>)
      } else {
      }
      %dma_wait3A_130 = arith.constant 0 : i32
      %dma_wait3A_131 = tpu.memref_slice %arg7[%add3A_117, %dma_wait3A_130] : memref<160x125xi32, #tpu.memory_space<vmem>> -> memref<1x125xi32, #tpu.memory_space<vmem>>
      %dma_wait3A_132 = tpu.memref_squeeze %dma_wait3A_131 : memref<1x125xi32, #tpu.memory_space<vmem>> -> memref<125xi32, #tpu.memory_space<vmem>>
      %dma_wait3A_133 = arith.constant 0 : i32
      %dma_wait3A_134 = arith.constant 0 : i32
      %dma_wait3A_135 = tpu.memref_slice %arg2[%dma_wait3A_133, %dma_wait3A_134] : memref<20000x64xf32, #tpu.memory_space<hbm>> -> memref<20000x64xf32, #tpu.memory_space<hbm>>
      tpu.wait_indirect_dma semaphore(%arg17 : memref<!tpu.dma_semaphore, #tpu.memory_space<semaphore_mem>>) src(%dma_wait3A_135 : memref<20000x64xf32, #tpu.memory_space<hbm>>) dst(%arg11 : memref<125x64xf32, #tpu.memory_space<vmem>>)
      %dma_start3A_136 = arith.constant 0 : i32
      %dma_start3A_137 = tpu.memref_slice %arg8[%add3A_117, %dma_start3A_136] : memref<160x125xi32, #tpu.memory_space<vmem>> -> memref<1x125xi32, #tpu.memory_space<vmem>>
      %dma_start3A_138 = tpu.memref_squeeze %dma_start3A_137 : memref<1x125xi32, #tpu.memory_space<vmem>> -> memref<125xi32, #tpu.memory_space<vmem>>
      %dma_start3A_139 = arith.constant 0 : i32
      %dma_start3A_140 = arith.constant 0 : i32
      %dma_start3A_141 = tpu.memref_slice %arg14[%dma_start3A_139, %dma_start3A_140] : memref<10112x64xf32, #tpu.memory_space<vmem_shared>> -> memref<10112x64xf32, #tpu.memory_space<vmem_shared>>
      tpu.enqueue_indirect_dma source(%arg11 : memref<125x64xf32, #tpu.memory_space<vmem>>) target(%dma_start3A_141 : memref<10112x64xf32, #tpu.memory_space<vmem_shared>>) offsets(%dma_start3A_138 : memref<125xi32, #tpu.memory_space<vmem>>) semaphore(%arg21 : memref<!tpu.dma_semaphore, #tpu.memory_space<semaphore_mem>>) {add = true}
      %add3A_142 = arith.constant 3 : i32
      %add3A_143 = arith.addi %mul3A_65, %add3A_142 : i32
      %ge3A_144 = arith.constant 2 : i32
      %ge3A_145 = arith.cmpi sge, %add3A_143, %ge3A_144 : i32
      %convert_element_type3A_146 = arith.extui %ge3A_145 : i1 to i32
      %cond3A_147 = arith.constant 0 : i32
      %cond3A_148 = arith.cmpi ne, %convert_element_type3A_146, %cond3A_147 : i32
      scf.if %cond3A_148 {
        %sub3A = arith.constant 2 : i32
        %sub3A_169 = arith.subi %add3A_143, %sub3A : i32
        %dma_wait3A_170 = arith.constant 0 : i32
        %dma_wait3A_171 = tpu.memref_slice %arg8[%sub3A_169, %dma_wait3A_170] : memref<160x125xi32, #tpu.memory_space<vmem>> -> memref<1x125xi32, #tpu.memory_space<vmem>>
        %dma_wait3A_172 = tpu.memref_squeeze %dma_wait3A_171 : memref<1x125xi32, #tpu.memory_space<vmem>> -> memref<125xi32, #tpu.memory_space<vmem>>
        %dma_wait3A_173 = arith.constant 0 : i32
        %dma_wait3A_174 = arith.constant 0 : i32
        %dma_wait3A_175 = tpu.memref_slice %arg14[%dma_wait3A_173, %dma_wait3A_174] : memref<10112x64xf32, #tpu.memory_space<vmem_shared>> -> memref<10112x64xf32, #tpu.memory_space<vmem_shared>>
        tpu.wait_indirect_dma semaphore(%arg20 : memref<!tpu.dma_semaphore, #tpu.memory_space<semaphore_mem>>) src(%arg10 : memref<125x64xf32, #tpu.memory_space<vmem>>) dst(%dma_wait3A_175 : memref<10112x64xf32, #tpu.memory_space<vmem_shared>>)
      } else {
      }
      %add3A_149 = arith.constant 2 : i32
      %add3A_150 = arith.addi %add3A_143, %add3A_149 : i32
      %lt3A_151 = arith.constant 160 : i32
      %lt3A_152 = arith.cmpi slt, %add3A_150, %lt3A_151 : i32
      %convert_element_type3A_153 = arith.extui %lt3A_152 : i1 to i32
      %cond3A_154 = arith.constant 0 : i32
      %cond3A_155 = arith.cmpi ne, %convert_element_type3A_153, %cond3A_154 : i32
      scf.if %cond3A_155 {
        %add3A_169 = arith.constant 2 : i32
        %add3A_170 = arith.addi %add3A_143, %add3A_169 : i32
        %dma_start3A_171 = arith.constant 0 : i32
        %dma_start3A_172 = tpu.memref_slice %arg7[%add3A_170, %dma_start3A_171] : memref<160x125xi32, #tpu.memory_space<vmem>> -> memref<1x125xi32, #tpu.memory_space<vmem>>
        %dma_start3A_173 = tpu.memref_squeeze %dma_start3A_172 : memref<1x125xi32, #tpu.memory_space<vmem>> -> memref<125xi32, #tpu.memory_space<vmem>>
        %dma_start3A_174 = arith.constant 0 : i32
        %dma_start3A_175 = arith.constant 0 : i32
        %dma_start3A_176 = tpu.memref_slice %arg2[%dma_start3A_174, %dma_start3A_175] : memref<20000x64xf32, #tpu.memory_space<hbm>> -> memref<20000x64xf32, #tpu.memory_space<hbm>>
        tpu.enqueue_indirect_dma source(%dma_start3A_176 : memref<20000x64xf32, #tpu.memory_space<hbm>>) target(%arg10 : memref<125x64xf32, #tpu.memory_space<vmem>>) offsets(%dma_start3A_173 : memref<125xi32, #tpu.memory_space<vmem>>) semaphore(%arg16 : memref<!tpu.dma_semaphore, #tpu.memory_space<semaphore_mem>>)
      } else {
      }
      %dma_wait3A_156 = arith.constant 0 : i32
      %dma_wait3A_157 = tpu.memref_slice %arg7[%add3A_143, %dma_wait3A_156] : memref<160x125xi32, #tpu.memory_space<vmem>> -> memref<1x125xi32, #tpu.memory_space<vmem>>
      %dma_wait3A_158 = tpu.memref_squeeze %dma_wait3A_157 : memref<1x125xi32, #tpu.memory_space<vmem>> -> memref<125xi32, #tpu.memory_space<vmem>>
      %dma_wait3A_159 = arith.constant 0 : i32
      %dma_wait3A_160 = arith.constant 0 : i32
      %dma_wait3A_161 = tpu.memref_slice %arg2[%dma_wait3A_159, %dma_wait3A_160] : memref<20000x64xf32, #tpu.memory_space<hbm>> -> memref<20000x64xf32, #tpu.memory_space<hbm>>
      tpu.wait_indirect_dma semaphore(%arg18 : memref<!tpu.dma_semaphore, #tpu.memory_space<semaphore_mem>>) src(%dma_wait3A_161 : memref<20000x64xf32, #tpu.memory_space<hbm>>) dst(%arg12 : memref<125x64xf32, #tpu.memory_space<vmem>>)
      %dma_start3A_162 = arith.constant 0 : i32
      %dma_start3A_163 = tpu.memref_slice %arg8[%add3A_143, %dma_start3A_162] : memref<160x125xi32, #tpu.memory_space<vmem>> -> memref<1x125xi32, #tpu.memory_space<vmem>>
      %dma_start3A_164 = tpu.memref_squeeze %dma_start3A_163 : memref<1x125xi32, #tpu.memory_space<vmem>> -> memref<125xi32, #tpu.memory_space<vmem>>
      %dma_start3A_165 = arith.constant 0 : i32
      %dma_start3A_166 = arith.constant 0 : i32
      %dma_start3A_167 = tpu.memref_slice %arg14[%dma_start3A_165, %dma_start3A_166] : memref<10112x64xf32, #tpu.memory_space<vmem_shared>> -> memref<10112x64xf32, #tpu.memory_space<vmem_shared>>
      tpu.enqueue_indirect_dma source(%arg12 : memref<125x64xf32, #tpu.memory_space<vmem>>) target(%dma_start3A_167 : memref<10112x64xf32, #tpu.memory_space<vmem_shared>>) offsets(%dma_start3A_164 : memref<125xi32, #tpu.memory_space<vmem>>) semaphore(%arg22 : memref<!tpu.dma_semaphore, #tpu.memory_space<semaphore_mem>>) {add = true}
      %scan3A_168 = arith.constant 0 : i32
      scf.yield %scan3A_168 : i32
    }
    %scan3A_44 = arith.constant 40 : i32
    %dma_wait3A = arith.constant 158 : i32
    %dma_wait3A_45 = arith.constant 0 : i32
    %dma_wait3A_46 = tpu.memref_slice %arg8[%dma_wait3A, %dma_wait3A_45] : memref<160x125xi32, #tpu.memory_space<vmem>> -> memref<1x125xi32, #tpu.memory_space<vmem>>
    %dma_wait3A_47 = tpu.memref_squeeze %dma_wait3A_46 : memref<1x125xi32, #tpu.memory_space<vmem>> -> memref<125xi32, #tpu.memory_space<vmem>>
    %dma_wait3A_48 = arith.constant 0 : i32
    %dma_wait3A_49 = arith.constant 0 : i32
    %dma_wait3A_50 = tpu.memref_slice %arg14[%dma_wait3A_48, %dma_wait3A_49] : memref<10112x64xf32, #tpu.memory_space<vmem_shared>> -> memref<10112x64xf32, #tpu.memory_space<vmem_shared>>
    tpu.wait_indirect_dma semaphore(%arg21 : memref<!tpu.dma_semaphore, #tpu.memory_space<semaphore_mem>>) src(%arg11 : memref<125x64xf32, #tpu.memory_space<vmem>>) dst(%dma_wait3A_50 : memref<10112x64xf32, #tpu.memory_space<vmem_shared>>)
    %dma_wait3A_51 = arith.constant 159 : i32
    %dma_wait3A_52 = arith.constant 0 : i32
    %dma_wait3A_53 = tpu.memref_slice %arg8[%dma_wait3A_51, %dma_wait3A_52] : memref<160x125xi32, #tpu.memory_space<vmem>> -> memref<1x125xi32, #tpu.memory_space<vmem>>
    %dma_wait3A_54 = tpu.memref_squeeze %dma_wait3A_53 : memref<1x125xi32, #tpu.memory_space<vmem>> -> memref<125xi32, #tpu.memory_space<vmem>>
    %dma_wait3A_55 = arith.constant 0 : i32
    %dma_wait3A_56 = arith.constant 0 : i32
    %dma_wait3A_57 = tpu.memref_slice %arg14[%dma_wait3A_55, %dma_wait3A_56] : memref<10112x64xf32, #tpu.memory_space<vmem_shared>> -> memref<10112x64xf32, #tpu.memory_space<vmem_shared>>
    tpu.wait_indirect_dma semaphore(%arg22 : memref<!tpu.dma_semaphore, #tpu.memory_space<semaphore_mem>>) src(%arg12 : memref<125x64xf32, #tpu.memory_space<vmem>>) dst(%dma_wait3A_57 : memref<10112x64xf32, #tpu.memory_space<vmem_shared>>)
    %barrier3A_58 = arith.constant 0 : index
    tpu.barrier barrier_id(%barrier3A_58)
    %mul3A_59 = arith.constant 10112 : i32
    %mul3A_60 = arith.muli %arg0, %mul3A_59 : i32
    %add3A_61 = arith.addi %mul3A_60, %mul3A_0 : i32
    "tpu.region"() ({
      %run_scoped3A = tpu.sem_alloc : memref<!tpu.dma_semaphore, #tpu.memory_space<semaphore_mem>>
      %dma_start3A_62 = arith.constant 0 : i32
      %dma_start3A_63 = tpu.memref_slice %arg6[%add3A_61, %dma_start3A_62] : memref<20224x64xf32, #tpu.memory_space<hbm>> -> memref<632x64xf32, #tpu.memory_space<hbm>>
      %dma_start3A_64 = arith.constant 0 : i32
      %dma_start3A_65 = tpu.memref_slice %arg14[%mul3A_0, %dma_start3A_64] : memref<10112x64xf32, #tpu.memory_space<vmem_shared>> -> memref<632x64xf32, #tpu.memory_space<vmem_shared>>
      tpu.enqueue_dma source(%dma_start3A_65 : memref<632x64xf32, #tpu.memory_space<vmem_shared>>) target(%dma_start3A_63 : memref<632x64xf32, #tpu.memory_space<hbm>>) target_semaphore(%run_scoped3A : memref<!tpu.dma_semaphore, #tpu.memory_space<semaphore_mem>>)
      %dma_wait3A_66 = arith.constant 0 : i32
      %dma_wait3A_67 = tpu.memref_slice %arg6[%add3A_61, %dma_wait3A_66] : memref<20224x64xf32, #tpu.memory_space<hbm>> -> memref<632x64xf32, #tpu.memory_space<hbm>>
      %dma_wait3A_68 = arith.constant 0 : i32
      %dma_wait3A_69 = tpu.memref_slice %arg14[%mul3A_0, %dma_wait3A_68] : memref<10112x64xf32, #tpu.memory_space<vmem_shared>> -> memref<632x64xf32, #tpu.memory_space<vmem_shared>>
      tpu.wait_dma2 semaphore(%run_scoped3A : memref<!tpu.dma_semaphore, #tpu.memory_space<semaphore_mem>>) src(%dma_wait3A_69 : memref<632x64xf32, #tpu.memory_space<vmem_shared>>) dst(%dma_wait3A_67 : memref<632x64xf32, #tpu.memory_space<hbm>>)
      tpu.yield
    }) : () -> ()
    return
  }
}

module attributes {stable_mosaic.version = 14 : i64} {
  func.func @body(%arg0: memref<10000x128xf32, #tpu.memory_space<vmem>>, %arg1: memref<128x128xf32, #tpu.memory_space<vmem>>, %arg2: memref<32x10112xf32, #tpu.memory_space<vmem>>, %arg3: memref<128x128xf32, #tpu.memory_space<vmem>>, %arg4: memref<10000x128xf32, #tpu.memory_space<vmem>>, %arg5: memref<10000x1xf32, #tpu.memory_space<vmem>>) attributes {dimension_semantics = [], scalar_prefetch = 0 : i64, scratch_operands = 0 : i64, tpu.core_type = #tpu.core_type<tc>} {
    %get3A = arith.constant 0 : index
    %get3A_0 = arith.constant 0 : index
    %get3A_1 = vector.load %arg0[%get3A, %get3A_0] : memref<10000x128xf32, #tpu.memory_space<vmem>>, vector<10000x128xf32>
    %reduce_sum3A = arith.constant dense<0.000000e+00> : vector<128xf32>
    %reduce_sum3A_2 = vector.multi_reduction <add>, %get3A_1, %reduce_sum3A [0] : vector<10000x128xf32> to vector<128xf32>
    %div3A = arith.constant 1.000000e+04 : f32
    %div3A_3 = vector.broadcast %div3A : f32 to vector<128xf32>
    %div3A_4 = arith.divf %reduce_sum3A_2, %div3A_3 : vector<128xf32>
    %jit3A = arith.constant 0 : i32
    %reduce_sum3A_5 = arith.constant dense<0.000000e+00> : vector<128xf32>
    %reduce_sum3A_6 = vector.multi_reduction <add>, %get3A_1, %reduce_sum3A_5 [0] : vector<10000x128xf32> to vector<128xf32>
    %broadcast_in_dim3A = vector.shape_cast %reduce_sum3A_6 : vector<128xf32> to vector<1x128xf32>
    %div3A_7 = arith.constant 1.000000e+04 : f32
    %div3A_8 = vector.broadcast %div3A_7 : f32 to vector<1x128xf32>
    %div3A_9 = arith.divf %broadcast_in_dim3A, %div3A_8 : vector<1x128xf32>
    %sub3A = vector.broadcast %div3A_9 : vector<1x128xf32> to vector<10000x128xf32>
    %sub3A_10 = arith.subf %get3A_1, %sub3A : vector<10000x128xf32>
    %square3A = arith.mulf %sub3A_10, %sub3A_10 : vector<10000x128xf32>
    %convert_element_type3A = arith.sitofp %jit3A : i32 to f32
    %sub3A_11 = arith.constant 1.000000e+04 : f32
    %sub3A_12 = arith.subf %sub3A_11, %convert_element_type3A : f32
    %reduce_sum3A_13 = arith.constant dense<0.000000e+00> : vector<128xf32>
    %reduce_sum3A_14 = vector.multi_reduction <add>, %square3A, %reduce_sum3A_13 [0] : vector<10000x128xf32> to vector<128xf32>
    %div3A_15 = vector.broadcast %sub3A_12 : f32 to vector<128xf32>
    %div3A_16 = arith.divf %reduce_sum3A_14, %div3A_15 : vector<128xf32>
    %gt3A = arith.constant 0.000000e+00 : f32
    %gt3A_17 = arith.cmpf ogt, %sub3A_12, %gt3A : f32
    %jit3A_18 = arith.constant 0x7FC00000 : f32
    %broadcast_in_dim3A_19 = vector.broadcast %jit3A_18 : f32 to vector<128xf32>
    %select_n3A = arith.select %gt3A_17, %div3A_16, %broadcast_in_dim3A_19 : vector<128xf32>
    %broadcast_in_dim3A_20 = vector.shape_cast %div3A_4 : vector<128xf32> to vector<1x128xf32>
    %sub3A_21 = vector.broadcast %broadcast_in_dim3A_20 : vector<1x128xf32> to vector<10000x128xf32>
    %sub3A_22 = arith.subf %get3A_1, %sub3A_21 : vector<10000x128xf32>
    %add3A = arith.constant 9.99999974E-6 : f32
    %add3A_23 = vector.broadcast %add3A : f32 to vector<128xf32>
    %add3A_24 = arith.addf %select_n3A, %add3A_23 : vector<128xf32>
    %sqrt3A = math.sqrt %add3A_24 : vector<128xf32>
    %broadcast_in_dim3A_25 = vector.shape_cast %sqrt3A : vector<128xf32> to vector<1x128xf32>
    %div3A_26 = vector.broadcast %broadcast_in_dim3A_25 : vector<1x128xf32> to vector<10000x128xf32>
    %div3A_27 = arith.divf %sub3A_22, %div3A_26 : vector<10000x128xf32>
    %mul3A = arith.constant 1.000000e+00 : f32
    %mul3A_28 = vector.broadcast %mul3A : f32 to vector<10000x128xf32>
    %mul3A_29 = arith.mulf %div3A_27, %mul3A_28 : vector<10000x128xf32>
    %add3A_30 = arith.constant 9.99999974E-5 : f32
    %add3A_31 = vector.broadcast %add3A_30 : f32 to vector<10000x128xf32>
    %add3A_32 = arith.addf %mul3A_29, %add3A_31 : vector<10000x128xf32>
    %get3A_33 = arith.constant 0 : index
    %get3A_34 = arith.constant 0 : index
    %get3A_35 = vector.load %arg1[%get3A_33, %get3A_34] : memref<128x128xf32, #tpu.memory_space<vmem>>, vector<128x128xf32>
    %dot_general3A = arith.constant dense<0.000000e+00> : vector<10000x128xf32>
    %dot_general3A_36 = tpu.matmul %add3A_32, %get3A_35, %dot_general3A {dimension_numbers = #tpu.dot_dimension_numbers<[1], [0], [0], [1], [0, 0, 1, 1], [], []>, transpose_lhs_hint = false} : vector<10000x128xf32>, vector<128x128xf32>, vector<10000x128xf32> -> vector<10000x128xf32>
    %max3A = arith.constant 0.000000e+00 : f32
    %max3A_37 = vector.broadcast %max3A : f32 to vector<10000x128xf32>
    %max3A_38 = arith.maximumf %dot_general3A_36, %max3A_37 : vector<10000x128xf32>
    %get3A_39 = arith.constant 0 : index
    %get3A_40 = arith.constant 0 : index
    %get3A_41 = vector.load %arg2[%get3A_39, %get3A_40] : memref<32x10112xf32, #tpu.memory_space<vmem>>, vector<32x10112xf32>
    %reduce_sum3A_42 = arith.constant dense<0.000000e+00> : vector<10112xf32>
    %reduce_sum3A_43 = vector.multi_reduction <add>, %get3A_41, %reduce_sum3A_42 [0] : vector<32x10112xf32> to vector<10112xf32>
    %broadcast_in_dim3A_44 = vector.shape_cast %reduce_sum3A_43 : vector<10112xf32> to vector<1x10112xf32>
    %add3A_45 = arith.constant 1.000000e+00 : f32
    %add3A_46 = vector.broadcast %add3A_45 : f32 to vector<1x10112xf32>
    %add3A_47 = arith.addf %broadcast_in_dim3A_44, %add3A_46 : vector<1x10112xf32>
    %rsqrt3A = math.rsqrt %add3A_47 : vector<1x10112xf32>
    %transpose3A = tpu.transpose %rsqrt3A, [1, 0] : vector<1x10112xf32> -> vector<10112x1xf32>
    %slice3A = vector.extract_strided_slice %transpose3A {offsets = [0, 0], sizes = [10000, 1], strides = [1, 1]} : vector<10112x1xf32> to vector<10000x1xf32>
    %swap3A = arith.constant 0 : index
    %swap3A_48 = arith.constant 0 : index
    %swap3A_49 = vector.load %arg5[%swap3A, %swap3A_48] : memref<10000x1xf32, #tpu.memory_space<vmem>>, vector<10000x1xf32>
    tpu.vector_store %arg5[%swap3A, %swap3A_48], %slice3A {strides = array<i32>} : memref<10000x1xf32, #tpu.memory_space<vmem>>, vector<10000x1xf32>,
    %reduce_sum3A_50 = arith.constant dense<0.000000e+00> : vector<128xf32>
    %reduce_sum3A_51 = vector.multi_reduction <add>, %max3A_38, %reduce_sum3A_50 [0] : vector<10000x128xf32> to vector<128xf32>
    %div3A_52 = arith.constant 1.000000e+04 : f32
    %div3A_53 = vector.broadcast %div3A_52 : f32 to vector<128xf32>
    %div3A_54 = arith.divf %reduce_sum3A_51, %div3A_53 : vector<128xf32>
    %jit3A_55 = arith.constant 0 : i32
    %reduce_sum3A_56 = arith.constant dense<0.000000e+00> : vector<128xf32>
    %reduce_sum3A_57 = vector.multi_reduction <add>, %max3A_38, %reduce_sum3A_56 [0] : vector<10000x128xf32> to vector<128xf32>
    %broadcast_in_dim3A_58 = vector.shape_cast %reduce_sum3A_57 : vector<128xf32> to vector<1x128xf32>
    %div3A_59 = arith.constant 1.000000e+04 : f32
    %div3A_60 = vector.broadcast %div3A_59 : f32 to vector<1x128xf32>
    %div3A_61 = arith.divf %broadcast_in_dim3A_58, %div3A_60 : vector<1x128xf32>
    %sub3A_62 = vector.broadcast %div3A_61 : vector<1x128xf32> to vector<10000x128xf32>
    %sub3A_63 = arith.subf %max3A_38, %sub3A_62 : vector<10000x128xf32>
    %square3A_64 = arith.mulf %sub3A_63, %sub3A_63 : vector<10000x128xf32>
    %convert_element_type3A_65 = arith.sitofp %jit3A_55 : i32 to f32
    %sub3A_66 = arith.constant 1.000000e+04 : f32
    %sub3A_67 = arith.subf %sub3A_66, %convert_element_type3A_65 : f32
    %reduce_sum3A_68 = arith.constant dense<0.000000e+00> : vector<128xf32>
    %reduce_sum3A_69 = vector.multi_reduction <add>, %square3A_64, %reduce_sum3A_68 [0] : vector<10000x128xf32> to vector<128xf32>
    %div3A_70 = vector.broadcast %sub3A_67 : f32 to vector<128xf32>
    %div3A_71 = arith.divf %reduce_sum3A_69, %div3A_70 : vector<128xf32>
    %gt3A_72 = arith.constant 0.000000e+00 : f32
    %gt3A_73 = arith.cmpf ogt, %sub3A_67, %gt3A_72 : f32
    %jit3A_74 = arith.constant 0x7FC00000 : f32
    %broadcast_in_dim3A_75 = vector.broadcast %jit3A_74 : f32 to vector<128xf32>
    %select_n3A_76 = arith.select %gt3A_73, %div3A_71, %broadcast_in_dim3A_75 : vector<128xf32>
    %broadcast_in_dim3A_77 = vector.shape_cast %div3A_54 : vector<128xf32> to vector<1x128xf32>
    %sub3A_78 = vector.broadcast %broadcast_in_dim3A_77 : vector<1x128xf32> to vector<10000x128xf32>
    %sub3A_79 = arith.subf %max3A_38, %sub3A_78 : vector<10000x128xf32>
    %add3A_80 = arith.constant 9.99999974E-6 : f32
    %add3A_81 = vector.broadcast %add3A_80 : f32 to vector<128xf32>
    %add3A_82 = arith.addf %select_n3A_76, %add3A_81 : vector<128xf32>
    %sqrt3A_83 = math.sqrt %add3A_82 : vector<128xf32>
    %broadcast_in_dim3A_84 = vector.shape_cast %sqrt3A_83 : vector<128xf32> to vector<1x128xf32>
    %div3A_85 = vector.broadcast %broadcast_in_dim3A_84 : vector<1x128xf32> to vector<10000x128xf32>
    %div3A_86 = arith.divf %sub3A_79, %div3A_85 : vector<10000x128xf32>
    %mul3A_87 = arith.constant 1.000000e+00 : f32
    %mul3A_88 = vector.broadcast %mul3A_87 : f32 to vector<10000x128xf32>
    %mul3A_89 = arith.mulf %div3A_86, %mul3A_88 : vector<10000x128xf32>
    %add3A_90 = arith.constant 9.99999974E-5 : f32
    %add3A_91 = vector.broadcast %add3A_90 : f32 to vector<10000x128xf32>
    %add3A_92 = arith.addf %mul3A_89, %add3A_91 : vector<10000x128xf32>
    %get3A_93 = arith.constant 0 : index
    %get3A_94 = arith.constant 0 : index
    %get3A_95 = vector.load %arg3[%get3A_93, %get3A_94] : memref<128x128xf32, #tpu.memory_space<vmem>>, vector<128x128xf32>
    %dot_general3A_96 = arith.constant dense<0.000000e+00> : vector<10000x128xf32>
    %dot_general3A_97 = tpu.matmul %add3A_92, %get3A_95, %dot_general3A_96 {dimension_numbers = #tpu.dot_dimension_numbers<[1], [0], [0], [1], [0, 0, 1, 1], [], []>, transpose_lhs_hint = false} : vector<10000x128xf32>, vector<128x128xf32>, vector<10000x128xf32> -> vector<10000x128xf32>
    %mul3A_98 = vector.broadcast %slice3A : vector<10000x1xf32> to vector<10000x128xf32>
    %mul3A_99 = arith.mulf %mul3A_98, %dot_general3A_97 : vector<10000x128xf32>
    %swap3A_100 = arith.constant 0 : index
    %swap3A_101 = arith.constant 0 : index
    %swap3A_102 = vector.load %arg4[%swap3A_100, %swap3A_101] : memref<10000x128xf32, #tpu.memory_space<vmem>>, vector<10000x128xf32>
    tpu.vector_store %arg4[%swap3A_100, %swap3A_101], %mul3A_99 {strides = array<i32>} : memref<10000x128xf32, #tpu.memory_space<vmem>>, vector<10000x128xf32>,
    return
  }
}

module attributes {stable_mosaic.version = 14 : i64} {
  func.func @body(%arg0: memref<10112x128xf32, #tpu.memory_space<vmem>>, %arg1: memref<10000x128xf32, #tpu.memory_space<vmem>>, %arg2: memref<1x128xf32, #tpu.memory_space<vmem>>, %arg3: memref<10000x1xf32, #tpu.memory_space<vmem>>, %arg4: memref<128x128xf32, #tpu.memory_space<vmem>>, %arg5: memref<10000x128xf32, #tpu.memory_space<vmem>>) attributes {dimension_semantics = [], scalar_prefetch = 0 : i64, scratch_operands = 0 : i64, tpu.core_type = #tpu.core_type<tc>} {
    %get3A = arith.constant 0 : index
    %get3A_0 = arith.constant 0 : index
    %get3A_1 = vector.load %arg0[%get3A, %get3A_0] : memref<10112x128xf32, #tpu.memory_space<vmem>>, vector<5056x128xf32>
    %get3A_2 = arith.constant 5056 : index
    %get3A_3 = arith.constant 0 : index
    %get3A_4 = vector.load %arg0[%get3A_2, %get3A_3] : memref<10112x128xf32, #tpu.memory_space<vmem>>, vector<5056x128xf32>
    %slice3A = vector.extract_strided_slice %get3A_1 {offsets = [0, 0], sizes = [5056, 64], strides = [1, 1]} : vector<5056x128xf32> to vector<5056x64xf32>
    %slice3A_5 = vector.extract_strided_slice %get3A_4 {offsets = [0, 0], sizes = [5056, 64], strides = [1, 1]} : vector<5056x128xf32> to vector<5056x64xf32>
    %concatenate3A = tpu.concatenate %slice3A, %slice3A_5 in 1 : vector<5056x64xf32>, vector<5056x64xf32> -> vector<5056x128xf32>
    %slice3A_6 = vector.extract_strided_slice %get3A_1 {offsets = [0, 64], sizes = [5056, 64], strides = [1, 1]} : vector<5056x128xf32> to vector<5056x64xf32>
    %slice3A_7 = vector.extract_strided_slice %get3A_4 {offsets = [0, 64], sizes = [5056, 64], strides = [1, 1]} : vector<5056x128xf32> to vector<5056x64xf32>
    %concatenate3A_8 = tpu.concatenate %slice3A_6, %slice3A_7 in 1 : vector<5056x64xf32>, vector<5056x64xf32> -> vector<5056x128xf32>
    %stack3A = vector.shape_cast %concatenate3A : vector<5056x128xf32> to vector<5056x1x128xf32>
    %stack3A_9 = vector.shape_cast %concatenate3A_8 : vector<5056x128xf32> to vector<5056x1x128xf32>
    %stack3A_10 = tpu.concatenate %stack3A, %stack3A_9 in 1 : vector<5056x1x128xf32>, vector<5056x1x128xf32> -> vector<5056x2x128xf32>
    %reshape3A = vector.shape_cast %stack3A_10 : vector<5056x2x128xf32> to vector<10112x128xf32>
    %slice3A_11 = vector.extract_strided_slice %reshape3A {offsets = [0, 0], sizes = [10000, 128], strides = [1, 1]} : vector<10112x128xf32> to vector<10000x128xf32>
    %get3A_12 = arith.constant 0 : index
    %get3A_13 = arith.constant 0 : index
    %get3A_14 = vector.load %arg1[%get3A_12, %get3A_13] : memref<10000x128xf32, #tpu.memory_space<vmem>>, vector<10000x128xf32>
    %add3A = arith.addf %slice3A_11, %get3A_14 : vector<10000x128xf32>
    %get3A_15 = arith.constant 0 : index
    %get3A_16 = arith.constant 0 : index
    %get3A_17 = vector.load %arg3[%get3A_15, %get3A_16] : memref<10000x1xf32, #tpu.memory_space<vmem>>, vector<10000x1xf32>
    %mul3A = vector.broadcast %get3A_17 : vector<10000x1xf32> to vector<10000x128xf32>
    %mul3A_18 = arith.mulf %mul3A, %add3A : vector<10000x128xf32>
    %get3A_19 = arith.constant 0 : index
    %get3A_20 = arith.constant 0 : index
    %get3A_21 = vector.load %arg2[%get3A_19, %get3A_20] : memref<1x128xf32, #tpu.memory_space<vmem>>, vector<1x128xf32>
    %add3A_22 = vector.broadcast %get3A_21 : vector<1x128xf32> to vector<10000x128xf32>
    %add3A_23 = arith.addf %mul3A_18, %add3A_22 : vector<10000x128xf32>
    %max3A = arith.constant 0.000000e+00 : f32
    %max3A_24 = vector.broadcast %max3A : f32 to vector<10000x128xf32>
    %max3A_25 = arith.maximumf %add3A_23, %max3A_24 : vector<10000x128xf32>
    %get3A_26 = arith.constant 0 : index
    %get3A_27 = arith.constant 0 : index
    %get3A_28 = vector.load %arg3[%get3A_26, %get3A_27] : memref<10000x1xf32, #tpu.memory_space<vmem>>, vector<10000x1xf32>
    %reduce_sum3A = arith.constant dense<0.000000e+00> : vector<128xf32>
    %reduce_sum3A_29 = vector.multi_reduction <add>, %max3A_25, %reduce_sum3A [0] : vector<10000x128xf32> to vector<128xf32>
    %div3A = arith.constant 1.000000e+04 : f32
    %div3A_30 = vector.broadcast %div3A : f32 to vector<128xf32>
    %div3A_31 = arith.divf %reduce_sum3A_29, %div3A_30 : vector<128xf32>
    %jit3A = arith.constant 0 : i32
    %reduce_sum3A_32 = arith.constant dense<0.000000e+00> : vector<128xf32>
    %reduce_sum3A_33 = vector.multi_reduction <add>, %max3A_25, %reduce_sum3A_32 [0] : vector<10000x128xf32> to vector<128xf32>
    %broadcast_in_dim3A = vector.shape_cast %reduce_sum3A_33 : vector<128xf32> to vector<1x128xf32>
    %div3A_34 = arith.constant 1.000000e+04 : f32
    %div3A_35 = vector.broadcast %div3A_34 : f32 to vector<1x128xf32>
    %div3A_36 = arith.divf %broadcast_in_dim3A, %div3A_35 : vector<1x128xf32>
    %sub3A = vector.broadcast %div3A_36 : vector<1x128xf32> to vector<10000x128xf32>
    %sub3A_37 = arith.subf %max3A_25, %sub3A : vector<10000x128xf32>
    %square3A = arith.mulf %sub3A_37, %sub3A_37 : vector<10000x128xf32>
    %convert_element_type3A = arith.sitofp %jit3A : i32 to f32
    %sub3A_38 = arith.constant 1.000000e+04 : f32
    %sub3A_39 = arith.subf %sub3A_38, %convert_element_type3A : f32
    %reduce_sum3A_40 = arith.constant dense<0.000000e+00> : vector<128xf32>
    %reduce_sum3A_41 = vector.multi_reduction <add>, %square3A, %reduce_sum3A_40 [0] : vector<10000x128xf32> to vector<128xf32>
    %div3A_42 = vector.broadcast %sub3A_39 : f32 to vector<128xf32>
    %div3A_43 = arith.divf %reduce_sum3A_41, %div3A_42 : vector<128xf32>
    %gt3A = arith.constant 0.000000e+00 : f32
    %gt3A_44 = arith.cmpf ogt, %sub3A_39, %gt3A : f32
    %jit3A_45 = arith.constant 0x7FC00000 : f32
    %broadcast_in_dim3A_46 = vector.broadcast %jit3A_45 : f32 to vector<128xf32>
    %select_n3A = arith.select %gt3A_44, %div3A_43, %broadcast_in_dim3A_46 : vector<128xf32>
    %broadcast_in_dim3A_47 = vector.shape_cast %div3A_31 : vector<128xf32> to vector<1x128xf32>
    %sub3A_48 = vector.broadcast %broadcast_in_dim3A_47 : vector<1x128xf32> to vector<10000x128xf32>
    %sub3A_49 = arith.subf %max3A_25, %sub3A_48 : vector<10000x128xf32>
    %add3A_50 = arith.constant 9.99999974E-6 : f32
    %add3A_51 = vector.broadcast %add3A_50 : f32 to vector<128xf32>
    %add3A_52 = arith.addf %select_n3A, %add3A_51 : vector<128xf32>
    %sqrt3A = math.sqrt %add3A_52 : vector<128xf32>
    %broadcast_in_dim3A_53 = vector.shape_cast %sqrt3A : vector<128xf32> to vector<1x128xf32>
    %div3A_54 = vector.broadcast %broadcast_in_dim3A_53 : vector<1x128xf32> to vector<10000x128xf32>
    %div3A_55 = arith.divf %sub3A_49, %div3A_54 : vector<10000x128xf32>
    %mul3A_56 = arith.constant 1.000000e+00 : f32
    %mul3A_57 = vector.broadcast %mul3A_56 : f32 to vector<10000x128xf32>
    %mul3A_58 = arith.mulf %div3A_55, %mul3A_57 : vector<10000x128xf32>
    %add3A_59 = arith.constant 9.99999974E-5 : f32
    %add3A_60 = vector.broadcast %add3A_59 : f32 to vector<10000x128xf32>
    %add3A_61 = arith.addf %mul3A_58, %add3A_60 : vector<10000x128xf32>
    %get3A_62 = arith.constant 0 : index
    %get3A_63 = arith.constant 0 : index
    %get3A_64 = vector.load %arg4[%get3A_62, %get3A_63] : memref<128x128xf32, #tpu.memory_space<vmem>>, vector<128x128xf32>
    %dot_general3A = arith.constant dense<0.000000e+00> : vector<10000x128xf32>
    %dot_general3A_65 = tpu.matmul %add3A_61, %get3A_64, %dot_general3A {dimension_numbers = #tpu.dot_dimension_numbers<[1], [0], [0], [1], [0, 0, 1, 1], [], []>, transpose_lhs_hint = false} : vector<10000x128xf32>, vector<128x128xf32>, vector<10000x128xf32> -> vector<10000x128xf32>
    %mul3A_66 = vector.broadcast %get3A_28 : vector<10000x1xf32> to vector<10000x128xf32>
    %mul3A_67 = arith.mulf %mul3A_66, %dot_general3A_65 : vector<10000x128xf32>
    %swap3A = arith.constant 0 : index
    %swap3A_68 = arith.constant 0 : index
    %swap3A_69 = vector.load %arg5[%swap3A, %swap3A_68] : memref<10000x128xf32, #tpu.memory_space<vmem>>, vector<10000x128xf32>
    tpu.vector_store %arg5[%swap3A, %swap3A_68], %mul3A_67 {strides = array<i32>} : memref<10000x128xf32, #tpu.memory_space<vmem>>, vector<10000x128xf32>,
    return
  }
}

module attributes {stable_mosaic.version = 14 : i64} {
  func.func @body(%arg0: memref<10112x128xf32, #tpu.memory_space<vmem>>, %arg1: memref<10000x128xf32, #tpu.memory_space<vmem>>, %arg2: memref<1x128xf32, #tpu.memory_space<vmem>>, %arg3: memref<10000x1xf32, #tpu.memory_space<vmem>>, %arg4: memref<1x10000xi32, #tpu.memory_space<vmem>>, %arg5: memref<128x128xf32, #tpu.memory_space<vmem>>, %arg6: memref<1x128xf32, #tpu.memory_space<vmem>>, %arg7: memref<128x10xf32, #tpu.memory_space<vmem>>, %arg8: memref<1x10xf32, #tpu.memory_space<vmem>>, %arg9: memref<128x10xf32, #tpu.memory_space<vmem>>) attributes {dimension_semantics = [], scalar_prefetch = 0 : i64, scratch_operands = 0 : i64, tpu.core_type = #tpu.core_type<tc>} {
    %get3A = arith.constant 0 : index
    %get3A_0 = arith.constant 0 : index
    %get3A_1 = vector.load %arg0[%get3A, %get3A_0] : memref<10112x128xf32, #tpu.memory_space<vmem>>, vector<5056x128xf32>
    %get3A_2 = arith.constant 5056 : index
    %get3A_3 = arith.constant 0 : index
    %get3A_4 = vector.load %arg0[%get3A_2, %get3A_3] : memref<10112x128xf32, #tpu.memory_space<vmem>>, vector<5056x128xf32>
    %slice3A = vector.extract_strided_slice %get3A_1 {offsets = [0, 0], sizes = [5056, 64], strides = [1, 1]} : vector<5056x128xf32> to vector<5056x64xf32>
    %slice3A_5 = vector.extract_strided_slice %get3A_4 {offsets = [0, 0], sizes = [5056, 64], strides = [1, 1]} : vector<5056x128xf32> to vector<5056x64xf32>
    %concatenate3A = tpu.concatenate %slice3A, %slice3A_5 in 1 : vector<5056x64xf32>, vector<5056x64xf32> -> vector<5056x128xf32>
    %slice3A_6 = vector.extract_strided_slice %get3A_1 {offsets = [0, 64], sizes = [5056, 64], strides = [1, 1]} : vector<5056x128xf32> to vector<5056x64xf32>
    %slice3A_7 = vector.extract_strided_slice %get3A_4 {offsets = [0, 64], sizes = [5056, 64], strides = [1, 1]} : vector<5056x128xf32> to vector<5056x64xf32>
    %concatenate3A_8 = tpu.concatenate %slice3A_6, %slice3A_7 in 1 : vector<5056x64xf32>, vector<5056x64xf32> -> vector<5056x128xf32>
    %stack3A = vector.shape_cast %concatenate3A : vector<5056x128xf32> to vector<5056x1x128xf32>
    %stack3A_9 = vector.shape_cast %concatenate3A_8 : vector<5056x128xf32> to vector<5056x1x128xf32>
    %stack3A_10 = tpu.concatenate %stack3A, %stack3A_9 in 1 : vector<5056x1x128xf32>, vector<5056x1x128xf32> -> vector<5056x2x128xf32>
    %reshape3A = vector.shape_cast %stack3A_10 : vector<5056x2x128xf32> to vector<10112x128xf32>
    %slice3A_11 = vector.extract_strided_slice %reshape3A {offsets = [0, 0], sizes = [10000, 128], strides = [1, 1]} : vector<10112x128xf32> to vector<10000x128xf32>
    %get3A_12 = arith.constant 0 : index
    %get3A_13 = arith.constant 0 : index
    %get3A_14 = vector.load %arg1[%get3A_12, %get3A_13] : memref<10000x128xf32, #tpu.memory_space<vmem>>, vector<10000x128xf32>
    %add3A = arith.addf %slice3A_11, %get3A_14 : vector<10000x128xf32>
    %get3A_15 = arith.constant 0 : index
    %get3A_16 = arith.constant 0 : index
    %get3A_17 = vector.load %arg3[%get3A_15, %get3A_16] : memref<10000x1xf32, #tpu.memory_space<vmem>>, vector<10000x1xf32>
    %mul3A = vector.broadcast %get3A_17 : vector<10000x1xf32> to vector<10000x128xf32>
    %mul3A_18 = arith.mulf %mul3A, %add3A : vector<10000x128xf32>
    %get3A_19 = arith.constant 0 : index
    %get3A_20 = arith.constant 0 : index
    %get3A_21 = vector.load %arg2[%get3A_19, %get3A_20] : memref<1x128xf32, #tpu.memory_space<vmem>>, vector<1x128xf32>
    %add3A_22 = vector.broadcast %get3A_21 : vector<1x128xf32> to vector<10000x128xf32>
    %add3A_23 = arith.addf %mul3A_18, %add3A_22 : vector<10000x128xf32>
    %max3A = arith.constant 0.000000e+00 : f32
    %max3A_24 = vector.broadcast %max3A : f32 to vector<10000x128xf32>
    %max3A_25 = arith.maximumf %add3A_23, %max3A_24 : vector<10000x128xf32>
    %iota3A = tpu.iota {dimensions = array<i32: 0>} : vector<128x10000xi32>
    %get3A_26 = arith.constant 0 : index
    %get3A_27 = arith.constant 0 : index
    %get3A_28 = vector.load %arg4[%get3A_26, %get3A_27] : memref<1x10000xi32, #tpu.memory_space<vmem>>, vector<1x10000xi32>
    %eq3A = vector.broadcast %get3A_28 : vector<1x10000xi32> to vector<128x10000xi32>
    %eq3A_29 = arith.cmpi eq, %iota3A, %eq3A : vector<128x10000xi32>
    %convert_element_type3A = arith.extui %eq3A_29 : vector<128x10000xi1> to vector<128x10000xi32>
    %convert_element_type3A_30 = arith.sitofp %convert_element_type3A : vector<128x10000xi32> to vector<128x10000xf32>
    %dot_general3A = arith.constant dense<0.000000e+00> : vector<128x128xf32>
    %dot_general3A_31 = tpu.matmul %convert_element_type3A_30, %max3A_25, %dot_general3A {dimension_numbers = #tpu.dot_dimension_numbers<[1], [0], [0], [1], [0, 0, 1, 1], [], []>, transpose_lhs_hint = false} : vector<128x10000xf32>, vector<10000x128xf32>, vector<128x128xf32> -> vector<128x128xf32>
    %reduce_sum3A = arith.constant dense<0.000000e+00> : vector<128xf32>
    %reduce_sum3A_32 = vector.multi_reduction <add>, %dot_general3A_31, %reduce_sum3A [0] : vector<128x128xf32> to vector<128xf32>
    %div3A = arith.constant 1.280000e+02 : f32
    %div3A_33 = vector.broadcast %div3A : f32 to vector<128xf32>
    %div3A_34 = arith.divf %reduce_sum3A_32, %div3A_33 : vector<128xf32>
    %jit3A = arith.constant 0 : i32
    %reduce_sum3A_35 = arith.constant dense<0.000000e+00> : vector<128xf32>
    %reduce_sum3A_36 = vector.multi_reduction <add>, %dot_general3A_31, %reduce_sum3A_35 [0] : vector<128x128xf32> to vector<128xf32>
    %broadcast_in_dim3A = vector.shape_cast %reduce_sum3A_36 : vector<128xf32> to vector<1x128xf32>
    %div3A_37 = arith.constant 1.280000e+02 : f32
    %div3A_38 = vector.broadcast %div3A_37 : f32 to vector<1x128xf32>
    %div3A_39 = arith.divf %broadcast_in_dim3A, %div3A_38 : vector<1x128xf32>
    %sub3A = vector.broadcast %div3A_39 : vector<1x128xf32> to vector<128x128xf32>
    %sub3A_40 = arith.subf %dot_general3A_31, %sub3A : vector<128x128xf32>
    %square3A = arith.mulf %sub3A_40, %sub3A_40 : vector<128x128xf32>
    %convert_element_type3A_41 = arith.sitofp %jit3A : i32 to f32
    %sub3A_42 = arith.constant 1.280000e+02 : f32
    %sub3A_43 = arith.subf %sub3A_42, %convert_element_type3A_41 : f32
    %reduce_sum3A_44 = arith.constant dense<0.000000e+00> : vector<128xf32>
    %reduce_sum3A_45 = vector.multi_reduction <add>, %square3A, %reduce_sum3A_44 [0] : vector<128x128xf32> to vector<128xf32>
    %div3A_46 = vector.broadcast %sub3A_43 : f32 to vector<128xf32>
    %div3A_47 = arith.divf %reduce_sum3A_45, %div3A_46 : vector<128xf32>
    %gt3A = arith.constant 0.000000e+00 : f32
    %gt3A_48 = arith.cmpf ogt, %sub3A_43, %gt3A : f32
    %jit3A_49 = arith.constant 0x7FC00000 : f32
    %broadcast_in_dim3A_50 = vector.broadcast %jit3A_49 : f32 to vector<128xf32>
    %select_n3A = arith.select %gt3A_48, %div3A_47, %broadcast_in_dim3A_50 : vector<128xf32>
    %broadcast_in_dim3A_51 = vector.shape_cast %div3A_34 : vector<128xf32> to vector<1x128xf32>
    %sub3A_52 = vector.broadcast %broadcast_in_dim3A_51 : vector<1x128xf32> to vector<128x128xf32>
    %sub3A_53 = arith.subf %dot_general3A_31, %sub3A_52 : vector<128x128xf32>
    %add3A_54 = arith.constant 9.99999974E-6 : f32
    %add3A_55 = vector.broadcast %add3A_54 : f32 to vector<128xf32>
    %add3A_56 = arith.addf %select_n3A, %add3A_55 : vector<128xf32>
    %sqrt3A = math.sqrt %add3A_56 : vector<128xf32>
    %broadcast_in_dim3A_57 = vector.shape_cast %sqrt3A : vector<128xf32> to vector<1x128xf32>
    %div3A_58 = vector.broadcast %broadcast_in_dim3A_57 : vector<1x128xf32> to vector<128x128xf32>
    %div3A_59 = arith.divf %sub3A_53, %div3A_58 : vector<128x128xf32>
    %mul3A_60 = arith.constant 1.000000e+00 : f32
    %mul3A_61 = vector.broadcast %mul3A_60 : f32 to vector<128x128xf32>
    %mul3A_62 = arith.mulf %div3A_59, %mul3A_61 : vector<128x128xf32>
    %add3A_63 = arith.constant 9.99999974E-5 : f32
    %add3A_64 = vector.broadcast %add3A_63 : f32 to vector<128x128xf32>
    %add3A_65 = arith.addf %mul3A_62, %add3A_64 : vector<128x128xf32>
    %get3A_66 = arith.constant 0 : index
    %get3A_67 = arith.constant 0 : index
    %get3A_68 = vector.load %arg5[%get3A_66, %get3A_67] : memref<128x128xf32, #tpu.memory_space<vmem>>, vector<128x128xf32>
    %dot_general3A_69 = arith.constant dense<0.000000e+00> : vector<128x128xf32>
    %dot_general3A_70 = tpu.matmul %add3A_65, %get3A_68, %dot_general3A_69 {dimension_numbers = #tpu.dot_dimension_numbers<[1], [0], [0], [1], [0, 0, 1, 1], [], []>, transpose_lhs_hint = false} : vector<128x128xf32>, vector<128x128xf32>, vector<128x128xf32> -> vector<128x128xf32>
    %get3A_71 = arith.constant 0 : index
    %get3A_72 = arith.constant 0 : index
    %get3A_73 = vector.load %arg6[%get3A_71, %get3A_72] : memref<1x128xf32, #tpu.memory_space<vmem>>, vector<1x128xf32>
    %add3A_74 = vector.broadcast %get3A_73 : vector<1x128xf32> to vector<128x128xf32>
    %add3A_75 = arith.addf %dot_general3A_70, %add3A_74 : vector<128x128xf32>
    %max3A_76 = arith.constant 0.000000e+00 : f32
    %max3A_77 = vector.broadcast %max3A_76 : f32 to vector<128x128xf32>
    %max3A_78 = arith.maximumf %add3A_75, %max3A_77 : vector<128x128xf32>
    %reduce_sum3A_79 = arith.constant dense<0.000000e+00> : vector<128xf32>
    %reduce_sum3A_80 = vector.multi_reduction <add>, %max3A_78, %reduce_sum3A_79 [0] : vector<128x128xf32> to vector<128xf32>
    %div3A_81 = arith.constant 1.280000e+02 : f32
    %div3A_82 = vector.broadcast %div3A_81 : f32 to vector<128xf32>
    %div3A_83 = arith.divf %reduce_sum3A_80, %div3A_82 : vector<128xf32>
    %jit3A_84 = arith.constant 0 : i32
    %reduce_sum3A_85 = arith.constant dense<0.000000e+00> : vector<128xf32>
    %reduce_sum3A_86 = vector.multi_reduction <add>, %max3A_78, %reduce_sum3A_85 [0] : vector<128x128xf32> to vector<128xf32>
    %broadcast_in_dim3A_87 = vector.shape_cast %reduce_sum3A_86 : vector<128xf32> to vector<1x128xf32>
    %div3A_88 = arith.constant 1.280000e+02 : f32
    %div3A_89 = vector.broadcast %div3A_88 : f32 to vector<1x128xf32>
    %div3A_90 = arith.divf %broadcast_in_dim3A_87, %div3A_89 : vector<1x128xf32>
    %sub3A_91 = vector.broadcast %div3A_90 : vector<1x128xf32> to vector<128x128xf32>
    %sub3A_92 = arith.subf %max3A_78, %sub3A_91 : vector<128x128xf32>
    %square3A_93 = arith.mulf %sub3A_92, %sub3A_92 : vector<128x128xf32>
    %convert_element_type3A_94 = arith.sitofp %jit3A_84 : i32 to f32
    %sub3A_95 = arith.constant 1.280000e+02 : f32
    %sub3A_96 = arith.subf %sub3A_95, %convert_element_type3A_94 : f32
    %reduce_sum3A_97 = arith.constant dense<0.000000e+00> : vector<128xf32>
    %reduce_sum3A_98 = vector.multi_reduction <add>, %square3A_93, %reduce_sum3A_97 [0] : vector<128x128xf32> to vector<128xf32>
    %div3A_99 = vector.broadcast %sub3A_96 : f32 to vector<128xf32>
    %div3A_100 = arith.divf %reduce_sum3A_98, %div3A_99 : vector<128xf32>
    %gt3A_101 = arith.constant 0.000000e+00 : f32
    %gt3A_102 = arith.cmpf ogt, %sub3A_96, %gt3A_101 : f32
    %jit3A_103 = arith.constant 0x7FC00000 : f32
    %broadcast_in_dim3A_104 = vector.broadcast %jit3A_103 : f32 to vector<128xf32>
    %select_n3A_105 = arith.select %gt3A_102, %div3A_100, %broadcast_in_dim3A_104 : vector<128xf32>
    %broadcast_in_dim3A_106 = vector.shape_cast %div3A_83 : vector<128xf32> to vector<1x128xf32>
    %sub3A_107 = vector.broadcast %broadcast_in_dim3A_106 : vector<1x128xf32> to vector<128x128xf32>
    %sub3A_108 = arith.subf %max3A_78, %sub3A_107 : vector<128x128xf32>
    %add3A_109 = arith.constant 9.99999974E-6 : f32
    %add3A_110 = vector.broadcast %add3A_109 : f32 to vector<128xf32>
    %add3A_111 = arith.addf %select_n3A_105, %add3A_110 : vector<128xf32>
    %sqrt3A_112 = math.sqrt %add3A_111 : vector<128xf32>
    %broadcast_in_dim3A_113 = vector.shape_cast %sqrt3A_112 : vector<128xf32> to vector<1x128xf32>
    %div3A_114 = vector.broadcast %broadcast_in_dim3A_113 : vector<1x128xf32> to vector<128x128xf32>
    %div3A_115 = arith.divf %sub3A_108, %div3A_114 : vector<128x128xf32>
    %mul3A_116 = arith.constant 1.000000e+00 : f32
    %mul3A_117 = vector.broadcast %mul3A_116 : f32 to vector<128x128xf32>
    %mul3A_118 = arith.mulf %div3A_115, %mul3A_117 : vector<128x128xf32>
    %add3A_119 = arith.constant 9.99999974E-5 : f32
    %add3A_120 = vector.broadcast %add3A_119 : f32 to vector<128x128xf32>
    %add3A_121 = arith.addf %mul3A_118, %add3A_120 : vector<128x128xf32>
    %get3A_122 = arith.constant 0 : index
    %get3A_123 = arith.constant 0 : index
    %get3A_124 = vector.load %arg7[%get3A_122, %get3A_123] : memref<128x10xf32, #tpu.memory_space<vmem>>, vector<128x10xf32>
    %dot_general3A_125 = arith.constant dense<0.000000e+00> : vector<128x10xf32>
    %dot_general3A_126 = tpu.matmul %add3A_121, %get3A_124, %dot_general3A_125 {dimension_numbers = #tpu.dot_dimension_numbers<[1], [0], [0], [1], [0, 0, 1, 1], [], []>, transpose_lhs_hint = false} : vector<128x128xf32>, vector<128x10xf32>, vector<128x10xf32> -> vector<128x10xf32>
    %get3A_127 = arith.constant 0 : index
    %get3A_128 = arith.constant 0 : index
    %get3A_129 = vector.load %arg8[%get3A_127, %get3A_128] : memref<1x10xf32, #tpu.memory_space<vmem>>, vector<1x10xf32>
    %add3A_130 = vector.broadcast %get3A_129 : vector<1x10xf32> to vector<128x10xf32>
    %add3A_131 = arith.addf %dot_general3A_126, %add3A_130 : vector<128x10xf32>
    %reduce_max3A = arith.constant dense<0xFF800000> : vector<128xf32>
    %reduce_max3A_132 = vector.multi_reduction <maximumf>, %add3A_131, %reduce_max3A [1] : vector<128x10xf32> to vector<128xf32>
    %broadcast_in_dim3A_133 = vector.shape_cast %reduce_max3A_132 : vector<128xf32> to vector<128x1xf32>
    %sub3A_134 = vector.broadcast %broadcast_in_dim3A_133 : vector<128x1xf32> to vector<128x10xf32>
    %sub3A_135 = arith.subf %add3A_131, %sub3A_134 : vector<128x10xf32>
    %exp3A = math.exp %sub3A_135 : vector<128x10xf32>
    %reduce_sum3A_136 = arith.constant dense<0.000000e+00> : vector<128xf32>
    %reduce_sum3A_137 = vector.multi_reduction <add>, %exp3A, %reduce_sum3A_136 [1] : vector<128x10xf32> to vector<128xf32>
    %broadcast_in_dim3A_138 = vector.shape_cast %reduce_sum3A_137 : vector<128xf32> to vector<128x1xf32>
    %log3A = math.log %broadcast_in_dim3A_138 : vector<128x1xf32>
    %add3A_139 = arith.addf %log3A, %broadcast_in_dim3A_133 : vector<128x1xf32>
    %sub3A_140 = vector.broadcast %add3A_139 : vector<128x1xf32> to vector<128x10xf32>
    %sub3A_141 = arith.subf %add3A_131, %sub3A_140 : vector<128x10xf32>
    %swap3A = arith.constant 0 : index
    %swap3A_142 = arith.constant 0 : index
    %swap3A_143 = vector.load %arg9[%swap3A, %swap3A_142] : memref<128x10xf32, #tpu.memory_space<vmem>>, vector<128x10xf32>
    tpu.vector_store %arg9[%swap3A, %swap3A_142], %sub3A_141 {strides = array<i32>} : memref<128x10xf32, #tpu.memory_space<vmem>>, vector<128x10xf32>,
    return
  }
}

</mosaic_0001>

<sc_bundles>
// kernel: kernel.10.cloned.1.call-start
scs
__scs_entry_jumppad:
0x0: {  	(pc) =	sbr.rel $0x88, $3  }
0x1: {  	(tag) =	ssettag $0x0;
	lr =	simm.s32 $0x1  }
0x2: {  	[smem:$0x3F93] =	sst lr;
	_ =	strace $0xD0000000  }
0x3: {  	_ = 	snop  }
0x4: {  	_ = 	snop  }
0x5: {  	_ = 	snop  }
0x6: {  	_ = 	snop  }
0x7: {  	_ = 	snop  }
__scs_overlays_trampoline_lowered:
0x8: {  	[smem:$0x3FA2] =	sst s0  }
0x9: {  	[smem:$0x3FA3] =	sst s1  }
0xa: {  	[smem:$0x3FA4] =	sst s2  }
0xb: {  	[smem:$0x3FA5] =	sst s3  }
0xc: {  	[smem:$0x3FA6] =	sst s4  }
0xd: {  	[smem:$0x3FA7] =	sst s5  }
0xe: {  	[smem:$0x3FA8] =	sst s6  }
0xf: {  	[smem:$0x3FA9] =	sst s7  }
0x10: {  	[smem:$0x3FAA] =	sst s8  }
0x11: {  	[smem:$0x3FAB] =	sst s9;
	s0 =	simm.s32 @!p0 $0x0  }
0x12: {  	s1 =	sld [smem:$0x3F91];
	s0 =	simm.s32 @p0 $0x1  }
0x13: {  	[smem:$0x3FAC] =	sst s0;
	s0 =	simm.s32 @!p1 $0x0  }
0x14: {  	s2 =	sld [smem:$0x3F90];
	s0 =	simm.s32 @p1 $0x1  }
0x15: {  	[smem:$0x3FAD] =	sst s0;
	s0 =	simm.s32 @!p2 $0x0  }
0x16: {  	s3 =	sld [smem:$0x3FDB];
	s0 =	simm.s32 @p2 $0x1  }
0x17: {  	s4 =	simm.s32 $0x1BF5;
	[smem:$0x3FAF] =	sst s0  }
0x18: {  	s0 =	sld [smem:$0x3F92];
	_ =	swait.ge [sflag:s4], $0x0  }
0x19: {  	s7 =	sld [smem:$0x3F93]  }
0x1a: {  	s8 =	sadd.s32 $0xFFFFE003, lr  }
0x1b: {  	s9 =	sadd.s32 $0xFFFFFEF7, lr;
	s5 =	simm.s32 $0xFFFFFFFF;
	p2 =	slt.u32 s8, $0xFFFFF086  }
0x1c: {  	p1 =	slt.u32 s9, $0xF7A;
	s5 =	simm.s32 @!p2 $0x0  }
0x1d: {  	s5 =	simm.s32 @p1 $0x1;
	p0 =	seq.s32 s7, s2  }
0x1e: {  	s7 =	smul.u32 @!p0 $0xF7A, s2;
	p2 =	seq.s32 @!p0 s5, $0x0  }
0x1f: {  	s9 =	smul.u32 $0xF7A, s1;
	s8 =	simm.s32 @!p0 $0x1BF5;
	p2 =	por !p2, p0  }
0x20: {  	[sflag:s8] =	ssyncset.s32 @!p0 $0xFFFFF086;
	s6 =	sadd.s32 @!p0 s3, s7;
	s7 =	simm.s32 @!p0 $0x108  }
0x21: {  	s3 =	sadd.s32 s3, s9;
	s6 =	sadd.s32 @!p0 $0x88, s6;
	s7 =	simm.s32 @p2 $0x1082  }
0x22: {  	[simem:s7], [sflag:s8] =	dma.local @!p0 [hbm:s6], $0xF7A  }
0x23: {  	s9 =	sor.u32 $0xD0000000, s2;
	s6 =	simm.s32 $0x108;
	_ =	swait.ge @!p0 [sflag:s8], $0x0  }
0x24: {  	s3 =	sadd.s32 $0x88, s3;
	s6 =	simm.s32 @!p1 $0x1082;
	[sflag:s4] =	ssyncset.s32 $0xFFFFF086  }
0x25: {  	[simem:s6], [sflag:s4] =	dma.local [hbm:s3], $0xF7A  }
0x26: {  	[smem:$0x3F93] =	sst s1;
	(tag) =	ssettag s2;
	_ =	strace s9  }
0x27: {  	s1 =	sld [smem:$0x3FA3]  }
0x28: {  	s2 =	sld [smem:$0x3FA4]  }
0x29: {  	s4 =	sld [smem:$0x3FA6]  }
0x2a: {  	p0 =	seq.s32 s5, $0x0;
	s5 =	sld [smem:$0x3FA7]  }
0x2b: {  	s6 =	sld [smem:$0x3FA8]  }
0x2c: {  	s7 =	sld [smem:$0x3FA9]  }
0x2d: {  	s3 =	simm.s32 $0x108;
	s8 =	sld [smem:$0x3FAA]  }
0x2e: {  	s3 =	simm.s32 @!p0 $0x1082;
	s9 =	sld [smem:$0x3FAB]  }
0x2f: {  	lr =	sadd.s32 s0, s3;
	s0 =	sld [smem:$0x3FA2]  }
0x30: {  	s3 =	sld [smem:$0x3FA5]  }
0x31: {  	[smem:$0x3FAE] =	sst s10  }
0x32: {  	s10 =	sld [smem:$0x3FAC];
	_ =	sdelay $0x3  }
0x33: {  	p0 =	seq.s32 s10, $0x1;
	s10 =	sld [smem:$0x3FAE];
	_ =	sdelay $0x3  }
0x34: {  	[smem:$0x3FAE] =	sst s10  }
0x35: {  	s10 =	sld [smem:$0x3FAD];
	_ =	sdelay $0x3  }
0x36: {  	p1 =	seq.s32 s10, $0x1;
	s10 =	sld [smem:$0x3FAE];
	_ =	sdelay $0x3  }
0x37: {  	[smem:$0x3FAE] =	sst s10  }
0x38: {  	s10 =	sld [smem:$0x3FAF]  }
0x39: {  	_ = 	snop;
	(pc) =	sbr.ind lr, $3  }
0x3a: {  	_ = 	snop  }
0x3b: {  	_ = 	snop  }
0x3c: {  	p2 =	seq.s32 s10, $0x1;
	s10 =	sld [smem:$0x3FAE]  }
0x3d: {  	_ =	shalt  }
0x3e: {  	_ =	shalt  }
0x3f: {  	_ =	shalt  }
0x40: {  	_ =	shalt  }
0x41: {  	_ =	shalt  }
0x42: {  	_ =	shalt  }
0x43: {  	_ =	shalt  }
0x44: {  	_ =	shalt  }
0x45: {  	_ =	shalt  }
0x46: {  	_ =	shalt  }
0x47: {  	_ =	shalt  }
0x48: {  	_ =	shalt  }
0x49: {  	_ =	shalt  }
0x4a: {  	_ =	shalt  }
0x4b: {  	_ =	shalt  }
0x4c: {  	_ =	shalt  }
0x4d: {  	_ =	shalt  }
0x4e: {  	_ =	shalt  }
0x4f: {  	_ =	shalt  }
0x50: {  	_ =	shalt  }
0x51: {  	_ =	shalt  }
0x52: {  	_ =	shalt  }
0x53: {  	_ =	shalt  }
0x54: {  	_ =	shalt  }
0x55: {  	_ =	shalt  }
0x56: {  	_ =	shalt  }
0x57: {  	_ =	shalt  }
0x58: {  	_ =	shalt  }
0x59: {  	_ =	shalt  }
0x5a: {  	_ =	shalt  }
0x5b: {  	_ =	shalt  }
0x5c: {  	_ =	shalt  }
0x5d: {  	_ =	shalt  }
0x5e: {  	_ =	shalt  }
0x5f: {  	_ =	shalt  }
0x60: {  	_ =	shalt  }
0x61: {  	_ =	shalt  }
0x62: {  	_ =	shalt  }
0x63: {  	_ =	shalt  }
0x64: {  	_ =	shalt  }
0x65: {  	_ =	shalt  }
0x66: {  	_ =	shalt  }
0x67: {  	_ =	shalt  }
0x68: {  	_ =	shalt  }
0x69: {  	_ =	shalt  }
0x6a: {  	_ =	shalt  }
0x6b: {  	_ =	shalt  }
0x6c: {  	_ =	shalt  }
0x6d: {  	_ =	shalt  }
0x6e: {  	_ =	shalt  }
0x6f: {  	_ =	shalt  }
0x70: {  	_ =	shalt  }
0x71: {  	_ =	shalt  }
0x72: {  	_ =	shalt  }
0x73: {  	_ =	shalt  }
0x74: {  	_ =	shalt  }
0x75: {  	_ =	shalt  }
0x76: {  	_ =	shalt  }
0x77: {  	_ =	shalt  }
0x78: {  	_ =	shalt  }
0x79: {  	_ =	shalt  }
0x7a: {  	_ =	shalt  }
0x7b: {  	_ =	shalt  }
0x7c: {  	_ =	shalt  }
0x7d: {  	_ =	shalt  }
0x7e: {  	_ =	shalt  }
0x7f: {  	_ =	shalt  }
0x80: {  	_ =	shalt  }
0x81: {  	_ =	shalt  }
0x82: {  	_ =	shalt  }
0x83: {  	_ =	shalt  }
0x84: {  	_ =	shalt  }
0x85: {  	_ =	shalt  }
0x86: {  	_ =	shalt  }
0x87: {  	_ =	shalt  }
.Lfunc_end0:
.L_simem_size_0:
called_computation_lowered:
.L_overlay_start_0:
0x88: {  	s2 =	sld [smem:$0x3FD9]  }
0x89: {  	s3 =	sld [smem:$0x3FFE];
	_ =	sdelay $0x1  }
0x8a: {  	s1 =	srdreg.scid  }
0x8b: {  	s0 =	sand.u32 $0x1, s1  }
0x8c: {  	s16 =	sshll.u32 s0, $0xA;
	s2 =	sadd.s32 s3, s2  }
0x8d: {  	s2 =	sadd.s32 s2, s16  }
0x8e: {  	[smem:$0x3FBA] =	sst s2  }
0x8f: {  	_ = 	snop  }
0x90: {  	(tm) =	ssettm $0x1  }
0x91: {  	s17 =	sld [smem:$0x3FFB];
	_ =	sdelay $0x3  }
0x92: {  	_ =	strace s17  }
0x93: {  	s2 =	sld [smem:$0x3FFC];
	_ =	sdelay $0x3  }
0x94: {  	_ =	strace s2  }
0x95: {  	s2 =	sld [smem:$0x3FFD];
	_ =	sdelay $0x3  }
0x96: {  	_ =	strace s2  }
0x97: {  	_ =	strace $0x8FFFFFFF  }
0x98: {  	s18 =	sld [smem:$0x3FDB];
	_ =	sdelay $0x1  }
0x99: {  	s19 =	simm.s32 $_scs_section_size  }
0x9a: {  	s4 =	simm.s32 $_size__tile_overlayer_lowered;
	s5 =	simm.s32 $_tile_overlayer_lowered  }
0x9b: {  	s22 =	simm.s32 $0x1BFF;
	s21 =	sshll.u32 s5, $0x1;
	s2 =	sadd.s32 s19, s18  }
0x9c: {  	s6 =	simm.s32 $0x0;
	s20 =	sshll.u32 s4, $0x1;
	s4 =	sadd.s32 s21, s2  }
0x9d: {  	[timem:s6], [sflag:s22] =	dma.local [hbm:s4], s20  }
0x9e: {  	_ =	swait.ge [sflag:s22], s20  }
0x9f: {  	s3 =	ssub.s32 $0x0, s20;
	[sflag:s22] =	ssyncset.done $0x0  }
0xa0: {  	[sflag:s22] =	ssyncadd.s32 s3;
	_ =	sdelay $0x1  }
0xa1: {  	s23 =	simm.s32 $0x1B8B  }
0xa2: {  	_ =	swait.ge [sflag:s23], $0x1  }
0xa3: {  	[sflag:s23] =	ssyncset.done $0x0  }
0xa4: {  	s25 =	simm.s32 $0x1B8E;
	s24 =	sld [smem:$0x3FFE];
	[sflag:s23] =	ssyncadd.s32 $0xFFFFFFFF  }
0xa5: {  	s26 =	simm.s32 $execute0_lowered;
	[smem:$0x3FD2] =	sst s25  }
0xa6: {  	s4 =	sshll.u32 s26, $0x1;
	_ =	strace $0x80000046;
	[dreg:$0x1] =	wrdreg $0xFFFFFFFF  }
0xa7: {  	s28 =	simm.s32 $_size_execute0_lowered;
	s2 =	sadd.s32 s2, s4;
	[dreg:$0x0] =	wrdreg $0x0  }
0xa8: {  	s4 =	sshll.u32 s28, $0x1;
	[dreg:$0x2] =	wrdreg s2  }
0xa9: {  	[dreg:$0x3] =	wrdreg s4  }
0xaa: {  	[dreg:$0x4] =	wrdreg $0xC0  }
0xab: {  	_ =	task [dreg:s6], $0x5FFFF  }
0xac: {  	[dreg:$0x1] =	wrdreg $0xFFFFFFFF  }
0xad: {  	[dreg:$0x0] =	wrdreg $0x60  }
0xae: {  	[dreg:$0x2] =	wrdreg s24  }
0xaf: {  	[dreg:$0x3] =	wrdreg $0x9  }
0xb0: {  	_ =	task.clear_ibuf [dreg:s6], $0x4FFFF;
	_ =	strace $0x90000046  }
0xb1: {  	s29 =	simm.s32 $0x9;
	_ =	strace $0x80000048  }
0xb2: {  	_ =	swait.ge [sflag:s29], $0x1  }
0xb3: {  	[sflag:s29] =	ssyncadd.s32 $0xFFFFFFFF  }
0xb4: {  	_ =	strace $0x90000048  }
0xb5: {  	_ =	sfence  }
0xb6: {  	s30 =	sld [smem:$0x0];
	_ =	sdelay $0x2  }
0xb7: {  	s31 =	sshll.u32 s1, $0xD;
	s1 =	sshrl.u32 s1, $0x2  }
0xb8: {  	s3 =	sand.u32 $0x4000, s31;
	s1 =	sadd.s32 s1, s30  }
0xb9: {  	s0 =	sor.u32 s3, s0;
	s1 =	sshll.u32 s1, $0x11  }
0xba: {  	s0 =	sor.u32 s1, s0  }
0xbb: {  	s0 =	sadd.s32 $0x8F2B, s0  }
0xbc: {  	[sflag:s0] =	ssyncadd.remote.s32 $0x1  }
0xbd: {  	_ =	sfence.sel $0xFFFF  }
0xbe: {  	[dreg:$0x0] =	wrdreg $0xFFFFFFFF;
	(pc) =	sbr.abs _section_cstart, $3  }
0xbf: {  	[dreg:$0x1] =	wrdreg $0xFFFFFFFF  }
0xc0: {  	_ =	task.clear_ibuf [dreg:s6], $0x2FFFF;
	_ =	strace $0x9FFFFFFF  }
0xc1: {  	(tm) =	ssettm $0x7FFFFFFF  }
tec
execute0_lowered:
.L_overlay_start_1:
0x0: {  	(tag) =	ssettag $0x1  }
0x1: {  	s0 =	srdreg.scid  }
0x2: {  	s3 =	sand.u32 $0x1, s0  }
0x3: {  	s4 =	rddreg [dreg:$0x0];
	s0 =	stileid.u32;
	s1 =	sshll.u32 s3, $0x4  }
0x4: {  	s2 =	simm.s32 $0x0;
	s8 =	simm.s32 $0x80;
	s5 =	sor.u32 s0, s1  }
0x5: {  	s9 =	simm.s32 $0x400;
	[smem:$0x7FF] =	sst s2;
	s6 =	sshrl.u32 s5, $0x3  }
0x6: {  	s7 =	sshll.u32 s0, $0x7;
	s3 =	ssub.s32 $0x2, s3;
	s6 =	smul.u32 $0x13C00, s6  }
0x7: {  	s1 =	rddreg [dreg:$0x1];
	s7 =	sand.u32 $0x380, s7;
	s5 =	smul.u32 $0x4E2, s5  }
0x8: {  	_ =	strace $0x80000047;
	s30 =	sshrl.u32 s3, $0x1;
	s6 =	sor.u32 s7, s6  }
0x9: {  	s31 =	ssub.s32 s3, s30;
	s5 =	sadd.s32 s5, s4;
	s6 =	sshrl.u32 s6, $0x3  }
0xa: {  	s3 =	sadd.s32 $0x4A00, s5;
	s5 =	smax.u32 s31, $0x1;
	s4 =	sadd.s32 s6, s4  }
0xb: {  	v0 =	vimm.f32 $0.0e+00;
	v1 =	vimm.f32 $1.000000000e+00;
	s7 =	simm.s32 $0x2780;
	s6 =	simm.s32 $0x1;
	s4 =	sadd.s32 $0xE800, s4  }
.LBB2_1:
0xc: {  	s10 =	simm.s32 $0x40;
	s11 =	simm.s32 $0x0  }
.LBB2_2:
0xd: {  	p0 =	sne.s32 s10, $0x9DC0;
	[tilespmem:s11+$0x2780] =	vst v0;
	s11 =	smov.u32 s10;
	s10 =	sadd.s32 $0x40, s10  }
.Ltmp0:
0xe: {  	(pc) =	sbr.rel @p0 .LBB2_2-.Ltmp0, $2  }
0xf: {  	_ =	sdelay $0x2  }
0x10: {  	s11 =	sshra.s32 s11, $0x2  }
0x11: {  	[tilespmem:s11+$0x2780] =	vst v0;
	s10 =	simm.s32 $0x0  }
0x12: {  	[tilespmem:s10], [sflag:$0x1] =	stream.linear.gather [hbm4b:s3+s10], $0x2710, $0x38;
	[tilespmem:$0x4F00] =	vst v63  }
0x13: {  	_ =	swait.ge [sflag:s6], $0x2710  }
0x14: {  	[sflag:s6] =	ssyncset.done $0x0  }
0x15: {  	s11 =	simm.s32 $0x0;
	s10 =	simm.s32 $0x40;
	[sflag:s6] =	ssyncadd.s32 $0xFFFFD8F0  }
.LBB2_4:
0x16: {  	p0 =	sne.s32 s10, $0x9C00;
	v2 =	vld [tilespmem:s11+$0x0];
	_ =	sdelay $0x3  }
.Ltmp1:
0x17: {  	(pc) =	sbr.rel @p0 .LBB2_4-.Ltmp1, $2  }
0x18: {  	_ =	sdelay $0x2  }
0x19: {  	s11 =	sshra.s32 s10, $0x2;
	s10 =	sadd.s32 $0x40, s10;
	[tilespmem:v2+s7+$0x0] =	vst.idx.add.f32.msk $0xffff, v1  }
0x1a: {  	v2 =	vld [tilespmem:s11+$0x0];
	_ =	sdelay $0x5  }
0x1b: {  	s2 =	sadd.s32 $0x1, s2  }
0x1c: {  	p0 =	sne.s32 s2, s5  }
.Ltmp2:
0x1d: {  	[tilespmem:v2+s7+$0x0] =	vst.idx.add.f32.msk $0xffff, v1;
	(pc) =	sbr.rel @p0 .LBB2_1-.Ltmp2, $4  }
0x1e: {  	[hbm4b:s4+s8] =	stream.strided.scatter [tilespmem:s7], [sflag:$0x1], $0x2780, s9, s8, $0x38;
	[tilespmem:$0x4F00] =	vst v63  }
0x1f: {  	_ =	swait.ge [sflag:s6], $0x2780  }
0x20: {  	[sflag:s6] =	ssyncset.done $0x0  }
0x21: {  	[sflag:s6] =	ssyncadd.s32 $0xFFFFD880  }
0x22: {  	_ =	sfence.sel $0x180000  }
0x23: {  	[bflag:$0x0] =	sbarrier.arrive $0xFFFF  }
0x24: {  	p0 =	sne.s32 s0, $0x0;
	_ =	strace $0x90000047  }
0x25: {  	s0 =	sadd.s32 @!p0 $0x100000, s1;
	[bflag:$0x2] =	sbarrier.arrive $0xFFFF  }
0x26: {  	[sflag:s0] =	ssyncadd.tile.s32 @!p0 $0x1;
	_ =	shalt  }
.Lfunc_end2:
_tile_overlayer_lowered:
.L_overlay_start_2:
0x27: {  	(tag) =	ssettag $0x2  }
0x28: {  	s0 =	rddreg [dreg:$0x0];
	s2 =	stileid.u32  }
0x29: {  	s1 =	rddreg [dreg:$0x1];
	p0 =	sne.s32 s2, $0x0  }
0x2a: {  	s3 =	rddreg [dreg:$0x2];
	[bflag:$0x3] =	sbarrier.arrive $0xFFFF;
	s2 =	simm.s32 @!p0 $0x1C01  }
0x2b: {  	[timem:s3], [sflag:s2] =	dma.local @!p0 [hbm:s0], s1  }
0x2c: {  	s0 =	simm.s32 @!p0 $0x1  }
0x2d: {  	_ =	swait.ge @!p0 [sflag:s0], s1  }
0x2e: {  	s1 =	ssub.s32 @!p0 $0x0, s1;
	[sflag:s0] =	ssyncset.done @!p0 $0x0  }
0x2f: {  	[sflag:s0] =	ssyncadd.s32 @!p0 s1  }
0x30: {  	[bflag:$0x3] =	sbarrier.arrive $0xFFFF  }
0x31: {  	_ =	shalt  }

// kernel: kernel.13.cloned.1.call-start
scs
__scs_entry_jumppad:
0x0: {  	(pc) =	sbr.rel $0x88, $3  }
0x1: {  	(tag) =	ssettag $0x0;
	lr =	simm.s32 $0x1  }
0x2: {  	[smem:$0x3F93] =	sst lr;
	_ =	strace $0xD0000000  }
0x3: {  	_ = 	snop  }
0x4: {  	_ = 	snop  }
0x5: {  	_ = 	snop  }
0x6: {  	_ = 	snop  }
0x7: {  	_ = 	snop  }
__scs_overlays_trampoline_lowered:
0x8: {  	[smem:$0x3FA2] =	sst s0  }
0x9: {  	[smem:$0x3FA3] =	sst s1  }
0xa: {  	[smem:$0x3FA4] =	sst s2  }
0xb: {  	[smem:$0x3FA5] =	sst s3  }
0xc: {  	[smem:$0x3FA6] =	sst s4  }
0xd: {  	[smem:$0x3FA7] =	sst s5  }
0xe: {  	[smem:$0x3FA8] =	sst s6  }
0xf: {  	[smem:$0x3FA9] =	sst s7  }
0x10: {  	[smem:$0x3FAA] =	sst s8  }
0x11: {  	[smem:$0x3FAB] =	sst s9;
	s0 =	simm.s32 @!p0 $0x0  }
0x12: {  	s1 =	sld [smem:$0x3F91];
	s0 =	simm.s32 @p0 $0x1  }
0x13: {  	[smem:$0x3FAC] =	sst s0;
	s0 =	simm.s32 @!p1 $0x0  }
0x14: {  	s2 =	sld [smem:$0x3F90];
	s0 =	simm.s32 @p1 $0x1  }
0x15: {  	[smem:$0x3FAD] =	sst s0;
	s0 =	simm.s32 @!p2 $0x0  }
0x16: {  	s3 =	sld [smem:$0x3FDB];
	s0 =	simm.s32 @p2 $0x1  }
0x17: {  	s4 =	simm.s32 $0x1BF5;
	[smem:$0x3FAF] =	sst s0  }
0x18: {  	s0 =	sld [smem:$0x3F92];
	_ =	swait.ge [sflag:s4], $0x0  }
0x19: {  	s7 =	sld [smem:$0x3F93]  }
0x1a: {  	s8 =	sadd.s32 $0xFFFFE003, lr  }
0x1b: {  	s9 =	sadd.s32 $0xFFFFFEF7, lr;
	s5 =	simm.s32 $0xFFFFFFFF;
	p2 =	slt.u32 s8, $0xFFFFF086  }
0x1c: {  	p1 =	slt.u32 s9, $0xF7A;
	s5 =	simm.s32 @!p2 $0x0  }
0x1d: {  	s5 =	simm.s32 @p1 $0x1;
	p0 =	seq.s32 s7, s2  }
0x1e: {  	s7 =	smul.u32 @!p0 $0xF7A, s2;
	p2 =	seq.s32 @!p0 s5, $0x0  }
0x1f: {  	s9 =	smul.u32 $0xF7A, s1;
	s8 =	simm.s32 @!p0 $0x1BF5;
	p2 =	por !p2, p0  }
0x20: {  	[sflag:s8] =	ssyncset.s32 @!p0 $0xFFFFF086;
	s6 =	sadd.s32 @!p0 s3, s7;
	s7 =	simm.s32 @!p0 $0x108  }
0x21: {  	s3 =	sadd.s32 s3, s9;
	s6 =	sadd.s32 @!p0 $0x88, s6;
	s7 =	simm.s32 @p2 $0x1082  }
0x22: {  	[simem:s7], [sflag:s8] =	dma.local @!p0 [hbm:s6], $0xF7A  }
0x23: {  	s9 =	sor.u32 $0xD0000000, s2;
	s6 =	simm.s32 $0x108;
	_ =	swait.ge @!p0 [sflag:s8], $0x0  }
0x24: {  	s3 =	sadd.s32 $0x88, s3;
	s6 =	simm.s32 @!p1 $0x1082;
	[sflag:s4] =	ssyncset.s32 $0xFFFFF086  }
0x25: {  	[simem:s6], [sflag:s4] =	dma.local [hbm:s3], $0xF7A  }
0x26: {  	[smem:$0x3F93] =	sst s1;
	(tag) =	ssettag s2;
	_ =	strace s9  }
0x27: {  	s1 =	sld [smem:$0x3FA3]  }
0x28: {  	s2 =	sld [smem:$0x3FA4]  }
0x29: {  	s4 =	sld [smem:$0x3FA6]  }
0x2a: {  	p0 =	seq.s32 s5, $0x0;
	s5 =	sld [smem:$0x3FA7]  }
0x2b: {  	s6 =	sld [smem:$0x3FA8]  }
0x2c: {  	s7 =	sld [smem:$0x3FA9]  }
0x2d: {  	s3 =	simm.s32 $0x108;
	s8 =	sld [smem:$0x3FAA]  }
0x2e: {  	s3 =	simm.s32 @!p0 $0x1082;
	s9 =	sld [smem:$0x3FAB]  }
0x2f: {  	lr =	sadd.s32 s0, s3;
	s0 =	sld [smem:$0x3FA2]  }
0x30: {  	s3 =	sld [smem:$0x3FA5]  }
0x31: {  	[smem:$0x3FAE] =	sst s10  }
0x32: {  	s10 =	sld [smem:$0x3FAC];
	_ =	sdelay $0x3  }
0x33: {  	p0 =	seq.s32 s10, $0x1;
	s10 =	sld [smem:$0x3FAE];
	_ =	sdelay $0x3  }
0x34: {  	[smem:$0x3FAE] =	sst s10  }
0x35: {  	s10 =	sld [smem:$0x3FAD];
	_ =	sdelay $0x3  }
0x36: {  	p1 =	seq.s32 s10, $0x1;
	s10 =	sld [smem:$0x3FAE];
	_ =	sdelay $0x3  }
0x37: {  	[smem:$0x3FAE] =	sst s10  }
0x38: {  	s10 =	sld [smem:$0x3FAF]  }
0x39: {  	_ = 	snop;
	(pc) =	sbr.ind lr, $3  }
0x3a: {  	_ = 	snop  }
0x3b: {  	_ = 	snop  }
0x3c: {  	p2 =	seq.s32 s10, $0x1;
	s10 =	sld [smem:$0x3FAE]  }
0x3d: {  	_ =	shalt  }
0x3e: {  	_ =	shalt  }
0x3f: {  	_ =	shalt  }
0x40: {  	_ =	shalt  }
0x41: {  	_ =	shalt  }
0x42: {  	_ =	shalt  }
0x43: {  	_ =	shalt  }
0x44: {  	_ =	shalt  }
0x45: {  	_ =	shalt  }
0x46: {  	_ =	shalt  }
0x47: {  	_ =	shalt  }
0x48: {  	_ =	shalt  }
0x49: {  	_ =	shalt  }
0x4a: {  	_ =	shalt  }
0x4b: {  	_ =	shalt  }
0x4c: {  	_ =	shalt  }
0x4d: {  	_ =	shalt  }
0x4e: {  	_ =	shalt  }
0x4f: {  	_ =	shalt  }
0x50: {  	_ =	shalt  }
0x51: {  	_ =	shalt  }
0x52: {  	_ =	shalt  }
0x53: {  	_ =	shalt  }
0x54: {  	_ =	shalt  }
0x55: {  	_ =	shalt  }
0x56: {  	_ =	shalt  }
0x57: {  	_ =	shalt  }
0x58: {  	_ =	shalt  }
0x59: {  	_ =	shalt  }
0x5a: {  	_ =	shalt  }
0x5b: {  	_ =	shalt  }
0x5c: {  	_ =	shalt  }
0x5d: {  	_ =	shalt  }
0x5e: {  	_ =	shalt  }
0x5f: {  	_ =	shalt  }
0x60: {  	_ =	shalt  }
0x61: {  	_ =	shalt  }
0x62: {  	_ =	shalt  }
0x63: {  	_ =	shalt  }
0x64: {  	_ =	shalt  }
0x65: {  	_ =	shalt  }
0x66: {  	_ =	shalt  }
0x67: {  	_ =	shalt  }
0x68: {  	_ =	shalt  }
0x69: {  	_ =	shalt  }
0x6a: {  	_ =	shalt  }
0x6b: {  	_ =	shalt  }
0x6c: {  	_ =	shalt  }
0x6d: {  	_ =	shalt  }
0x6e: {  	_ =	shalt  }
0x6f: {  	_ =	shalt  }
0x70: {  	_ =	shalt  }
0x71: {  	_ =	shalt  }
0x72: {  	_ =	shalt  }
0x73: {  	_ =	shalt  }
0x74: {  	_ =	shalt  }
0x75: {  	_ =	shalt  }
0x76: {  	_ =	shalt  }
0x77: {  	_ =	shalt  }
0x78: {  	_ =	shalt  }
0x79: {  	_ =	shalt  }
0x7a: {  	_ =	shalt  }
0x7b: {  	_ =	shalt  }
0x7c: {  	_ =	shalt  }
0x7d: {  	_ =	shalt  }
0x7e: {  	_ =	shalt  }
0x7f: {  	_ =	shalt  }
0x80: {  	_ =	shalt  }
0x81: {  	_ =	shalt  }
0x82: {  	_ =	shalt  }
0x83: {  	_ =	shalt  }
0x84: {  	_ =	shalt  }
0x85: {  	_ =	shalt  }
0x86: {  	_ =	shalt  }
0x87: {  	_ =	shalt  }
.Lfunc_end0:
.L_simem_size_0:
called_computation.1_lowered:
.L_overlay_start_0:
0x88: {  	s2 =	sld [smem:$0x3FD9]  }
0x89: {  	s3 =	sld [smem:$0x3FFE];
	_ =	sdelay $0x1  }
0x8a: {  	s1 =	srdreg.scid  }
0x8b: {  	s0 =	sand.u32 $0x1, s1  }
0x8c: {  	s16 =	sshll.u32 s0, $0xA;
	s2 =	sadd.s32 s3, s2  }
0x8d: {  	s2 =	sadd.s32 s2, s16  }
0x8e: {  	[smem:$0x3FBA] =	sst s2  }
0x8f: {  	_ = 	snop  }
0x90: {  	(tm) =	ssettm $0x1  }
0x91: {  	s17 =	sld [smem:$0x3FFB];
	_ =	sdelay $0x3  }
0x92: {  	_ =	strace s17  }
0x93: {  	s2 =	sld [smem:$0x3FFC];
	_ =	sdelay $0x3  }
0x94: {  	_ =	strace s2  }
0x95: {  	s2 =	sld [smem:$0x3FFD];
	_ =	sdelay $0x3  }
0x96: {  	_ =	strace s2  }
0x97: {  	_ =	strace $0x8FFFFFFF  }
0x98: {  	s18 =	sld [smem:$0x3FDB];
	_ =	sdelay $0x1  }
0x99: {  	s19 =	simm.s32 $_scs_section_size  }
0x9a: {  	s4 =	simm.s32 $_size__tile_overlayer_lowered;
	s5 =	simm.s32 $_tile_overlayer_lowered  }
0x9b: {  	s22 =	simm.s32 $0x1BFF;
	s21 =	sshll.u32 s5, $0x1;
	s2 =	sadd.s32 s19, s18  }
0x9c: {  	s6 =	simm.s32 $0x0;
	s20 =	sshll.u32 s4, $0x1;
	s4 =	sadd.s32 s21, s2  }
0x9d: {  	[timem:s6], [sflag:s22] =	dma.local [hbm:s4], s20  }
0x9e: {  	_ =	swait.ge [sflag:s22], s20  }
0x9f: {  	s3 =	ssub.s32 $0x0, s20;
	[sflag:s22] =	ssyncset.done $0x0  }
0xa0: {  	[sflag:s22] =	ssyncadd.s32 s3;
	_ =	sdelay $0x1  }
0xa1: {  	s23 =	simm.s32 $0x1B8B  }
0xa2: {  	_ =	swait.ge [sflag:s23], $0x1  }
0xa3: {  	[sflag:s23] =	ssyncset.done $0x0  }
0xa4: {  	s25 =	simm.s32 $0x1B8E;
	s24 =	sld [smem:$0x3FFE];
	[sflag:s23] =	ssyncadd.s32 $0xFFFFFFFF  }
0xa5: {  	s26 =	simm.s32 $execute0_lowered;
	[smem:$0x3FD2] =	sst s25  }
0xa6: {  	s4 =	sshll.u32 s26, $0x1;
	_ =	strace $0x80000049;
	[dreg:$0x1] =	wrdreg $0xFFFFFFFF  }
0xa7: {  	s28 =	simm.s32 $_size_execute0_lowered;
	s2 =	sadd.s32 s2, s4;
	[dreg:$0x0] =	wrdreg $0x0  }
0xa8: {  	s4 =	sshll.u32 s28, $0x1;
	[dreg:$0x2] =	wrdreg s2  }
0xa9: {  	[dreg:$0x3] =	wrdreg s4  }
0xaa: {  	[dreg:$0x4] =	wrdreg $0xC0  }
0xab: {  	_ =	task [dreg:s6], $0x5FFFF  }
0xac: {  	[dreg:$0x1] =	wrdreg $0xFFFFFFFF  }
0xad: {  	[dreg:$0x0] =	wrdreg $0x60  }
0xae: {  	[dreg:$0x2] =	wrdreg s24  }
0xaf: {  	[dreg:$0x3] =	wrdreg $0x13D000  }
0xb0: {  	[dreg:$0x4] =	wrdreg $0x9  }
0xb1: {  	_ =	task.clear_ibuf [dreg:s6], $0x5FFFF;
	_ =	strace $0x90000049  }
0xb2: {  	s29 =	simm.s32 $0x9;
	_ =	strace $0x8000004B  }
0xb3: {  	_ =	swait.ge [sflag:s29], $0x1  }
0xb4: {  	[sflag:s29] =	ssyncadd.s32 $0xFFFFFFFF  }
0xb5: {  	_ =	strace $0x9000004B  }
0xb6: {  	_ =	sfence  }
0xb7: {  	s30 =	sld [smem:$0x0];
	_ =	sdelay $0x2  }
0xb8: {  	s31 =	sshll.u32 s1, $0xD;
	s1 =	sshrl.u32 s1, $0x2  }
0xb9: {  	s3 =	sand.u32 $0x4000, s31;
	s1 =	sadd.s32 s1, s30  }
0xba: {  	s0 =	sor.u32 s3, s0;
	s1 =	sshll.u32 s1, $0x11  }
0xbb: {  	s0 =	sor.u32 s1, s0  }
0xbc: {  	s0 =	sadd.s32 $0x8F2B, s0  }
0xbd: {  	[sflag:s0] =	ssyncadd.remote.s32 $0x1  }
0xbe: {  	_ =	sfence.sel $0xFFFF  }
0xbf: {  	[dreg:$0x0] =	wrdreg $0xFFFFFFFF;
	(pc) =	sbr.abs _section_cstart, $3  }
0xc0: {  	[dreg:$0x1] =	wrdreg $0xFFFFFFFF  }
0xc1: {  	_ =	task.clear_ibuf [dreg:s6], $0x2FFFF;
	_ =	strace $0x9FFFFFFF  }
0xc2: {  	(tm) =	ssettm $0x7FFFFFFF  }
0xc3: {  	_ =	shalt  }
tec
execute0_lowered:
.L_overlay_start_1:
0x0: {  	(tag) =	ssettag $0x1  }
0x1: {  	s0 =	rddreg [dreg:$0x0]  }
0x2: {  	s2 =	rddreg [dreg:$0x1]  }
0x3: {  	s8 =	stileid.u32;
	s4 =	srdreg.scid;
	s3 =	simm.s32 $0x0  }
0x4: {  	s13 =	simm.s32 $0x22600;
	s14 =	simm.s32 $0x9;
	s15 =	simm.s32 $0x5000  }
0x5: {  	s16 =	simm.s32 $0x7D;
	s17 =	simm.s32 $0xA000;
	s19 =	simm.s32 $0xBF40  }
0x6: {  	s20 =	simm.s32 $0x11D00;
	s22 =	simm.s32 $0xDE80;
	s23 =	simm.s32 $0x1  }
0x7: {  	s29 =	simm.s32 $0x5;
	s31 =	simm.s32 $0x3;
	s1 =	smul.u32 $0xA00, s8  }
0x8: {  	s21 =	simm.s32 $0x4;
	s28 =	simm.s32 $0x7;
	s5 =	smul.u32 $0x13C0, s8  }
0x9: {  	s30 =	simm.s32 $0x8;
	s6 =	sand.u32 $0x1, s4;
	s8 =	smul.u32 $0x27800, s8  }
0xa: {  	[smem:$0x7FF] =	sst s3;
	s4 =	sadd.s32 $0x36600, s0;
	s7 =	smul.u32 $0x13C00, s6  }
0xb: {  	_ =	strace $0x8000004A;
	s9 =	ssub.s32 $0x2, s6;
	p0 =	seq.s32 s6, $0x1  }
0xc: {  	s1 =	sadd.s32 s1, s0;
	s25 =	sshrl.u32 s9, $0x1;
	s8 =	sshrl.u32 s8, $0x2  }
0xd: {  	s13 =	simm.s32 @!p0 $0x18600;
	s5 =	sadd.s32 s5, s7;
	s12 =	ssub.s32 s9, s25  }
0xe: {  	s26 =	sadd.s32 $0x2C600, s1;
	s13 =	sadd.s32 s13, s1;
	s25 =	simm.s32 $0xFDC0  }
0xf: {  	s1 =	simm.s32 $0x6;
	s0 =	sadd.s32 s5, s0;
	s5 =	sadd.s32 s8, s2  }
0x10: {  	[dreg:$0x3] =	wrdreg s26;
	s12 =	smax.u32 s12, $0x1;
	s26 =	simm.s32 $0x2  }
0x11: {  	s7 =	sadd.s32 $0x2000, s5;
	s8 =	sadd.s32 $0x4000, s5;
	s9 =	sadd.s32 $0x6000, s5  }
0x12: {  	v0 =	vimm.f32 $0.0e+00;
	s10 =	sadd.s32 $0x8000, s5;
	s11 =	sadd.s32 $0x5D800, s0;
	s0 =	simm.s32 $0x0  }
.LBB2_1:
0x13: {  	[tilespmem:s3], [sflag:$0x9] =	stream.linear.gather [hbm4b:s13+s3], $0x5000, $0x38;
	[tilespmem:$0x1DB00] =	vst v63  }
0x14: {  	_ =	swait.ge [sflag:s14], $0x5000  }
0x15: {  	[sflag:s14] =	ssyncset.done $0x0  }
0x16: {  	s6 =	rddreg [dreg:$0x3];
	[sflag:s14] =	ssyncadd.s32 $0xFFFFB000  }
0x17: {  	[tilespmem:s15], [sflag:$0x9] =	stream.linear.gather [hbm4b:s6+s3], $0x5000, $0x38;
	[tilespmem:$0x1DB00] =	vst v63  }
0x18: {  	_ =	swait.ge [sflag:s14], $0x5000  }
0x19: {  	[sflag:s14] =	ssyncset.done $0x0  }
0x1a: {  	[sflag:s14] =	ssyncadd.s32 $0xFFFFB000  }
0x1b: {  	[tilespmem:s17], [sflag:$0x1] =	stream.indirect.gather [hbm4b:s4+s16], $0x40, s3, s16, $0xb8;
	[tilespmem:$0x1DB00] =	vst v63  }
0x1c: {  	s24 =	simm.s32 $0x80  }
0x1d: {  	[tilespmem:s19], [sflag:$0x2] =	stream.indirect.gather [hbm4b:s4+s16], $0x40, s24, s16, $0xb8;
	[tilespmem:$0x1DB00] =	vst v63  }
0x1e: {  	s18 =	simm.s32 $0x0;
	s24 =	simm.s32 $0x100  }
.LBB2_2:
0x1f: {  	p0 =	sne.s32 s24, $0x7F00;
	[tilespmem:s18+$0x11D30] =	vst v0;
	s6 =	smov.u32 s24;
	s24 =	sadd.s32 $0x100, s24  }
.Ltmp0:
0x20: {  	[tilespmem:s18+$0x11D20] =	vst v0;
	(pc) =	sbr.rel @p0 .LBB2_2-.Ltmp0, $3  }
0x21: {  	[tilespmem:s18+$0x11D00] =	vst v0  }
0x22: {  	[tilespmem:s18+$0x11D10] =	vst v0;
	_ =	sdelay $0x1  }
0x23: {  	s18 =	sshra.s32 s6, $0x2  }
0x24: {  	[tilespmem:s18+$0x11D30] =	vst v0  }
0x25: {  	[tilespmem:s18+$0x11D20] =	vst v0  }
0x26: {  	[tilespmem:s18+$0x11D00] =	vst v0  }
0x27: {  	[tilespmem:s18+$0x11D10] =	vst v0  }
0x28: {  	[spmem:s5] =	stream.linear.scatter [tilespmem:s20], [sflag:$0x9], $0x2000, $0x38;
	[tilespmem:$0x1DB00] =	vst v63  }
0x29: {  	_ =	swait.ge [sflag:s14], $0x2000  }
0x2a: {  	[sflag:s14] =	ssyncset.done $0x0  }
0x2b: {  	[sflag:s14] =	ssyncadd.s32 $0xFFFFE000  }
0x2c: {  	[spmem:s7] =	stream.linear.scatter [tilespmem:s20], [sflag:$0x9], $0x2000, $0x38;
	[tilespmem:$0x1DB00] =	vst v63  }
0x2d: {  	_ =	swait.ge [sflag:s14], $0x2000  }
0x2e: {  	[sflag:s14] =	ssyncset.done $0x0  }
0x2f: {  	[sflag:s14] =	ssyncadd.s32 $0xFFFFE000  }
0x30: {  	[spmem:s8] =	stream.linear.scatter [tilespmem:s20], [sflag:$0x9], $0x2000, $0x38;
	[tilespmem:$0x1DB00] =	vst v63  }
0x31: {  	_ =	swait.ge [sflag:s14], $0x2000  }
0x32: {  	[sflag:s14] =	ssyncset.done $0x0  }
0x33: {  	[sflag:s14] =	ssyncadd.s32 $0xFFFFE000  }
0x34: {  	[spmem:s9] =	stream.linear.scatter [tilespmem:s20], [sflag:$0x9], $0x2000, $0x38;
	[tilespmem:$0x1DB00] =	vst v63  }
0x35: {  	_ =	swait.ge [sflag:s14], $0x2000  }
0x36: {  	[sflag:s14] =	ssyncset.done $0x0  }
0x37: {  	[sflag:s14] =	ssyncadd.s32 $0xFFFFE000  }
0x38: {  	[spmem:s10] =	stream.linear.scatter [tilespmem:s20], [sflag:$0x9], $0x1E00, $0x38;
	[tilespmem:$0x1DB00] =	vst v63  }
0x39: {  	_ =	swait.ge [sflag:s14], $0x1E00  }
0x3a: {  	[sflag:s14] =	ssyncset.done $0x0  }
0x3b: {  	[sflag:s14] =	ssyncadd.s32 $0xFFFFE200  }
0x3c: {  	s6 =	simm.s32 $0x100;
	[bflag:$0x0] =	sbarrier.arrive $0xFFFF  }
0x3d: {  	[tilespmem:s22], [sflag:$0x3] =	stream.indirect.gather [hbm4b:s4+s16], $0x40, s6, s16, $0xb8;
	[tilespmem:$0x1DB00] =	vst v63  }
0x3e: {  	_ =	swait.ge [sflag:s23], $0x1F40  }
0x3f: {  	[sflag:s23] =	ssyncset.done $0x0  }
0x40: {  	[sflag:s23] =	ssyncadd.s32 $0xFFFFE0C0  }
0x41: {  	[spmem:s2] =	stream.indirect.scatter.add.f32 [tilespmem:s17], [sflag:$0x5], $0x40, s15, s16, $0xb8;
	[tilespmem:$0x1DB00] =	vst v63  }
0x42: {  	s24 =	simm.s32 $0x180  }
0x43: {  	[tilespmem:s25], [sflag:$0x4] =	stream.indirect.gather [hbm4b:s4+s16], $0x40, s24, s16, $0xb8;
	[tilespmem:$0x1DB00] =	vst v63  }
0x44: {  	_ =	swait.ge [sflag:s26], $0x1F40  }
0x45: {  	[sflag:s26] =	ssyncset.done $0x0  }
0x46: {  	s18 =	simm.s32 $0x5080;
	[sflag:s26] =	ssyncadd.s32 $0xFFFFE0C0  }
0x47: {  	[spmem:s2] =	stream.indirect.scatter.add.f32 [tilespmem:s19], [sflag:$0x6], $0x40, s18, s16, $0xb8;
	[tilespmem:$0x1DB00] =	vst v63  }
0x48: {  	_ =	swait.ge [sflag:s29], $0x1F40  }
0x49: {  	[sflag:s29] =	ssyncset.done $0x0  }
0x4a: {  	s24 =	simm.s32 $0x200;
	[sflag:s29] =	ssyncadd.s32 $0xFFFFE0C0  }
0x4b: {  	[tilespmem:s17], [sflag:$0x1] =	stream.indirect.gather [hbm4b:s4+s16], $0x40, s24, s16, $0xb8;
	[tilespmem:$0x1DB00] =	vst v63  }
0x4c: {  	_ =	swait.ge [sflag:s31], $0x1F40  }
0x4d: {  	[sflag:s31] =	ssyncset.done $0x0  }
0x4e: {  	s18 =	simm.s32 $0x5100;
	[sflag:s31] =	ssyncadd.s32 $0xFFFFE0C0  }
0x4f: {  	[spmem:s2] =	stream.indirect.scatter.add.f32 [tilespmem:s22], [sflag:$0x7], $0x40, s18, s16, $0xb8;
	[tilespmem:$0x1DB00] =	vst v63  }
0x50: {  	_ =	swait.ge [sflag:s1], $0x1F40  }
0x51: {  	[sflag:s1] =	ssyncset.done $0x0  }
0x52: {  	s24 =	simm.s32 $0x280;
	[sflag:s1] =	ssyncadd.s32 $0xFFFFE0C0  }
0x53: {  	[tilespmem:s19], [sflag:$0x2] =	stream.indirect.gather [hbm4b:s4+s16], $0x40, s24, s16, $0xb8;
	[tilespmem:$0x1DB00] =	vst v63  }
0x54: {  	_ =	swait.ge [sflag:s21], $0x1F40  }
0x55: {  	[sflag:s21] =	ssyncset.done $0x0  }
0x56: {  	s18 =	simm.s32 $0x5180;
	[sflag:s21] =	ssyncadd.s32 $0xFFFFE0C0  }
0x57: {  	[spmem:s2] =	stream.indirect.scatter.add.f32 [tilespmem:s25], [sflag:$0x8], $0x40, s18, s16, $0xb8;
	[tilespmem:$0x1DB00] =	vst v63  }
0x58: {  	_ =	swait.ge [sflag:s28], $0x1F40  }
0x59: {  	[sflag:s28] =	ssyncset.done $0x0  }
0x5a: {  	s24 =	simm.s32 $0x300;
	[sflag:s28] =	ssyncadd.s32 $0xFFFFE0C0  }
0x5b: {  	[tilespmem:s22], [sflag:$0x3] =	stream.indirect.gather [hbm4b:s4+s16], $0x40, s24, s16, $0xb8;
	[tilespmem:$0x1DB00] =	vst v63  }
0x5c: {  	_ =	swait.ge [sflag:s23], $0x1F40  }
0x5d: {  	[sflag:s23] =	ssyncset.done $0x0  }
0x5e: {  	s18 =	simm.s32 $0x5200;
	[sflag:s23] =	ssyncadd.s32 $0xFFFFE0C0  }
0x5f: {  	[spmem:s2] =	stream.indirect.scatter.add.f32 [tilespmem:s17], [sflag:$0x5], $0x40, s18, s16, $0xb8;
	[tilespmem:$0x1DB00] =	vst v63  }
0x60: {  	_ =	swait.ge [sflag:s30], $0x1F40  }
0x61: {  	[sflag:s30] =	ssyncset.done $0x0  }
0x62: {  	s24 =	simm.s32 $0x380;
	[sflag:s30] =	ssyncadd.s32 $0xFFFFE0C0  }
0x63: {  	[tilespmem:s25], [sflag:$0x4] =	stream.indirect.gather [hbm4b:s4+s16], $0x40, s24, s16, $0xb8;
	[tilespmem:$0x1DB00] =	vst v63  }
0x64: {  	_ =	swait.ge [sflag:s26], $0x1F40  }
0x65: {  	[sflag:s26] =	ssyncset.done $0x0  }
0x66: {  	s18 =	simm.s32 $0x5280;
	[sflag:s26] =	ssyncadd.s32 $0xFFFFE0C0  }
0x67: {  	[spmem:s2] =	stream.indirect.scatter.add.f32 [tilespmem:s19], [sflag:$0x6], $0x40, s18, s16, $0xb8;
	[tilespmem:$0x1DB00] =	vst v63  }
0x68: {  	_ =	swait.ge [sflag:s29], $0x1F40  }
0x69: {  	[sflag:s29] =	ssyncset.done $0x0  }
0x6a: {  	s24 =	simm.s32 $0x400;
	[sflag:s29] =	ssyncadd.s32 $0xFFFFE0C0  }
0x6b: {  	[tilespmem:s17], [sflag:$0x1] =	stream.indirect.gather [hbm4b:s4+s16], $0x40, s24, s16, $0xb8;
	[tilespmem:$0x1DB00] =	vst v63  }
0x6c: {  	_ =	swait.ge [sflag:s31], $0x1F40  }
0x6d: {  	[sflag:s31] =	ssyncset.done $0x0  }
0x6e: {  	s18 =	simm.s32 $0x5300;
	[sflag:s31] =	ssyncadd.s32 $0xFFFFE0C0  }
0x6f: {  	[spmem:s2] =	stream.indirect.scatter.add.f32 [tilespmem:s22], [sflag:$0x7], $0x40, s18, s16, $0xb8;
	[tilespmem:$0x1DB00] =	vst v63  }
0x70: {  	_ =	swait.ge [sflag:s1], $0x1F40  }
0x71: {  	[sflag:s1] =	ssyncset.done $0x0  }
0x72: {  	s24 =	simm.s32 $0x480;
	[sflag:s1] =	ssyncadd.s32 $0xFFFFE0C0  }
0x73: {  	[tilespmem:s19], [sflag:$0x2] =	stream.indirect.gather [hbm4b:s4+s16], $0x40, s24, s16, $0xb8;
	[tilespmem:$0x1DB00] =	vst v63  }
0x74: {  	_ =	swait.ge [sflag:s21], $0x1F40  }
0x75: {  	[sflag:s21] =	ssyncset.done $0x0  }
0x76: {  	s18 =	simm.s32 $0x800;
	s24 =	simm.s32 $0x5380;
	[sflag:s21] =	ssyncadd.s32 $0xFFFFE0C0  }
.LBB2_4:
0x77: {  	[spmem:s2] =	stream.indirect.scatter.add.f32 [tilespmem:s25], [sflag:$0x8], $0x40, s24, s16, $0xb8;
	[tilespmem:$0x1DB00] =	vst v63  }
0x78: {  	s6 =	smov.u32 s18  }
0x79: {  	p0 =	sne.s32 s18, $0x12800;
	s18 =	sadd.s32 $0x800, s18;
	_ =	swait.ge [sflag:s28], $0x1F40  }
0x7a: {  	s24 =	sshra.s32 s6, $0x2;
	[sflag:s28] =	ssyncset.done $0x0  }
0x7b: {  	s6 =	sadd.s32 $0x300, s24;
	[sflag:s28] =	ssyncadd.s32 $0xFFFFE0C0  }
0x7c: {  	[tilespmem:s22], [sflag:$0x3] =	stream.indirect.gather [hbm4b:s4+s16], $0x40, s6, s16, $0xb8;
	[tilespmem:$0x1DB00] =	vst v63  }
0x7d: {  	_ =	swait.ge [sflag:s23], $0x1F40  }
0x7e: {  	[sflag:s23] =	ssyncset.done $0x0  }
0x7f: {  	s6 =	sadd.s32 $0x5200, s24;
	[sflag:s23] =	ssyncadd.s32 $0xFFFFE0C0  }
0x80: {  	[spmem:s2] =	stream.indirect.scatter.add.f32 [tilespmem:s17], [sflag:$0x5], $0x40, s6, s16, $0xb8;
	[tilespmem:$0x1DB00] =	vst v63  }
0x81: {  	_ =	swait.ge [sflag:s30], $0x1F40  }
0x82: {  	[sflag:s30] =	ssyncset.done $0x0  }
0x83: {  	s6 =	sadd.s32 $0x380, s24;
	[sflag:s30] =	ssyncadd.s32 $0xFFFFE0C0  }
0x84: {  	[tilespmem:s25], [sflag:$0x4] =	stream.indirect.gather [hbm4b:s4+s16], $0x40, s6, s16, $0xb8;
	[tilespmem:$0x1DB00] =	vst v63  }
0x85: {  	_ =	swait.ge [sflag:s26], $0x1F40  }
0x86: {  	[sflag:s26] =	ssyncset.done $0x0  }
0x87: {  	s6 =	sadd.s32 $0x5280, s24;
	[sflag:s26] =	ssyncadd.s32 $0xFFFFE0C0  }
0x88: {  	[spmem:s2] =	stream.indirect.scatter.add.f32 [tilespmem:s19], [sflag:$0x6], $0x40, s6, s16, $0xb8;
	[tilespmem:$0x1DB00] =	vst v63  }
0x89: {  	_ =	swait.ge [sflag:s29], $0x1F40  }
0x8a: {  	[sflag:s29] =	ssyncset.done $0x0  }
0x8b: {  	s6 =	sadd.s32 $0x400, s24;
	[sflag:s29] =	ssyncadd.s32 $0xFFFFE0C0  }
0x8c: {  	[tilespmem:s17], [sflag:$0x1] =	stream.indirect.gather [hbm4b:s4+s16], $0x40, s6, s16, $0xb8;
	[tilespmem:$0x1DB00] =	vst v63  }
0x8d: {  	_ =	swait.ge [sflag:s31], $0x1F40  }
0x8e: {  	[sflag:s31] =	ssyncset.done $0x0  }
0x8f: {  	s6 =	sadd.s32 $0x5300, s24;
	[sflag:s31] =	ssyncadd.s32 $0xFFFFE0C0  }
0x90: {  	[spmem:s2] =	stream.indirect.scatter.add.f32 [tilespmem:s22], [sflag:$0x7], $0x40, s6, s16, $0xb8;
	[tilespmem:$0x1DB00] =	vst v63  }
0x91: {  	_ =	swait.ge [sflag:s1], $0x1F40  }
0x92: {  	[sflag:s1] =	ssyncset.done $0x0  }
.Ltmp1:
0x93: {  	s6 =	sadd.s32 $0x480, s24;
	[sflag:s1] =	ssyncadd.s32 $0xFFFFE0C0;
	(pc) =	sbr.rel @p0 .LBB2_4-.Ltmp1, $4  }
0x94: {  	[tilespmem:s19], [sflag:$0x2] =	stream.indirect.gather [hbm4b:s4+s16], $0x40, s6, s16, $0xb8;
	[tilespmem:$0x1DB00] =	vst v63  }
0x95: {  	_ =	swait.ge [sflag:s21], $0x1F40  }
0x96: {  	[sflag:s21] =	ssyncset.done $0x0  }
0x97: {  	s24 =	sadd.s32 $0x5380, s24;
	[sflag:s21] =	ssyncadd.s32 $0xFFFFE0C0  }
0x98: {  	[spmem:s2] =	stream.indirect.scatter.add.f32 [tilespmem:s25], [sflag:$0x8], $0x40, s24, s16, $0xb8;
	[tilespmem:$0x1DB00] =	vst v63  }
0x99: {  	_ =	swait.ge [sflag:s28], $0x1F40  }
0x9a: {  	[sflag:s28] =	ssyncset.done $0x0  }
0x9b: {  	s6 =	simm.s32 $0x4F00;
	[sflag:s28] =	ssyncadd.s32 $0xFFFFE0C0  }
0x9c: {  	[tilespmem:s22], [sflag:$0x3] =	stream.indirect.gather [hbm4b:s4+s16], $0x40, s6, s16, $0xb8;
	[tilespmem:$0x1DB00] =	vst v63  }
0x9d: {  	_ =	swait.ge [sflag:s23], $0x1F40  }
0x9e: {  	[sflag:s23] =	ssyncset.done $0x0  }
0x9f: {  	s18 =	simm.s32 $0x9E00;
	[sflag:s23] =	ssyncadd.s32 $0xFFFFE0C0  }
0xa0: {  	[spmem:s2] =	stream.indirect.scatter.add.f32 [tilespmem:s17], [sflag:$0x5], $0x40, s18, s16, $0xb8;
	[tilespmem:$0x1DB00] =	vst v63  }
0xa1: {  	_ =	swait.ge [sflag:s30], $0x1F40  }
0xa2: {  	[sflag:s30] =	ssyncset.done $0x0  }
0xa3: {  	s24 =	simm.s32 $0x4F80;
	[sflag:s30] =	ssyncadd.s32 $0xFFFFE0C0  }
0xa4: {  	[tilespmem:s25], [sflag:$0x4] =	stream.indirect.gather [hbm4b:s4+s16], $0x40, s24, s16, $0xb8;
	[tilespmem:$0x1DB00] =	vst v63  }
0xa5: {  	_ =	swait.ge [sflag:s26], $0x1F40  }
0xa6: {  	[sflag:s26] =	ssyncset.done $0x0  }
0xa7: {  	s18 =	simm.s32 $0x9E80;
	[sflag:s26] =	ssyncadd.s32 $0xFFFFE0C0  }
0xa8: {  	[spmem:s2] =	stream.indirect.scatter.add.f32 [tilespmem:s19], [sflag:$0x6], $0x40, s18, s16, $0xb8;
	[tilespmem:$0x1DB00] =	vst v63  }
0xa9: {  	_ =	swait.ge [sflag:s29], $0x1F40  }
0xaa: {  	[sflag:s29] =	ssyncset.done $0x0  }
0xab: {  	[sflag:s29] =	ssyncadd.s32 $0xFFFFE0C0  }
0xac: {  	_ =	swait.ge [sflag:s31], $0x1F40  }
0xad: {  	[sflag:s31] =	ssyncset.done $0x0  }
0xae: {  	s24 =	simm.s32 $0x9F00;
	[sflag:s31] =	ssyncadd.s32 $0xFFFFE0C0  }
0xaf: {  	[spmem:s2] =	stream.indirect.scatter.add.f32 [tilespmem:s22], [sflag:$0x7], $0x40, s24, s16, $0xb8;
	[tilespmem:$0x1DB00] =	vst v63  }
0xb0: {  	_ =	swait.ge [sflag:s1], $0x1F40  }
0xb1: {  	[sflag:s1] =	ssyncset.done $0x0  }
0xb2: {  	[sflag:s1] =	ssyncadd.s32 $0xFFFFE0C0  }
0xb3: {  	_ =	swait.ge [sflag:s21], $0x1F40  }
0xb4: {  	[sflag:s21] =	ssyncset.done $0x0  }
0xb5: {  	s18 =	simm.s32 $0x9F80;
	[sflag:s21] =	ssyncadd.s32 $0xFFFFE0C0  }
0xb6: {  	[spmem:s2] =	stream.indirect.scatter.add.f32 [tilespmem:s25], [sflag:$0x8], $0x40, s18, s16, $0xb8;
	[tilespmem:$0x1DB00] =	vst v63  }
0xb7: {  	_ =	swait.ge [sflag:s28], $0x1F40  }
0xb8: {  	[sflag:s28] =	ssyncset.done $0x0  }
0xb9: {  	[sflag:s28] =	ssyncadd.s32 $0xFFFFE0C0  }
0xba: {  	s24 =	stileid.u32;
	_ =	swait.ge [sflag:s30], $0x1F40  }
0xbb: {  	s0 =	sadd.s32 $0x1, s0;
	s6 =	sshll.u32 s24, $0x6;
	[sflag:s30] =	ssyncset.done $0x0  }
0xbc: {  	p0 =	sne.s32 s0, s12;
	s6 =	sor.u32 $0x1C09, s6;
	[sflag:s30] =	ssyncadd.s32 $0xFFFFE0C0  }
.Ltmp2:
0xbd: {  	s18 =	sshrl.u32 s5, $0x3;
	[bflag:$0x0] =	sbarrier.arrive $0xFFFF;
	(pc) =	sbr.rel @p0 .LBB2_1-.Ltmp2, $4  }
0xbe: {  	[hbm:s11], [sflag:s6] =	dma.local [spmem:s18], $0x13C0  }
0xbf: {  	_ =	swait.ge [sflag:s14], $0x13C0  }
0xc0: {  	[sflag:s14] =	ssyncset.done $0x0  }
0xc1: {  	[sflag:s14] =	ssyncadd.s32 $0xFFFFEC40  }
0xc2: {  	_ =	sfence.sel $0x180000  }
0xc3: {  	[bflag:$0x0] =	sbarrier.arrive $0xFFFF  }
0xc4: {  	_ =	strace $0x9000004A  }
0xc5: {  	s0 =	stileid.u32;
	[bflag:$0x2] =	sbarrier.arrive $0xFFFF  }
0xc6: {  	p0 =	sne.s32 s0, $0x0;
	s0 =	rddreg [dreg:$0x2]  }
0xc7: {  	s0 =	sadd.s32 @!p0 $0x100000, s0  }
0xc8: {  	[sflag:s0] =	ssyncadd.tile.s32 @!p0 $0x1;
	_ =	shalt  }
.Lfunc_end2:
_tile_overlayer_lowered:
.L_overlay_start_2:
0xc9: {  	(tag) =	ssettag $0x2  }
0xca: {  	s0 =	rddreg [dreg:$0x0];
	s2 =	stileid.u32  }
0xcb: {  	s1 =	rddreg [dreg:$0x1];
	p0 =	sne.s32 s2, $0x0  }
0xcc: {  	s3 =	rddreg [dreg:$0x2];
	[bflag:$0x3] =	sbarrier.arrive $0xFFFF;
	s2 =	simm.s32 @!p0 $0x1C09  }
0xcd: {  	[timem:s3], [sflag:s2] =	dma.local @!p0 [hbm:s0], s1  }
0xce: {  	s0 =	simm.s32 @!p0 $0x9  }
0xcf: {  	_ =	swait.ge @!p0 [sflag:s0], s1  }
0xd0: {  	s1 =	ssub.s32 @!p0 $0x0, s1;
	[sflag:s0] =	ssyncset.done @!p0 $0x0  }
0xd1: {  	[sflag:s0] =	ssyncadd.s32 @!p0 s1  }
0xd2: {  	[bflag:$0x3] =	sbarrier.arrive $0xFFFF  }
0xd3: {  	_ =	shalt  }

// kernel: kernel.16.cloned.1.call-start
scs
__scs_entry_jumppad:
0x0: {  	(pc) =	sbr.rel $0x88, $3  }
0x1: {  	(tag) =	ssettag $0x0;
	lr =	simm.s32 $0x1  }
0x2: {  	[smem:$0x3F93] =	sst lr;
	_ =	strace $0xD0000000  }
0x3: {  	_ = 	snop  }
0x4: {  	_ = 	snop  }
0x5: {  	_ = 	snop  }
0x6: {  	_ = 	snop  }
0x7: {  	_ = 	snop  }
__scs_overlays_trampoline_lowered:
0x8: {  	[smem:$0x3FA2] =	sst s0  }
0x9: {  	[smem:$0x3FA3] =	sst s1  }
0xa: {  	[smem:$0x3FA4] =	sst s2  }
0xb: {  	[smem:$0x3FA5] =	sst s3  }
0xc: {  	[smem:$0x3FA6] =	sst s4  }
0xd: {  	[smem:$0x3FA7] =	sst s5  }
0xe: {  	[smem:$0x3FA8] =	sst s6  }
0xf: {  	[smem:$0x3FA9] =	sst s7  }
0x10: {  	[smem:$0x3FAA] =	sst s8  }
0x11: {  	[smem:$0x3FAB] =	sst s9;
	s0 =	simm.s32 @!p0 $0x0  }
0x12: {  	s1 =	sld [smem:$0x3F91];
	s0 =	simm.s32 @p0 $0x1  }
0x13: {  	[smem:$0x3FAC] =	sst s0;
	s0 =	simm.s32 @!p1 $0x0  }
0x14: {  	s2 =	sld [smem:$0x3F90];
	s0 =	simm.s32 @p1 $0x1  }
0x15: {  	[smem:$0x3FAD] =	sst s0;
	s0 =	simm.s32 @!p2 $0x0  }
0x16: {  	s3 =	sld [smem:$0x3FDB];
	s0 =	simm.s32 @p2 $0x1  }
0x17: {  	s4 =	simm.s32 $0x1BF5;
	[smem:$0x3FAF] =	sst s0  }
0x18: {  	s0 =	sld [smem:$0x3F92];
	_ =	swait.ge [sflag:s4], $0x0  }
0x19: {  	s7 =	sld [smem:$0x3F93]  }
0x1a: {  	s8 =	sadd.s32 $0xFFFFE003, lr  }
0x1b: {  	s9 =	sadd.s32 $0xFFFFFEF7, lr;
	s5 =	simm.s32 $0xFFFFFFFF;
	p2 =	slt.u32 s8, $0xFFFFF086  }
0x1c: {  	p1 =	slt.u32 s9, $0xF7A;
	s5 =	simm.s32 @!p2 $0x0  }
0x1d: {  	s5 =	simm.s32 @p1 $0x1;
	p0 =	seq.s32 s7, s2  }
0x1e: {  	s7 =	smul.u32 @!p0 $0xF7A, s2;
	p2 =	seq.s32 @!p0 s5, $0x0  }
0x1f: {  	s9 =	smul.u32 $0xF7A, s1;
	s8 =	simm.s32 @!p0 $0x1BF5;
	p2 =	por !p2, p0  }
0x20: {  	[sflag:s8] =	ssyncset.s32 @!p0 $0xFFFFF086;
	s6 =	sadd.s32 @!p0 s3, s7;
	s7 =	simm.s32 @!p0 $0x108  }
0x21: {  	s3 =	sadd.s32 s3, s9;
	s6 =	sadd.s32 @!p0 $0x88, s6;
	s7 =	simm.s32 @p2 $0x1082  }
0x22: {  	[simem:s7], [sflag:s8] =	dma.local @!p0 [hbm:s6], $0xF7A  }
0x23: {  	s9 =	sor.u32 $0xD0000000, s2;
	s6 =	simm.s32 $0x108;
	_ =	swait.ge @!p0 [sflag:s8], $0x0  }
0x24: {  	s3 =	sadd.s32 $0x88, s3;
	s6 =	simm.s32 @!p1 $0x1082;
	[sflag:s4] =	ssyncset.s32 $0xFFFFF086  }
0x25: {  	[simem:s6], [sflag:s4] =	dma.local [hbm:s3], $0xF7A  }
0x26: {  	[smem:$0x3F93] =	sst s1;
	(tag) =	ssettag s2;
	_ =	strace s9  }
0x27: {  	s1 =	sld [smem:$0x3FA3]  }
0x28: {  	s2 =	sld [smem:$0x3FA4]  }
0x29: {  	s4 =	sld [smem:$0x3FA6]  }
0x2a: {  	p0 =	seq.s32 s5, $0x0;
	s5 =	sld [smem:$0x3FA7]  }
0x2b: {  	s6 =	sld [smem:$0x3FA8]  }
0x2c: {  	s7 =	sld [smem:$0x3FA9]  }
0x2d: {  	s3 =	simm.s32 $0x108;
	s8 =	sld [smem:$0x3FAA]  }
0x2e: {  	s3 =	simm.s32 @!p0 $0x1082;
	s9 =	sld [smem:$0x3FAB]  }
0x2f: {  	lr =	sadd.s32 s0, s3;
	s0 =	sld [smem:$0x3FA2]  }
0x30: {  	s3 =	sld [smem:$0x3FA5]  }
0x31: {  	[smem:$0x3FAE] =	sst s10  }
0x32: {  	s10 =	sld [smem:$0x3FAC];
	_ =	sdelay $0x3  }
0x33: {  	p0 =	seq.s32 s10, $0x1;
	s10 =	sld [smem:$0x3FAE];
	_ =	sdelay $0x3  }
0x34: {  	[smem:$0x3FAE] =	sst s10  }
0x35: {  	s10 =	sld [smem:$0x3FAD];
	_ =	sdelay $0x3  }
0x36: {  	p1 =	seq.s32 s10, $0x1;
	s10 =	sld [smem:$0x3FAE];
	_ =	sdelay $0x3  }
0x37: {  	[smem:$0x3FAE] =	sst s10  }
0x38: {  	s10 =	sld [smem:$0x3FAF]  }
0x39: {  	_ = 	snop;
	(pc) =	sbr.ind lr, $3  }
0x3a: {  	_ = 	snop  }
0x3b: {  	_ = 	snop  }
0x3c: {  	p2 =	seq.s32 s10, $0x1;
	s10 =	sld [smem:$0x3FAE]  }
0x3d: {  	_ =	shalt  }
0x3e: {  	_ =	shalt  }
0x3f: {  	_ =	shalt  }
0x40: {  	_ =	shalt  }
0x41: {  	_ =	shalt  }
0x42: {  	_ =	shalt  }
0x43: {  	_ =	shalt  }
0x44: {  	_ =	shalt  }
0x45: {  	_ =	shalt  }
0x46: {  	_ =	shalt  }
0x47: {  	_ =	shalt  }
0x48: {  	_ =	shalt  }
0x49: {  	_ =	shalt  }
0x4a: {  	_ =	shalt  }
0x4b: {  	_ =	shalt  }
0x4c: {  	_ =	shalt  }
0x4d: {  	_ =	shalt  }
0x4e: {  	_ =	shalt  }
0x4f: {  	_ =	shalt  }
0x50: {  	_ =	shalt  }
0x51: {  	_ =	shalt  }
0x52: {  	_ =	shalt  }
0x53: {  	_ =	shalt  }
0x54: {  	_ =	shalt  }
0x55: {  	_ =	shalt  }
0x56: {  	_ =	shalt  }
0x57: {  	_ =	shalt  }
0x58: {  	_ =	shalt  }
0x59: {  	_ =	shalt  }
0x5a: {  	_ =	shalt  }
0x5b: {  	_ =	shalt  }
0x5c: {  	_ =	shalt  }
0x5d: {  	_ =	shalt  }
0x5e: {  	_ =	shalt  }
0x5f: {  	_ =	shalt  }
0x60: {  	_ =	shalt  }
0x61: {  	_ =	shalt  }
0x62: {  	_ =	shalt  }
0x63: {  	_ =	shalt  }
0x64: {  	_ =	shalt  }
0x65: {  	_ =	shalt  }
0x66: {  	_ =	shalt  }
0x67: {  	_ =	shalt  }
0x68: {  	_ =	shalt  }
0x69: {  	_ =	shalt  }
0x6a: {  	_ =	shalt  }
0x6b: {  	_ =	shalt  }
0x6c: {  	_ =	shalt  }
0x6d: {  	_ =	shalt  }
0x6e: {  	_ =	shalt  }
0x6f: {  	_ =	shalt  }
0x70: {  	_ =	shalt  }
0x71: {  	_ =	shalt  }
0x72: {  	_ =	shalt  }
0x73: {  	_ =	shalt  }
0x74: {  	_ =	shalt  }
0x75: {  	_ =	shalt  }
0x76: {  	_ =	shalt  }
0x77: {  	_ =	shalt  }
0x78: {  	_ =	shalt  }
0x79: {  	_ =	shalt  }
0x7a: {  	_ =	shalt  }
0x7b: {  	_ =	shalt  }
0x7c: {  	_ =	shalt  }
0x7d: {  	_ =	shalt  }
0x7e: {  	_ =	shalt  }
0x7f: {  	_ =	shalt  }
0x80: {  	_ =	shalt  }
0x81: {  	_ =	shalt  }
0x82: {  	_ =	shalt  }
0x83: {  	_ =	shalt  }
0x84: {  	_ =	shalt  }
0x85: {  	_ =	shalt  }
0x86: {  	_ =	shalt  }
0x87: {  	_ =	shalt  }
.Lfunc_end0:
.L_simem_size_0:
called_computation.2_lowered:
.L_overlay_start_0:
0x88: {  	s2 =	sld [smem:$0x3FD9]  }
0x89: {  	s3 =	sld [smem:$0x3FFE];
	_ =	sdelay $0x1  }
0x8a: {  	s1 =	srdreg.scid  }
0x8b: {  	s0 =	sand.u32 $0x1, s1  }
0x8c: {  	s16 =	sshll.u32 s0, $0xA;
	s2 =	sadd.s32 s3, s2  }
0x8d: {  	s2 =	sadd.s32 s2, s16  }
0x8e: {  	[smem:$0x3FBA] =	sst s2  }
0x8f: {  	_ = 	snop  }
0x90: {  	(tm) =	ssettm $0x1  }
0x91: {  	s17 =	sld [smem:$0x3FFB];
	_ =	sdelay $0x3  }
0x92: {  	_ =	strace s17  }
0x93: {  	s2 =	sld [smem:$0x3FFC];
	_ =	sdelay $0x3  }
0x94: {  	_ =	strace s2  }
0x95: {  	s2 =	sld [smem:$0x3FFD];
	_ =	sdelay $0x3  }
0x96: {  	_ =	strace s2  }
0x97: {  	_ =	strace $0x8FFFFFFF  }
0x98: {  	s18 =	sld [smem:$0x3FDB];
	_ =	sdelay $0x1  }
0x99: {  	s19 =	simm.s32 $_scs_section_size  }
0x9a: {  	s4 =	simm.s32 $_size__tile_overlayer_lowered;
	s5 =	simm.s32 $_tile_overlayer_lowered  }
0x9b: {  	s22 =	simm.s32 $0x1BFF;
	s21 =	sshll.u32 s5, $0x1;
	s2 =	sadd.s32 s19, s18  }
0x9c: {  	s6 =	simm.s32 $0x0;
	s20 =	sshll.u32 s4, $0x1;
	s4 =	sadd.s32 s21, s2  }
0x9d: {  	[timem:s6], [sflag:s22] =	dma.local [hbm:s4], s20  }
0x9e: {  	_ =	swait.ge [sflag:s22], s20  }
0x9f: {  	s3 =	ssub.s32 $0x0, s20;
	[sflag:s22] =	ssyncset.done $0x0  }
0xa0: {  	[sflag:s22] =	ssyncadd.s32 s3;
	_ =	sdelay $0x1  }
0xa1: {  	s23 =	simm.s32 $0x1B8B  }
0xa2: {  	_ =	swait.ge [sflag:s23], $0x1  }
0xa3: {  	[sflag:s23] =	ssyncset.done $0x0  }
0xa4: {  	s25 =	simm.s32 $0x1B8E;
	s24 =	sld [smem:$0x3FFE];
	[sflag:s23] =	ssyncadd.s32 $0xFFFFFFFF  }
0xa5: {  	s26 =	simm.s32 $execute0_lowered;
	[smem:$0x3FD2] =	sst s25  }
0xa6: {  	s4 =	sshll.u32 s26, $0x1;
	_ =	strace $0x8000004C;
	[dreg:$0x1] =	wrdreg $0xFFFFFFFF  }
0xa7: {  	s28 =	simm.s32 $_size_execute0_lowered;
	s2 =	sadd.s32 s2, s4;
	[dreg:$0x0] =	wrdreg $0x0  }
0xa8: {  	s4 =	sshll.u32 s28, $0x1;
	[dreg:$0x2] =	wrdreg s2  }
0xa9: {  	[dreg:$0x3] =	wrdreg s4  }
0xaa: {  	[dreg:$0x4] =	wrdreg $0xC0  }
0xab: {  	_ =	task [dreg:s6], $0x5FFFF  }
0xac: {  	[dreg:$0x1] =	wrdreg $0xFFFFFFFF  }
0xad: {  	[dreg:$0x0] =	wrdreg $0x60  }
0xae: {  	[dreg:$0x2] =	wrdreg s24  }
0xaf: {  	[dreg:$0x3] =	wrdreg $0x13D000  }
0xb0: {  	[dreg:$0x4] =	wrdreg $0x9  }
0xb1: {  	_ =	task.clear_ibuf [dreg:s6], $0x5FFFF;
	_ =	strace $0x9000004C  }
0xb2: {  	s29 =	simm.s32 $0x9;
	_ =	strace $0x8000004E  }
0xb3: {  	_ =	swait.ge [sflag:s29], $0x1  }
0xb4: {  	[sflag:s29] =	ssyncadd.s32 $0xFFFFFFFF  }
0xb5: {  	_ =	strace $0x9000004E  }
0xb6: {  	_ =	sfence  }
0xb7: {  	s30 =	sld [smem:$0x0];
	_ =	sdelay $0x2  }
0xb8: {  	s31 =	sshll.u32 s1, $0xD;
	s1 =	sshrl.u32 s1, $0x2  }
0xb9: {  	s3 =	sand.u32 $0x4000, s31;
	s1 =	sadd.s32 s1, s30  }
0xba: {  	s0 =	sor.u32 s3, s0;
	s1 =	sshll.u32 s1, $0x11  }
0xbb: {  	s0 =	sor.u32 s1, s0  }
0xbc: {  	s0 =	sadd.s32 $0x8F2B, s0  }
0xbd: {  	[sflag:s0] =	ssyncadd.remote.s32 $0x1  }
0xbe: {  	_ =	sfence.sel $0xFFFF  }
0xbf: {  	[dreg:$0x0] =	wrdreg $0xFFFFFFFF;
	(pc) =	sbr.abs _section_cstart, $3  }
0xc0: {  	[dreg:$0x1] =	wrdreg $0xFFFFFFFF  }
0xc1: {  	_ =	task.clear_ibuf [dreg:s6], $0x2FFFF;
	_ =	strace $0x9FFFFFFF  }
0xc2: {  	(tm) =	ssettm $0x7FFFFFFF  }
0xc3: {  	_ =	shalt  }
tec
execute0_lowered:
.L_overlay_start_1:
0x0: {  	(tag) =	ssettag $0x1  }
0x1: {  	s0 =	rddreg [dreg:$0x0]  }
0x2: {  	s2 =	rddreg [dreg:$0x1]  }
0x3: {  	s8 =	stileid.u32;
	s4 =	srdreg.scid;
	s3 =	simm.s32 $0x0  }
0x4: {  	s13 =	simm.s32 $0x22600;
	s14 =	simm.s32 $0x9;
	s15 =	simm.s32 $0x5000  }
0x5: {  	s16 =	simm.s32 $0x7D;
	s17 =	simm.s32 $0xA000;
	s19 =	simm.s32 $0xBF40  }
0x6: {  	s20 =	simm.s32 $0x11D00;
	s22 =	simm.s32 $0xDE80;
	s23 =	simm.s32 $0x1  }
0x7: {  	s29 =	simm.s32 $0x5;
	s31 =	simm.s32 $0x3;
	s1 =	smul.u32 $0xA00, s8  }
0x8: {  	s21 =	simm.s32 $0x4;
	s28 =	simm.s32 $0x7;
	s5 =	smul.u32 $0x13C0, s8  }
0x9: {  	s30 =	simm.s32 $0x8;
	s6 =	sand.u32 $0x1, s4;
	s8 =	smul.u32 $0x27800, s8  }
0xa: {  	[smem:$0x7FF] =	sst s3;
	s4 =	sadd.s32 $0x36600, s0;
	s7 =	smul.u32 $0x13C00, s6  }
0xb: {  	_ =	strace $0x8000004D;
	s9 =	ssub.s32 $0x2, s6;
	p0 =	seq.s32 s6, $0x1  }
0xc: {  	s1 =	sadd.s32 s1, s0;
	s25 =	sshrl.u32 s9, $0x1;
	s8 =	sshrl.u32 s8, $0x2  }
0xd: {  	s13 =	simm.s32 @!p0 $0x18600;
	s5 =	sadd.s32 s5, s7;
	s12 =	ssub.s32 s9, s25  }
0xe: {  	s26 =	sadd.s32 $0x2C600, s1;
	s13 =	sadd.s32 s13, s1;
	s25 =	simm.s32 $0xFDC0  }
0xf: {  	s1 =	simm.s32 $0x6;
	s0 =	sadd.s32 s5, s0;
	s5 =	sadd.s32 s8, s2  }
0x10: {  	[dreg:$0x3] =	wrdreg s26;
	s12 =	smax.u32 s12, $0x1;
	s26 =	simm.s32 $0x2  }
0x11: {  	s7 =	sadd.s32 $0x2000, s5;
	s8 =	sadd.s32 $0x4000, s5;
	s9 =	sadd.s32 $0x6000, s5  }
0x12: {  	v0 =	vimm.f32 $0.0e+00;
	s10 =	sadd.s32 $0x8000, s5;
	s11 =	sadd.s32 $0x5D800, s0;
	s0 =	simm.s32 $0x0  }
.LBB2_1:
0x13: {  	[tilespmem:s3], [sflag:$0x9] =	stream.linear.gather [hbm4b:s13+s3], $0x5000, $0x38;
	[tilespmem:$0x1DB00] =	vst v63  }
0x14: {  	_ =	swait.ge [sflag:s14], $0x5000  }
0x15: {  	[sflag:s14] =	ssyncset.done $0x0  }
0x16: {  	s6 =	rddreg [dreg:$0x3];
	[sflag:s14] =	ssyncadd.s32 $0xFFFFB000  }
0x17: {  	[tilespmem:s15], [sflag:$0x9] =	stream.linear.gather [hbm4b:s6+s3], $0x5000, $0x38;
	[tilespmem:$0x1DB00] =	vst v63  }
0x18: {  	_ =	swait.ge [sflag:s14], $0x5000  }
0x19: {  	[sflag:s14] =	ssyncset.done $0x0  }
0x1a: {  	[sflag:s14] =	ssyncadd.s32 $0xFFFFB000  }
0x1b: {  	[tilespmem:s17], [sflag:$0x1] =	stream.indirect.gather [hbm4b:s4+s16], $0x40, s3, s16, $0xb8;
	[tilespmem:$0x1DB00] =	vst v63  }
0x1c: {  	s24 =	simm.s32 $0x80  }
0x1d: {  	[tilespmem:s19], [sflag:$0x2] =	stream.indirect.gather [hbm4b:s4+s16], $0x40, s24, s16, $0xb8;
	[tilespmem:$0x1DB00] =	vst v63  }
0x1e: {  	s18 =	simm.s32 $0x0;
	s24 =	simm.s32 $0x100  }
.LBB2_2:
0x1f: {  	p0 =	sne.s32 s24, $0x7F00;
	[tilespmem:s18+$0x11D30] =	vst v0;
	s6 =	smov.u32 s24;
	s24 =	sadd.s32 $0x100, s24  }
.Ltmp0:
0x20: {  	[tilespmem:s18+$0x11D20] =	vst v0;
	(pc) =	sbr.rel @p0 .LBB2_2-.Ltmp0, $3  }
0x21: {  	[tilespmem:s18+$0x11D00] =	vst v0  }
0x22: {  	[tilespmem:s18+$0x11D10] =	vst v0;
	_ =	sdelay $0x1  }
0x23: {  	s18 =	sshra.s32 s6, $0x2  }
0x24: {  	[tilespmem:s18+$0x11D30] =	vst v0  }
0x25: {  	[tilespmem:s18+$0x11D20] =	vst v0  }
0x26: {  	[tilespmem:s18+$0x11D00] =	vst v0  }
0x27: {  	[tilespmem:s18+$0x11D10] =	vst v0  }
0x28: {  	[spmem:s5] =	stream.linear.scatter [tilespmem:s20], [sflag:$0x9], $0x2000, $0x38;
	[tilespmem:$0x1DB00] =	vst v63  }
0x29: {  	_ =	swait.ge [sflag:s14], $0x2000  }
0x2a: {  	[sflag:s14] =	ssyncset.done $0x0  }
0x2b: {  	[sflag:s14] =	ssyncadd.s32 $0xFFFFE000  }
0x2c: {  	[spmem:s7] =	stream.linear.scatter [tilespmem:s20], [sflag:$0x9], $0x2000, $0x38;
	[tilespmem:$0x1DB00] =	vst v63  }
0x2d: {  	_ =	swait.ge [sflag:s14], $0x2000  }
0x2e: {  	[sflag:s14] =	ssyncset.done $0x0  }
0x2f: {  	[sflag:s14] =	ssyncadd.s32 $0xFFFFE000  }
0x30: {  	[spmem:s8] =	stream.linear.scatter [tilespmem:s20], [sflag:$0x9], $0x2000, $0x38;
	[tilespmem:$0x1DB00] =	vst v63  }
0x31: {  	_ =	swait.ge [sflag:s14], $0x2000  }
0x32: {  	[sflag:s14] =	ssyncset.done $0x0  }
0x33: {  	[sflag:s14] =	ssyncadd.s32 $0xFFFFE000  }
0x34: {  	[spmem:s9] =	stream.linear.scatter [tilespmem:s20], [sflag:$0x9], $0x2000, $0x38;
	[tilespmem:$0x1DB00] =	vst v63  }
0x35: {  	_ =	swait.ge [sflag:s14], $0x2000  }
0x36: {  	[sflag:s14] =	ssyncset.done $0x0  }
0x37: {  	[sflag:s14] =	ssyncadd.s32 $0xFFFFE000  }
0x38: {  	[spmem:s10] =	stream.linear.scatter [tilespmem:s20], [sflag:$0x9], $0x1E00, $0x38;
	[tilespmem:$0x1DB00] =	vst v63  }
0x39: {  	_ =	swait.ge [sflag:s14], $0x1E00  }
0x3a: {  	[sflag:s14] =	ssyncset.done $0x0  }
0x3b: {  	[sflag:s14] =	ssyncadd.s32 $0xFFFFE200  }
0x3c: {  	s6 =	simm.s32 $0x100;
	[bflag:$0x0] =	sbarrier.arrive $0xFFFF  }
0x3d: {  	[tilespmem:s22], [sflag:$0x3] =	stream.indirect.gather [hbm4b:s4+s16], $0x40, s6, s16, $0xb8;
	[tilespmem:$0x1DB00] =	vst v63  }
0x3e: {  	_ =	swait.ge [sflag:s23], $0x1F40  }
0x3f: {  	[sflag:s23] =	ssyncset.done $0x0  }
0x40: {  	[sflag:s23] =	ssyncadd.s32 $0xFFFFE0C0  }
0x41: {  	[spmem:s2] =	stream.indirect.scatter.add.f32 [tilespmem:s17], [sflag:$0x5], $0x40, s15, s16, $0xb8;
	[tilespmem:$0x1DB00] =	vst v63  }
0x42: {  	s24 =	simm.s32 $0x180  }
0x43: {  	[tilespmem:s25], [sflag:$0x4] =	stream.indirect.gather [hbm4b:s4+s16], $0x40, s24, s16, $0xb8;
	[tilespmem:$0x1DB00] =	vst v63  }
0x44: {  	_ =	swait.ge [sflag:s26], $0x1F40  }
0x45: {  	[sflag:s26] =	ssyncset.done $0x0  }
0x46: {  	s18 =	simm.s32 $0x5080;
	[sflag:s26] =	ssyncadd.s32 $0xFFFFE0C0  }
0x47: {  	[spmem:s2] =	stream.indirect.scatter.add.f32 [tilespmem:s19], [sflag:$0x6], $0x40, s18, s16, $0xb8;
	[tilespmem:$0x1DB00] =	vst v63  }
0x48: {  	_ =	swait.ge [sflag:s29], $0x1F40  }
0x49: {  	[sflag:s29] =	ssyncset.done $0x0  }
0x4a: {  	s24 =	simm.s32 $0x200;
	[sflag:s29] =	ssyncadd.s32 $0xFFFFE0C0  }
0x4b: {  	[tilespmem:s17], [sflag:$0x1] =	stream.indirect.gather [hbm4b:s4+s16], $0x40, s24, s16, $0xb8;
	[tilespmem:$0x1DB00] =	vst v63  }
0x4c: {  	_ =	swait.ge [sflag:s31], $0x1F40  }
0x4d: {  	[sflag:s31] =	ssyncset.done $0x0  }
0x4e: {  	s18 =	simm.s32 $0x5100;
	[sflag:s31] =	ssyncadd.s32 $0xFFFFE0C0  }
0x4f: {  	[spmem:s2] =	stream.indirect.scatter.add.f32 [tilespmem:s22], [sflag:$0x7], $0x40, s18, s16, $0xb8;
	[tilespmem:$0x1DB00] =	vst v63  }
0x50: {  	_ =	swait.ge [sflag:s1], $0x1F40  }
0x51: {  	[sflag:s1] =	ssyncset.done $0x0  }
0x52: {  	s24 =	simm.s32 $0x280;
	[sflag:s1] =	ssyncadd.s32 $0xFFFFE0C0  }
0x53: {  	[tilespmem:s19], [sflag:$0x2] =	stream.indirect.gather [hbm4b:s4+s16], $0x40, s24, s16, $0xb8;
	[tilespmem:$0x1DB00] =	vst v63  }
0x54: {  	_ =	swait.ge [sflag:s21], $0x1F40  }
0x55: {  	[sflag:s21] =	ssyncset.done $0x0  }
0x56: {  	s18 =	simm.s32 $0x5180;
	[sflag:s21] =	ssyncadd.s32 $0xFFFFE0C0  }
0x57: {  	[spmem:s2] =	stream.indirect.scatter.add.f32 [tilespmem:s25], [sflag:$0x8], $0x40, s18, s16, $0xb8;
	[tilespmem:$0x1DB00] =	vst v63  }
0x58: {  	_ =	swait.ge [sflag:s28], $0x1F40  }
0x59: {  	[sflag:s28] =	ssyncset.done $0x0  }
0x5a: {  	s24 =	simm.s32 $0x300;
	[sflag:s28] =	ssyncadd.s32 $0xFFFFE0C0  }
0x5b: {  	[tilespmem:s22], [sflag:$0x3] =	stream.indirect.gather [hbm4b:s4+s16], $0x40, s24, s16, $0xb8;
	[tilespmem:$0x1DB00] =	vst v63  }
0x5c: {  	_ =	swait.ge [sflag:s23], $0x1F40  }
0x5d: {  	[sflag:s23] =	ssyncset.done $0x0  }
0x5e: {  	s18 =	simm.s32 $0x5200;
	[sflag:s23] =	ssyncadd.s32 $0xFFFFE0C0  }
0x5f: {  	[spmem:s2] =	stream.indirect.scatter.add.f32 [tilespmem:s17], [sflag:$0x5], $0x40, s18, s16, $0xb8;
	[tilespmem:$0x1DB00] =	vst v63  }
0x60: {  	_ =	swait.ge [sflag:s30], $0x1F40  }
0x61: {  	[sflag:s30] =	ssyncset.done $0x0  }
0x62: {  	s24 =	simm.s32 $0x380;
	[sflag:s30] =	ssyncadd.s32 $0xFFFFE0C0  }
0x63: {  	[tilespmem:s25], [sflag:$0x4] =	stream.indirect.gather [hbm4b:s4+s16], $0x40, s24, s16, $0xb8;
	[tilespmem:$0x1DB00] =	vst v63  }
0x64: {  	_ =	swait.ge [sflag:s26], $0x1F40  }
0x65: {  	[sflag:s26] =	ssyncset.done $0x0  }
0x66: {  	s18 =	simm.s32 $0x5280;
	[sflag:s26] =	ssyncadd.s32 $0xFFFFE0C0  }
0x67: {  	[spmem:s2] =	stream.indirect.scatter.add.f32 [tilespmem:s19], [sflag:$0x6], $0x40, s18, s16, $0xb8;
	[tilespmem:$0x1DB00] =	vst v63  }
0x68: {  	_ =	swait.ge [sflag:s29], $0x1F40  }
0x69: {  	[sflag:s29] =	ssyncset.done $0x0  }
0x6a: {  	s24 =	simm.s32 $0x400;
	[sflag:s29] =	ssyncadd.s32 $0xFFFFE0C0  }
0x6b: {  	[tilespmem:s17], [sflag:$0x1] =	stream.indirect.gather [hbm4b:s4+s16], $0x40, s24, s16, $0xb8;
	[tilespmem:$0x1DB00] =	vst v63  }
0x6c: {  	_ =	swait.ge [sflag:s31], $0x1F40  }
0x6d: {  	[sflag:s31] =	ssyncset.done $0x0  }
0x6e: {  	s18 =	simm.s32 $0x5300;
	[sflag:s31] =	ssyncadd.s32 $0xFFFFE0C0  }
0x6f: {  	[spmem:s2] =	stream.indirect.scatter.add.f32 [tilespmem:s22], [sflag:$0x7], $0x40, s18, s16, $0xb8;
	[tilespmem:$0x1DB00] =	vst v63  }
0x70: {  	_ =	swait.ge [sflag:s1], $0x1F40  }
0x71: {  	[sflag:s1] =	ssyncset.done $0x0  }
0x72: {  	s24 =	simm.s32 $0x480;
	[sflag:s1] =	ssyncadd.s32 $0xFFFFE0C0  }
0x73: {  	[tilespmem:s19], [sflag:$0x2] =	stream.indirect.gather [hbm4b:s4+s16], $0x40, s24, s16, $0xb8;
	[tilespmem:$0x1DB00] =	vst v63  }
0x74: {  	_ =	swait.ge [sflag:s21], $0x1F40  }
0x75: {  	[sflag:s21] =	ssyncset.done $0x0  }
0x76: {  	s18 =	simm.s32 $0x800;
	s24 =	simm.s32 $0x5380;
	[sflag:s21] =	ssyncadd.s32 $0xFFFFE0C0  }
.LBB2_4:
0x77: {  	[spmem:s2] =	stream.indirect.scatter.add.f32 [tilespmem:s25], [sflag:$0x8], $0x40, s24, s16, $0xb8;
	[tilespmem:$0x1DB00] =	vst v63  }
0x78: {  	s6 =	smov.u32 s18  }
0x79: {  	p0 =	sne.s32 s18, $0x12800;
	s18 =	sadd.s32 $0x800, s18;
	_ =	swait.ge [sflag:s28], $0x1F40  }
0x7a: {  	s24 =	sshra.s32 s6, $0x2;
	[sflag:s28] =	ssyncset.done $0x0  }
0x7b: {  	s6 =	sadd.s32 $0x300, s24;
	[sflag:s28] =	ssyncadd.s32 $0xFFFFE0C0  }
0x7c: {  	[tilespmem:s22], [sflag:$0x3] =	stream.indirect.gather [hbm4b:s4+s16], $0x40, s6, s16, $0xb8;
	[tilespmem:$0x1DB00] =	vst v63  }
0x7d: {  	_ =	swait.ge [sflag:s23], $0x1F40  }
0x7e: {  	[sflag:s23] =	ssyncset.done $0x0  }
0x7f: {  	s6 =	sadd.s32 $0x5200, s24;
	[sflag:s23] =	ssyncadd.s32 $0xFFFFE0C0  }
0x80: {  	[spmem:s2] =	stream.indirect.scatter.add.f32 [tilespmem:s17], [sflag:$0x5], $0x40, s6, s16, $0xb8;
	[tilespmem:$0x1DB00] =	vst v63  }
0x81: {  	_ =	swait.ge [sflag:s30], $0x1F40  }
0x82: {  	[sflag:s30] =	ssyncset.done $0x0  }
0x83: {  	s6 =	sadd.s32 $0x380, s24;
	[sflag:s30] =	ssyncadd.s32 $0xFFFFE0C0  }
0x84: {  	[tilespmem:s25], [sflag:$0x4] =	stream.indirect.gather [hbm4b:s4+s16], $0x40, s6, s16, $0xb8;
	[tilespmem:$0x1DB00] =	vst v63  }
0x85: {  	_ =	swait.ge [sflag:s26], $0x1F40  }
0x86: {  	[sflag:s26] =	ssyncset.done $0x0  }
0x87: {  	s6 =	sadd.s32 $0x5280, s24;
	[sflag:s26] =	ssyncadd.s32 $0xFFFFE0C0  }
0x88: {  	[spmem:s2] =	stream.indirect.scatter.add.f32 [tilespmem:s19], [sflag:$0x6], $0x40, s6, s16, $0xb8;
	[tilespmem:$0x1DB00] =	vst v63  }
0x89: {  	_ =	swait.ge [sflag:s29], $0x1F40  }
0x8a: {  	[sflag:s29] =	ssyncset.done $0x0  }
0x8b: {  	s6 =	sadd.s32 $0x400, s24;
	[sflag:s29] =	ssyncadd.s32 $0xFFFFE0C0  }
0x8c: {  	[tilespmem:s17], [sflag:$0x1] =	stream.indirect.gather [hbm4b:s4+s16], $0x40, s6, s16, $0xb8;
	[tilespmem:$0x1DB00] =	vst v63  }
0x8d: {  	_ =	swait.ge [sflag:s31], $0x1F40  }
0x8e: {  	[sflag:s31] =	ssyncset.done $0x0  }
0x8f: {  	s6 =	sadd.s32 $0x5300, s24;
	[sflag:s31] =	ssyncadd.s32 $0xFFFFE0C0  }
0x90: {  	[spmem:s2] =	stream.indirect.scatter.add.f32 [tilespmem:s22], [sflag:$0x7], $0x40, s6, s16, $0xb8;
	[tilespmem:$0x1DB00] =	vst v63  }
0x91: {  	_ =	swait.ge [sflag:s1], $0x1F40  }
0x92: {  	[sflag:s1] =	ssyncset.done $0x0  }
.Ltmp1:
0x93: {  	s6 =	sadd.s32 $0x480, s24;
	[sflag:s1] =	ssyncadd.s32 $0xFFFFE0C0;
	(pc) =	sbr.rel @p0 .LBB2_4-.Ltmp1, $4  }
0x94: {  	[tilespmem:s19], [sflag:$0x2] =	stream.indirect.gather [hbm4b:s4+s16], $0x40, s6, s16, $0xb8;
	[tilespmem:$0x1DB00] =	vst v63  }
0x95: {  	_ =	swait.ge [sflag:s21], $0x1F40  }
0x96: {  	[sflag:s21] =	ssyncset.done $0x0  }
0x97: {  	s24 =	sadd.s32 $0x5380, s24;
	[sflag:s21] =	ssyncadd.s32 $0xFFFFE0C0  }
0x98: {  	[spmem:s2] =	stream.indirect.scatter.add.f32 [tilespmem:s25], [sflag:$0x8], $0x40, s24, s16, $0xb8;
	[tilespmem:$0x1DB00] =	vst v63  }
0x99: {  	_ =	swait.ge [sflag:s28], $0x1F40  }
0x9a: {  	[sflag:s28] =	ssyncset.done $0x0  }
0x9b: {  	s6 =	simm.s32 $0x4F00;
	[sflag:s28] =	ssyncadd.s32 $0xFFFFE0C0  }
0x9c: {  	[tilespmem:s22], [sflag:$0x3] =	stream.indirect.gather [hbm4b:s4+s16], $0x40, s6, s16, $0xb8;
	[tilespmem:$0x1DB00] =	vst v63  }
0x9d: {  	_ =	swait.ge [sflag:s23], $0x1F40  }
0x9e: {  	[sflag:s23] =	ssyncset.done $0x0  }
0x9f: {  	s18 =	simm.s32 $0x9E00;
	[sflag:s23] =	ssyncadd.s32 $0xFFFFE0C0  }
0xa0: {  	[spmem:s2] =	stream.indirect.scatter.add.f32 [tilespmem:s17], [sflag:$0x5], $0x40, s18, s16, $0xb8;
	[tilespmem:$0x1DB00] =	vst v63  }
0xa1: {  	_ =	swait.ge [sflag:s30], $0x1F40  }
0xa2: {  	[sflag:s30] =	ssyncset.done $0x0  }
0xa3: {  	s24 =	simm.s32 $0x4F80;
	[sflag:s30] =	ssyncadd.s32 $0xFFFFE0C0  }
0xa4: {  	[tilespmem:s25], [sflag:$0x4] =	stream.indirect.gather [hbm4b:s4+s16], $0x40, s24, s16, $0xb8;
	[tilespmem:$0x1DB00] =	vst v63  }
0xa5: {  	_ =	swait.ge [sflag:s26], $0x1F40  }
0xa6: {  	[sflag:s26] =	ssyncset.done $0x0  }
0xa7: {  	s18 =	simm.s32 $0x9E80;
	[sflag:s26] =	ssyncadd.s32 $0xFFFFE0C0  }
0xa8: {  	[spmem:s2] =	stream.indirect.scatter.add.f32 [tilespmem:s19], [sflag:$0x6], $0x40, s18, s16, $0xb8;
	[tilespmem:$0x1DB00] =	vst v63  }
0xa9: {  	_ =	swait.ge [sflag:s29], $0x1F40  }
0xaa: {  	[sflag:s29] =	ssyncset.done $0x0  }
0xab: {  	[sflag:s29] =	ssyncadd.s32 $0xFFFFE0C0  }
0xac: {  	_ =	swait.ge [sflag:s31], $0x1F40  }
0xad: {  	[sflag:s31] =	ssyncset.done $0x0  }
0xae: {  	s24 =	simm.s32 $0x9F00;
	[sflag:s31] =	ssyncadd.s32 $0xFFFFE0C0  }
0xaf: {  	[spmem:s2] =	stream.indirect.scatter.add.f32 [tilespmem:s22], [sflag:$0x7], $0x40, s24, s16, $0xb8;
	[tilespmem:$0x1DB00] =	vst v63  }
0xb0: {  	_ =	swait.ge [sflag:s1], $0x1F40  }
0xb1: {  	[sflag:s1] =	ssyncset.done $0x0  }
0xb2: {  	[sflag:s1] =	ssyncadd.s32 $0xFFFFE0C0  }
0xb3: {  	_ =	swait.ge [sflag:s21], $0x1F40  }
0xb4: {  	[sflag:s21] =	ssyncset.done $0x0  }
0xb5: {  	s18 =	simm.s32 $0x9F80;
	[sflag:s21] =	ssyncadd.s32 $0xFFFFE0C0  }
0xb6: {  	[spmem:s2] =	stream.indirect.scatter.add.f32 [tilespmem:s25], [sflag:$0x8], $0x40, s18, s16, $0xb8;
	[tilespmem:$0x1DB00] =	vst v63  }
0xb7: {  	_ =	swait.ge [sflag:s28], $0x1F40  }
0xb8: {  	[sflag:s28] =	ssyncset.done $0x0  }
0xb9: {  	[sflag:s28] =	ssyncadd.s32 $0xFFFFE0C0  }
0xba: {  	s24 =	stileid.u32;
	_ =	swait.ge [sflag:s30], $0x1F40  }
0xbb: {  	s0 =	sadd.s32 $0x1, s0;
	s6 =	sshll.u32 s24, $0x6;
	[sflag:s30] =	ssyncset.done $0x0  }
0xbc: {  	p0 =	sne.s32 s0, s12;
	s6 =	sor.u32 $0x1C09, s6;
	[sflag:s30] =	ssyncadd.s32 $0xFFFFE0C0  }
.Ltmp2:
0xbd: {  	s18 =	sshrl.u32 s5, $0x3;
	[bflag:$0x0] =	sbarrier.arrive $0xFFFF;
	(pc) =	sbr.rel @p0 .LBB2_1-.Ltmp2, $4  }
0xbe: {  	[hbm:s11], [sflag:s6] =	dma.local [spmem:s18], $0x13C0  }
0xbf: {  	_ =	swait.ge [sflag:s14], $0x13C0  }
0xc0: {  	[sflag:s14] =	ssyncset.done $0x0  }
0xc1: {  	[sflag:s14] =	ssyncadd.s32 $0xFFFFEC40  }
0xc2: {  	_ =	sfence.sel $0x180000  }
0xc3: {  	[bflag:$0x0] =	sbarrier.arrive $0xFFFF  }
0xc4: {  	_ =	strace $0x9000004D  }
0xc5: {  	s0 =	stileid.u32;
	[bflag:$0x2] =	sbarrier.arrive $0xFFFF  }
0xc6: {  	p0 =	sne.s32 s0, $0x0;
	s0 =	rddreg [dreg:$0x2]  }
0xc7: {  	s0 =	sadd.s32 @!p0 $0x100000, s0  }
0xc8: {  	[sflag:s0] =	ssyncadd.tile.s32 @!p0 $0x1;
	_ =	shalt  }
.Lfunc_end2:
_tile_overlayer_lowered:
.L_overlay_start_2:
0xc9: {  	(tag) =	ssettag $0x2  }
0xca: {  	s0 =	rddreg [dreg:$0x0];
	s2 =	stileid.u32  }
0xcb: {  	s1 =	rddreg [dreg:$0x1];
	p0 =	sne.s32 s2, $0x0  }
0xcc: {  	s3 =	rddreg [dreg:$0x2];
	[bflag:$0x3] =	sbarrier.arrive $0xFFFF;
	s2 =	simm.s32 @!p0 $0x1C09  }
0xcd: {  	[timem:s3], [sflag:s2] =	dma.local @!p0 [hbm:s0], s1  }
0xce: {  	s0 =	simm.s32 @!p0 $0x9  }
0xcf: {  	_ =	swait.ge @!p0 [sflag:s0], s1  }
0xd0: {  	s1 =	ssub.s32 @!p0 $0x0, s1;
	[sflag:s0] =	ssyncset.done @!p0 $0x0  }
0xd1: {  	[sflag:s0] =	ssyncadd.s32 @!p0 s1  }
0xd2: {  	[bflag:$0x3] =	sbarrier.arrive $0xFFFF  }
0xd3: {  	_ =	shalt  }

// kernel: kernel.19.cloned.1.call-start
scs
__scs_entry_jumppad:
0x0: {  	(pc) =	sbr.rel $0x88, $3  }
0x1: {  	(tag) =	ssettag $0x0;
	lr =	simm.s32 $0x1  }
0x2: {  	[smem:$0x3F93] =	sst lr;
	_ =	strace $0xD0000000  }
0x3: {  	_ = 	snop  }
0x4: {  	_ = 	snop  }
0x5: {  	_ = 	snop  }
0x6: {  	_ = 	snop  }
0x7: {  	_ = 	snop  }
__scs_overlays_trampoline_lowered:
0x8: {  	[smem:$0x3FA2] =	sst s0  }
0x9: {  	[smem:$0x3FA3] =	sst s1  }
0xa: {  	[smem:$0x3FA4] =	sst s2  }
0xb: {  	[smem:$0x3FA5] =	sst s3  }
0xc: {  	[smem:$0x3FA6] =	sst s4  }
0xd: {  	[smem:$0x3FA7] =	sst s5  }
0xe: {  	[smem:$0x3FA8] =	sst s6  }
0xf: {  	[smem:$0x3FA9] =	sst s7  }
0x10: {  	[smem:$0x3FAA] =	sst s8  }
0x11: {  	[smem:$0x3FAB] =	sst s9;
	s0 =	simm.s32 @!p0 $0x0  }
0x12: {  	s1 =	sld [smem:$0x3F91];
	s0 =	simm.s32 @p0 $0x1  }
0x13: {  	[smem:$0x3FAC] =	sst s0;
	s0 =	simm.s32 @!p1 $0x0  }
0x14: {  	s2 =	sld [smem:$0x3F90];
	s0 =	simm.s32 @p1 $0x1  }
0x15: {  	[smem:$0x3FAD] =	sst s0;
	s0 =	simm.s32 @!p2 $0x0  }
0x16: {  	s3 =	sld [smem:$0x3FDB];
	s0 =	simm.s32 @p2 $0x1  }
0x17: {  	s4 =	simm.s32 $0x1BF5;
	[smem:$0x3FAF] =	sst s0  }
0x18: {  	s0 =	sld [smem:$0x3F92];
	_ =	swait.ge [sflag:s4], $0x0  }
0x19: {  	s7 =	sld [smem:$0x3F93]  }
0x1a: {  	s8 =	sadd.s32 $0xFFFFE003, lr  }
0x1b: {  	s9 =	sadd.s32 $0xFFFFFEF7, lr;
	s5 =	simm.s32 $0xFFFFFFFF;
	p2 =	slt.u32 s8, $0xFFFFF086  }
0x1c: {  	p1 =	slt.u32 s9, $0xF7A;
	s5 =	simm.s32 @!p2 $0x0  }
0x1d: {  	s5 =	simm.s32 @p1 $0x1;
	p0 =	seq.s32 s7, s2  }
0x1e: {  	s7 =	smul.u32 @!p0 $0xF7A, s2;
	p2 =	seq.s32 @!p0 s5, $0x0  }
0x1f: {  	s9 =	smul.u32 $0xF7A, s1;
	s8 =	simm.s32 @!p0 $0x1BF5;
	p2 =	por !p2, p0  }
0x20: {  	[sflag:s8] =	ssyncset.s32 @!p0 $0xFFFFF086;
	s6 =	sadd.s32 @!p0 s3, s7;
	s7 =	simm.s32 @!p0 $0x108  }
0x21: {  	s3 =	sadd.s32 s3, s9;
	s6 =	sadd.s32 @!p0 $0x88, s6;
	s7 =	simm.s32 @p2 $0x1082  }
0x22: {  	[simem:s7], [sflag:s8] =	dma.local @!p0 [hbm:s6], $0xF7A  }
0x23: {  	s9 =	sor.u32 $0xD0000000, s2;
	s6 =	simm.s32 $0x108;
	_ =	swait.ge @!p0 [sflag:s8], $0x0  }
0x24: {  	s3 =	sadd.s32 $0x88, s3;
	s6 =	simm.s32 @!p1 $0x1082;
	[sflag:s4] =	ssyncset.s32 $0xFFFFF086  }
0x25: {  	[simem:s6], [sflag:s4] =	dma.local [hbm:s3], $0xF7A  }
0x26: {  	[smem:$0x3F93] =	sst s1;
	(tag) =	ssettag s2;
	_ =	strace s9  }
0x27: {  	s1 =	sld [smem:$0x3FA3]  }
0x28: {  	s2 =	sld [smem:$0x3FA4]  }
0x29: {  	s4 =	sld [smem:$0x3FA6]  }
0x2a: {  	p0 =	seq.s32 s5, $0x0;
	s5 =	sld [smem:$0x3FA7]  }
0x2b: {  	s6 =	sld [smem:$0x3FA8]  }
0x2c: {  	s7 =	sld [smem:$0x3FA9]  }
0x2d: {  	s3 =	simm.s32 $0x108;
	s8 =	sld [smem:$0x3FAA]  }
0x2e: {  	s3 =	simm.s32 @!p0 $0x1082;
	s9 =	sld [smem:$0x3FAB]  }
0x2f: {  	lr =	sadd.s32 s0, s3;
	s0 =	sld [smem:$0x3FA2]  }
0x30: {  	s3 =	sld [smem:$0x3FA5]  }
0x31: {  	[smem:$0x3FAE] =	sst s10  }
0x32: {  	s10 =	sld [smem:$0x3FAC];
	_ =	sdelay $0x3  }
0x33: {  	p0 =	seq.s32 s10, $0x1;
	s10 =	sld [smem:$0x3FAE];
	_ =	sdelay $0x3  }
0x34: {  	[smem:$0x3FAE] =	sst s10  }
0x35: {  	s10 =	sld [smem:$0x3FAD];
	_ =	sdelay $0x3  }
0x36: {  	p1 =	seq.s32 s10, $0x1;
	s10 =	sld [smem:$0x3FAE];
	_ =	sdelay $0x3  }
0x37: {  	[smem:$0x3FAE] =	sst s10  }
0x38: {  	s10 =	sld [smem:$0x3FAF]  }
0x39: {  	_ = 	snop;
	(pc) =	sbr.ind lr, $3  }
0x3a: {  	_ = 	snop  }
0x3b: {  	_ = 	snop  }
0x3c: {  	p2 =	seq.s32 s10, $0x1;
	s10 =	sld [smem:$0x3FAE]  }
0x3d: {  	_ =	shalt  }
0x3e: {  	_ =	shalt  }
0x3f: {  	_ =	shalt  }
0x40: {  	_ =	shalt  }
0x41: {  	_ =	shalt  }
0x42: {  	_ =	shalt  }
0x43: {  	_ =	shalt  }
0x44: {  	_ =	shalt  }
0x45: {  	_ =	shalt  }
0x46: {  	_ =	shalt  }
0x47: {  	_ =	shalt  }
0x48: {  	_ =	shalt  }
0x49: {  	_ =	shalt  }
0x4a: {  	_ =	shalt  }
0x4b: {  	_ =	shalt  }
0x4c: {  	_ =	shalt  }
0x4d: {  	_ =	shalt  }
0x4e: {  	_ =	shalt  }
0x4f: {  	_ =	shalt  }
0x50: {  	_ =	shalt  }
0x51: {  	_ =	shalt  }
0x52: {  	_ =	shalt  }
0x53: {  	_ =	shalt  }
0x54: {  	_ =	shalt  }
0x55: {  	_ =	shalt  }
0x56: {  	_ =	shalt  }
0x57: {  	_ =	shalt  }
0x58: {  	_ =	shalt  }
0x59: {  	_ =	shalt  }
0x5a: {  	_ =	shalt  }
0x5b: {  	_ =	shalt  }
0x5c: {  	_ =	shalt  }
0x5d: {  	_ =	shalt  }
0x5e: {  	_ =	shalt  }
0x5f: {  	_ =	shalt  }
0x60: {  	_ =	shalt  }
0x61: {  	_ =	shalt  }
0x62: {  	_ =	shalt  }
0x63: {  	_ =	shalt  }
0x64: {  	_ =	shalt  }
0x65: {  	_ =	shalt  }
0x66: {  	_ =	shalt  }
0x67: {  	_ =	shalt  }
0x68: {  	_ =	shalt  }
0x69: {  	_ =	shalt  }
0x6a: {  	_ =	shalt  }
0x6b: {  	_ =	shalt  }
0x6c: {  	_ =	shalt  }
0x6d: {  	_ =	shalt  }
0x6e: {  	_ =	shalt  }
0x6f: {  	_ =	shalt  }
0x70: {  	_ =	shalt  }
0x71: {  	_ =	shalt  }
0x72: {  	_ =	shalt  }
0x73: {  	_ =	shalt  }
0x74: {  	_ =	shalt  }
0x75: {  	_ =	shalt  }
0x76: {  	_ =	shalt  }
0x77: {  	_ =	shalt  }
0x78: {  	_ =	shalt  }
0x79: {  	_ =	shalt  }
0x7a: {  	_ =	shalt  }
0x7b: {  	_ =	shalt  }
0x7c: {  	_ =	shalt  }
0x7d: {  	_ =	shalt  }
0x7e: {  	_ =	shalt  }
0x7f: {  	_ =	shalt  }
0x80: {  	_ =	shalt  }
0x81: {  	_ =	shalt  }
0x82: {  	_ =	shalt  }
0x83: {  	_ =	shalt  }
0x84: {  	_ =	shalt  }
0x85: {  	_ =	shalt  }
0x86: {  	_ =	shalt  }
0x87: {  	_ =	shalt  }
.Lfunc_end0:
.L_simem_size_0:
called_computation.3_lowered:
.L_overlay_start_0:
0x88: {  	s2 =	sld [smem:$0x3FD9]  }
0x89: {  	s3 =	sld [smem:$0x3FFE];
	_ =	sdelay $0x1  }
0x8a: {  	s1 =	srdreg.scid  }
0x8b: {  	s0 =	sand.u32 $0x1, s1  }
0x8c: {  	s16 =	sshll.u32 s0, $0xA;
	s2 =	sadd.s32 s3, s2  }
0x8d: {  	s2 =	sadd.s32 s2, s16  }
0x8e: {  	[smem:$0x3FBA] =	sst s2  }
0x8f: {  	_ = 	snop  }
0x90: {  	(tm) =	ssettm $0x1  }
0x91: {  	s17 =	sld [smem:$0x3FFB];
	_ =	sdelay $0x3  }
0x92: {  	_ =	strace s17  }
0x93: {  	s2 =	sld [smem:$0x3FFC];
	_ =	sdelay $0x3  }
0x94: {  	_ =	strace s2  }
0x95: {  	s2 =	sld [smem:$0x3FFD];
	_ =	sdelay $0x3  }
0x96: {  	_ =	strace s2  }
0x97: {  	_ =	strace $0x8FFFFFFF  }
0x98: {  	s18 =	sld [smem:$0x3FDB];
	_ =	sdelay $0x1  }
0x99: {  	s19 =	simm.s32 $_scs_section_size  }
0x9a: {  	s4 =	simm.s32 $_size__tile_overlayer_lowered;
	s5 =	simm.s32 $_tile_overlayer_lowered  }
0x9b: {  	s22 =	simm.s32 $0x1BFF;
	s21 =	sshll.u32 s5, $0x1;
	s2 =	sadd.s32 s19, s18  }
0x9c: {  	s6 =	simm.s32 $0x0;
	s20 =	sshll.u32 s4, $0x1;
	s4 =	sadd.s32 s21, s2  }
0x9d: {  	[timem:s6], [sflag:s22] =	dma.local [hbm:s4], s20  }
0x9e: {  	_ =	swait.ge [sflag:s22], s20  }
0x9f: {  	s3 =	ssub.s32 $0x0, s20;
	[sflag:s22] =	ssyncset.done $0x0  }
0xa0: {  	[sflag:s22] =	ssyncadd.s32 s3;
	_ =	sdelay $0x1  }
0xa1: {  	s23 =	simm.s32 $0x1B8B  }
0xa2: {  	_ =	swait.ge [sflag:s23], $0x1  }
0xa3: {  	[sflag:s23] =	ssyncset.done $0x0  }
0xa4: {  	s25 =	simm.s32 $0x1B8E;
	s24 =	sld [smem:$0x3FFE];
	[sflag:s23] =	ssyncadd.s32 $0xFFFFFFFF  }
0xa5: {  	s26 =	simm.s32 $execute0_lowered;
	[smem:$0x3FD2] =	sst s25  }
0xa6: {  	s4 =	sshll.u32 s26, $0x1;
	_ =	strace $0x8000004F;
	[dreg:$0x1] =	wrdreg $0xFFFFFFFF  }
0xa7: {  	s28 =	simm.s32 $_size_execute0_lowered;
	s2 =	sadd.s32 s2, s4;
	[dreg:$0x0] =	wrdreg $0x0  }
0xa8: {  	s4 =	sshll.u32 s28, $0x1;
	[dreg:$0x2] =	wrdreg s2  }
0xa9: {  	[dreg:$0x3] =	wrdreg s4  }
0xaa: {  	[dreg:$0x4] =	wrdreg $0xC0  }
0xab: {  	_ =	task [dreg:s6], $0x5FFFF  }
0xac: {  	[dreg:$0x1] =	wrdreg $0xFFFFFFFF  }
0xad: {  	[dreg:$0x0] =	wrdreg $0x60  }
0xae: {  	[dreg:$0x2] =	wrdreg s24  }
0xaf: {  	[dreg:$0x3] =	wrdreg $0x13D000  }
0xb0: {  	[dreg:$0x4] =	wrdreg $0x9  }
0xb1: {  	_ =	task.clear_ibuf [dreg:s6], $0x5FFFF;
	_ =	strace $0x9000004F  }
0xb2: {  	s29 =	simm.s32 $0x9;
	_ =	strace $0x80000051  }
0xb3: {  	_ =	swait.ge [sflag:s29], $0x1  }
0xb4: {  	[sflag:s29] =	ssyncadd.s32 $0xFFFFFFFF  }
0xb5: {  	_ =	strace $0x90000051  }
0xb6: {  	_ =	sfence  }
0xb7: {  	s30 =	sld [smem:$0x0];
	_ =	sdelay $0x2  }
0xb8: {  	s31 =	sshll.u32 s1, $0xD;
	s1 =	sshrl.u32 s1, $0x2  }
0xb9: {  	s3 =	sand.u32 $0x4000, s31;
	s1 =	sadd.s32 s1, s30  }
0xba: {  	s0 =	sor.u32 s3, s0;
	s1 =	sshll.u32 s1, $0x11  }
0xbb: {  	s0 =	sor.u32 s1, s0  }
0xbc: {  	s0 =	sadd.s32 $0x8F2B, s0  }
0xbd: {  	[sflag:s0] =	ssyncadd.remote.s32 $0x1  }
0xbe: {  	_ =	sfence.sel $0xFFFF  }
0xbf: {  	[dreg:$0x0] =	wrdreg $0xFFFFFFFF;
	(pc) =	sbr.abs _section_cstart, $3  }
0xc0: {  	[dreg:$0x1] =	wrdreg $0xFFFFFFFF  }
0xc1: {  	_ =	task.clear_ibuf [dreg:s6], $0x2FFFF;
	_ =	strace $0x9FFFFFFF  }
0xc2: {  	(tm) =	ssettm $0x7FFFFFFF  }
0xc3: {  	_ =	shalt  }
tec
execute0_lowered:
.L_overlay_start_1:
0x0: {  	(tag) =	ssettag $0x1  }
0x1: {  	s0 =	rddreg [dreg:$0x0]  }
0x2: {  	s2 =	rddreg [dreg:$0x1]  }
0x3: {  	s8 =	stileid.u32;
	s4 =	srdreg.scid;
	s3 =	simm.s32 $0x0  }
0x4: {  	s13 =	simm.s32 $0x22600;
	s14 =	simm.s32 $0x9;
	s15 =	simm.s32 $0x5000  }
0x5: {  	s16 =	simm.s32 $0x7D;
	s17 =	simm.s32 $0xA000;
	s19 =	simm.s32 $0xBF40  }
0x6: {  	s20 =	simm.s32 $0x11D00;
	s22 =	simm.s32 $0xDE80;
	s23 =	simm.s32 $0x1  }
0x7: {  	s29 =	simm.s32 $0x5;
	s31 =	simm.s32 $0x3;
	s1 =	smul.u32 $0xA00, s8  }
0x8: {  	s21 =	simm.s32 $0x4;
	s28 =	simm.s32 $0x7;
	s5 =	smul.u32 $0x13C0, s8  }
0x9: {  	s30 =	simm.s32 $0x8;
	s6 =	sand.u32 $0x1, s4;
	s8 =	smul.u32 $0x27800, s8  }
0xa: {  	[smem:$0x7FF] =	sst s3;
	s4 =	sadd.s32 $0x36600, s0;
	s7 =	smul.u32 $0x13C00, s6  }
0xb: {  	_ =	strace $0x80000050;
	s9 =	ssub.s32 $0x2, s6;
	p0 =	seq.s32 s6, $0x1  }
0xc: {  	s1 =	sadd.s32 s1, s0;
	s25 =	sshrl.u32 s9, $0x1;
	s8 =	sshrl.u32 s8, $0x2  }
0xd: {  	s13 =	simm.s32 @!p0 $0x18600;
	s5 =	sadd.s32 s5, s7;
	s12 =	ssub.s32 s9, s25  }
0xe: {  	s26 =	sadd.s32 $0x2C600, s1;
	s13 =	sadd.s32 s13, s1;
	s25 =	simm.s32 $0xFDC0  }
0xf: {  	s1 =	simm.s32 $0x6;
	s0 =	sadd.s32 s5, s0;
	s5 =	sadd.s32 s8, s2  }
0x10: {  	[dreg:$0x3] =	wrdreg s26;
	s12 =	smax.u32 s12, $0x1;
	s26 =	simm.s32 $0x2  }
0x11: {  	s7 =	sadd.s32 $0x2000, s5;
	s8 =	sadd.s32 $0x4000, s5;
	s9 =	sadd.s32 $0x6000, s5  }
0x12: {  	v0 =	vimm.f32 $0.0e+00;
	s10 =	sadd.s32 $0x8000, s5;
	s11 =	sadd.s32 $0x5D800, s0;
	s0 =	simm.s32 $0x0  }
.LBB2_1:
0x13: {  	[tilespmem:s3], [sflag:$0x9] =	stream.linear.gather [hbm4b:s13+s3], $0x5000, $0x38;
	[tilespmem:$0x1DB00] =	vst v63  }
0x14: {  	_ =	swait.ge [sflag:s14], $0x5000  }
0x15: {  	[sflag:s14] =	ssyncset.done $0x0  }
0x16: {  	s6 =	rddreg [dreg:$0x3];
	[sflag:s14] =	ssyncadd.s32 $0xFFFFB000  }
0x17: {  	[tilespmem:s15], [sflag:$0x9] =	stream.linear.gather [hbm4b:s6+s3], $0x5000, $0x38;
	[tilespmem:$0x1DB00] =	vst v63  }
0x18: {  	_ =	swait.ge [sflag:s14], $0x5000  }
0x19: {  	[sflag:s14] =	ssyncset.done $0x0  }
0x1a: {  	[sflag:s14] =	ssyncadd.s32 $0xFFFFB000  }
0x1b: {  	[tilespmem:s17], [sflag:$0x1] =	stream.indirect.gather [hbm4b:s4+s16], $0x40, s3, s16, $0xb8;
	[tilespmem:$0x1DB00] =	vst v63  }
0x1c: {  	s24 =	simm.s32 $0x80  }
0x1d: {  	[tilespmem:s19], [sflag:$0x2] =	stream.indirect.gather [hbm4b:s4+s16], $0x40, s24, s16, $0xb8;
	[tilespmem:$0x1DB00] =	vst v63  }
0x1e: {  	s18 =	simm.s32 $0x0;
	s24 =	simm.s32 $0x100  }
.LBB2_2:
0x1f: {  	p0 =	sne.s32 s24, $0x7F00;
	[tilespmem:s18+$0x11D30] =	vst v0;
	s6 =	smov.u32 s24;
	s24 =	sadd.s32 $0x100, s24  }
.Ltmp0:
0x20: {  	[tilespmem:s18+$0x11D20] =	vst v0;
	(pc) =	sbr.rel @p0 .LBB2_2-.Ltmp0, $3  }
0x21: {  	[tilespmem:s18+$0x11D00] =	vst v0  }
0x22: {  	[tilespmem:s18+$0x11D10] =	vst v0;
	_ =	sdelay $0x1  }
0x23: {  	s18 =	sshra.s32 s6, $0x2  }
0x24: {  	[tilespmem:s18+$0x11D30] =	vst v0  }
0x25: {  	[tilespmem:s18+$0x11D20] =	vst v0  }
0x26: {  	[tilespmem:s18+$0x11D00] =	vst v0  }
0x27: {  	[tilespmem:s18+$0x11D10] =	vst v0  }
0x28: {  	[spmem:s5] =	stream.linear.scatter [tilespmem:s20], [sflag:$0x9], $0x2000, $0x38;
	[tilespmem:$0x1DB00] =	vst v63  }
0x29: {  	_ =	swait.ge [sflag:s14], $0x2000  }
0x2a: {  	[sflag:s14] =	ssyncset.done $0x0  }
0x2b: {  	[sflag:s14] =	ssyncadd.s32 $0xFFFFE000  }
0x2c: {  	[spmem:s7] =	stream.linear.scatter [tilespmem:s20], [sflag:$0x9], $0x2000, $0x38;
	[tilespmem:$0x1DB00] =	vst v63  }
0x2d: {  	_ =	swait.ge [sflag:s14], $0x2000  }
0x2e: {  	[sflag:s14] =	ssyncset.done $0x0  }
0x2f: {  	[sflag:s14] =	ssyncadd.s32 $0xFFFFE000  }
0x30: {  	[spmem:s8] =	stream.linear.scatter [tilespmem:s20], [sflag:$0x9], $0x2000, $0x38;
	[tilespmem:$0x1DB00] =	vst v63  }
0x31: {  	_ =	swait.ge [sflag:s14], $0x2000  }
0x32: {  	[sflag:s14] =	ssyncset.done $0x0  }
0x33: {  	[sflag:s14] =	ssyncadd.s32 $0xFFFFE000  }
0x34: {  	[spmem:s9] =	stream.linear.scatter [tilespmem:s20], [sflag:$0x9], $0x2000, $0x38;
	[tilespmem:$0x1DB00] =	vst v63  }
0x35: {  	_ =	swait.ge [sflag:s14], $0x2000  }
0x36: {  	[sflag:s14] =	ssyncset.done $0x0  }
0x37: {  	[sflag:s14] =	ssyncadd.s32 $0xFFFFE000  }
0x38: {  	[spmem:s10] =	stream.linear.scatter [tilespmem:s20], [sflag:$0x9], $0x1E00, $0x38;
	[tilespmem:$0x1DB00] =	vst v63  }
0x39: {  	_ =	swait.ge [sflag:s14], $0x1E00  }
0x3a: {  	[sflag:s14] =	ssyncset.done $0x0  }
0x3b: {  	[sflag:s14] =	ssyncadd.s32 $0xFFFFE200  }
0x3c: {  	s6 =	simm.s32 $0x100;
	[bflag:$0x0] =	sbarrier.arrive $0xFFFF  }
0x3d: {  	[tilespmem:s22], [sflag:$0x3] =	stream.indirect.gather [hbm4b:s4+s16], $0x40, s6, s16, $0xb8;
	[tilespmem:$0x1DB00] =	vst v63  }
0x3e: {  	_ =	swait.ge [sflag:s23], $0x1F40  }
0x3f: {  	[sflag:s23] =	ssyncset.done $0x0  }
0x40: {  	[sflag:s23] =	ssyncadd.s32 $0xFFFFE0C0  }
0x41: {  	[spmem:s2] =	stream.indirect.scatter.add.f32 [tilespmem:s17], [sflag:$0x5], $0x40, s15, s16, $0xb8;
	[tilespmem:$0x1DB00] =	vst v63  }
0x42: {  	s24 =	simm.s32 $0x180  }
0x43: {  	[tilespmem:s25], [sflag:$0x4] =	stream.indirect.gather [hbm4b:s4+s16], $0x40, s24, s16, $0xb8;
	[tilespmem:$0x1DB00] =	vst v63  }
0x44: {  	_ =	swait.ge [sflag:s26], $0x1F40  }
0x45: {  	[sflag:s26] =	ssyncset.done $0x0  }
0x46: {  	s18 =	simm.s32 $0x5080;
	[sflag:s26] =	ssyncadd.s32 $0xFFFFE0C0  }
0x47: {  	[spmem:s2] =	stream.indirect.scatter.add.f32 [tilespmem:s19], [sflag:$0x6], $0x40, s18, s16, $0xb8;
	[tilespmem:$0x1DB00] =	vst v63  }
0x48: {  	_ =	swait.ge [sflag:s29], $0x1F40  }
0x49: {  	[sflag:s29] =	ssyncset.done $0x0  }
0x4a: {  	s24 =	simm.s32 $0x200;
	[sflag:s29] =	ssyncadd.s32 $0xFFFFE0C0  }
0x4b: {  	[tilespmem:s17], [sflag:$0x1] =	stream.indirect.gather [hbm4b:s4+s16], $0x40, s24, s16, $0xb8;
	[tilespmem:$0x1DB00] =	vst v63  }
0x4c: {  	_ =	swait.ge [sflag:s31], $0x1F40  }
0x4d: {  	[sflag:s31] =	ssyncset.done $0x0  }
0x4e: {  	s18 =	simm.s32 $0x5100;
	[sflag:s31] =	ssyncadd.s32 $0xFFFFE0C0  }
0x4f: {  	[spmem:s2] =	stream.indirect.scatter.add.f32 [tilespmem:s22], [sflag:$0x7], $0x40, s18, s16, $0xb8;
	[tilespmem:$0x1DB00] =	vst v63  }
0x50: {  	_ =	swait.ge [sflag:s1], $0x1F40  }
0x51: {  	[sflag:s1] =	ssyncset.done $0x0  }
0x52: {  	s24 =	simm.s32 $0x280;
	[sflag:s1] =	ssyncadd.s32 $0xFFFFE0C0  }
0x53: {  	[tilespmem:s19], [sflag:$0x2] =	stream.indirect.gather [hbm4b:s4+s16], $0x40, s24, s16, $0xb8;
	[tilespmem:$0x1DB00] =	vst v63  }
0x54: {  	_ =	swait.ge [sflag:s21], $0x1F40  }
0x55: {  	[sflag:s21] =	ssyncset.done $0x0  }
0x56: {  	s18 =	simm.s32 $0x5180;
	[sflag:s21] =	ssyncadd.s32 $0xFFFFE0C0  }
0x57: {  	[spmem:s2] =	stream.indirect.scatter.add.f32 [tilespmem:s25], [sflag:$0x8], $0x40, s18, s16, $0xb8;
	[tilespmem:$0x1DB00] =	vst v63  }
0x58: {  	_ =	swait.ge [sflag:s28], $0x1F40  }
0x59: {  	[sflag:s28] =	ssyncset.done $0x0  }
0x5a: {  	s24 =	simm.s32 $0x300;
	[sflag:s28] =	ssyncadd.s32 $0xFFFFE0C0  }
0x5b: {  	[tilespmem:s22], [sflag:$0x3] =	stream.indirect.gather [hbm4b:s4+s16], $0x40, s24, s16, $0xb8;
	[tilespmem:$0x1DB00] =	vst v63  }
0x5c: {  	_ =	swait.ge [sflag:s23], $0x1F40  }
0x5d: {  	[sflag:s23] =	ssyncset.done $0x0  }
0x5e: {  	s18 =	simm.s32 $0x5200;
	[sflag:s23] =	ssyncadd.s32 $0xFFFFE0C0  }
0x5f: {  	[spmem:s2] =	stream.indirect.scatter.add.f32 [tilespmem:s17], [sflag:$0x5], $0x40, s18, s16, $0xb8;
	[tilespmem:$0x1DB00] =	vst v63  }
0x60: {  	_ =	swait.ge [sflag:s30], $0x1F40  }
0x61: {  	[sflag:s30] =	ssyncset.done $0x0  }
0x62: {  	s24 =	simm.s32 $0x380;
	[sflag:s30] =	ssyncadd.s32 $0xFFFFE0C0  }
0x63: {  	[tilespmem:s25], [sflag:$0x4] =	stream.indirect.gather [hbm4b:s4+s16], $0x40, s24, s16, $0xb8;
	[tilespmem:$0x1DB00] =	vst v63  }
0x64: {  	_ =	swait.ge [sflag:s26], $0x1F40  }
0x65: {  	[sflag:s26] =	ssyncset.done $0x0  }
0x66: {  	s18 =	simm.s32 $0x5280;
	[sflag:s26] =	ssyncadd.s32 $0xFFFFE0C0  }
0x67: {  	[spmem:s2] =	stream.indirect.scatter.add.f32 [tilespmem:s19], [sflag:$0x6], $0x40, s18, s16, $0xb8;
	[tilespmem:$0x1DB00] =	vst v63  }
0x68: {  	_ =	swait.ge [sflag:s29], $0x1F40  }
0x69: {  	[sflag:s29] =	ssyncset.done $0x0  }
0x6a: {  	s24 =	simm.s32 $0x400;
	[sflag:s29] =	ssyncadd.s32 $0xFFFFE0C0  }
0x6b: {  	[tilespmem:s17], [sflag:$0x1] =	stream.indirect.gather [hbm4b:s4+s16], $0x40, s24, s16, $0xb8;
	[tilespmem:$0x1DB00] =	vst v63  }
0x6c: {  	_ =	swait.ge [sflag:s31], $0x1F40  }
0x6d: {  	[sflag:s31] =	ssyncset.done $0x0  }
0x6e: {  	s18 =	simm.s32 $0x5300;
	[sflag:s31] =	ssyncadd.s32 $0xFFFFE0C0  }
0x6f: {  	[spmem:s2] =	stream.indirect.scatter.add.f32 [tilespmem:s22], [sflag:$0x7], $0x40, s18, s16, $0xb8;
	[tilespmem:$0x1DB00] =	vst v63  }
0x70: {  	_ =	swait.ge [sflag:s1], $0x1F40  }
0x71: {  	[sflag:s1] =	ssyncset.done $0x0  }
0x72: {  	s24 =	simm.s32 $0x480;
	[sflag:s1] =	ssyncadd.s32 $0xFFFFE0C0  }
0x73: {  	[tilespmem:s19], [sflag:$0x2] =	stream.indirect.gather [hbm4b:s4+s16], $0x40, s24, s16, $0xb8;
	[tilespmem:$0x1DB00] =	vst v63  }
0x74: {  	_ =	swait.ge [sflag:s21], $0x1F40  }
0x75: {  	[sflag:s21] =	ssyncset.done $0x0  }
0x76: {  	s18 =	simm.s32 $0x800;
	s24 =	simm.s32 $0x5380;
	[sflag:s21] =	ssyncadd.s32 $0xFFFFE0C0  }
.LBB2_4:
0x77: {  	[spmem:s2] =	stream.indirect.scatter.add.f32 [tilespmem:s25], [sflag:$0x8], $0x40, s24, s16, $0xb8;
	[tilespmem:$0x1DB00] =	vst v63  }
0x78: {  	s6 =	smov.u32 s18  }
0x79: {  	p0 =	sne.s32 s18, $0x12800;
	s18 =	sadd.s32 $0x800, s18;
	_ =	swait.ge [sflag:s28], $0x1F40  }
0x7a: {  	s24 =	sshra.s32 s6, $0x2;
	[sflag:s28] =	ssyncset.done $0x0  }
0x7b: {  	s6 =	sadd.s32 $0x300, s24;
	[sflag:s28] =	ssyncadd.s32 $0xFFFFE0C0  }
0x7c: {  	[tilespmem:s22], [sflag:$0x3] =	stream.indirect.gather [hbm4b:s4+s16], $0x40, s6, s16, $0xb8;
	[tilespmem:$0x1DB00] =	vst v63  }
0x7d: {  	_ =	swait.ge [sflag:s23], $0x1F40  }
0x7e: {  	[sflag:s23] =	ssyncset.done $0x0  }
0x7f: {  	s6 =	sadd.s32 $0x5200, s24;
	[sflag:s23] =	ssyncadd.s32 $0xFFFFE0C0  }
0x80: {  	[spmem:s2] =	stream.indirect.scatter.add.f32 [tilespmem:s17], [sflag:$0x5], $0x40, s6, s16, $0xb8;
	[tilespmem:$0x1DB00] =	vst v63  }
0x81: {  	_ =	swait.ge [sflag:s30], $0x1F40  }
0x82: {  	[sflag:s30] =	ssyncset.done $0x0  }
0x83: {  	s6 =	sadd.s32 $0x380, s24;
	[sflag:s30] =	ssyncadd.s32 $0xFFFFE0C0  }
0x84: {  	[tilespmem:s25], [sflag:$0x4] =	stream.indirect.gather [hbm4b:s4+s16], $0x40, s6, s16, $0xb8;
	[tilespmem:$0x1DB00] =	vst v63  }
0x85: {  	_ =	swait.ge [sflag:s26], $0x1F40  }
0x86: {  	[sflag:s26] =	ssyncset.done $0x0  }
0x87: {  	s6 =	sadd.s32 $0x5280, s24;
	[sflag:s26] =	ssyncadd.s32 $0xFFFFE0C0  }
0x88: {  	[spmem:s2] =	stream.indirect.scatter.add.f32 [tilespmem:s19], [sflag:$0x6], $0x40, s6, s16, $0xb8;
	[tilespmem:$0x1DB00] =	vst v63  }
0x89: {  	_ =	swait.ge [sflag:s29], $0x1F40  }
0x8a: {  	[sflag:s29] =	ssyncset.done $0x0  }
0x8b: {  	s6 =	sadd.s32 $0x400, s24;
	[sflag:s29] =	ssyncadd.s32 $0xFFFFE0C0  }
0x8c: {  	[tilespmem:s17], [sflag:$0x1] =	stream.indirect.gather [hbm4b:s4+s16], $0x40, s6, s16, $0xb8;
	[tilespmem:$0x1DB00] =	vst v63  }
0x8d: {  	_ =	swait.ge [sflag:s31], $0x1F40  }
0x8e: {  	[sflag:s31] =	ssyncset.done $0x0  }
0x8f: {  	s6 =	sadd.s32 $0x5300, s24;
	[sflag:s31] =	ssyncadd.s32 $0xFFFFE0C0  }
0x90: {  	[spmem:s2] =	stream.indirect.scatter.add.f32 [tilespmem:s22], [sflag:$0x7], $0x40, s6, s16, $0xb8;
	[tilespmem:$0x1DB00] =	vst v63  }
0x91: {  	_ =	swait.ge [sflag:s1], $0x1F40  }
0x92: {  	[sflag:s1] =	ssyncset.done $0x0  }
.Ltmp1:
0x93: {  	s6 =	sadd.s32 $0x480, s24;
	[sflag:s1] =	ssyncadd.s32 $0xFFFFE0C0;
	(pc) =	sbr.rel @p0 .LBB2_4-.Ltmp1, $4  }
0x94: {  	[tilespmem:s19], [sflag:$0x2] =	stream.indirect.gather [hbm4b:s4+s16], $0x40, s6, s16, $0xb8;
	[tilespmem:$0x1DB00] =	vst v63  }
0x95: {  	_ =	swait.ge [sflag:s21], $0x1F40  }
0x96: {  	[sflag:s21] =	ssyncset.done $0x0  }
0x97: {  	s24 =	sadd.s32 $0x5380, s24;
	[sflag:s21] =	ssyncadd.s32 $0xFFFFE0C0  }
0x98: {  	[spmem:s2] =	stream.indirect.scatter.add.f32 [tilespmem:s25], [sflag:$0x8], $0x40, s24, s16, $0xb8;
	[tilespmem:$0x1DB00] =	vst v63  }
0x99: {  	_ =	swait.ge [sflag:s28], $0x1F40  }
0x9a: {  	[sflag:s28] =	ssyncset.done $0x0  }
0x9b: {  	s6 =	simm.s32 $0x4F00;
	[sflag:s28] =	ssyncadd.s32 $0xFFFFE0C0  }
0x9c: {  	[tilespmem:s22], [sflag:$0x3] =	stream.indirect.gather [hbm4b:s4+s16], $0x40, s6, s16, $0xb8;
	[tilespmem:$0x1DB00] =	vst v63  }
0x9d: {  	_ =	swait.ge [sflag:s23], $0x1F40  }
0x9e: {  	[sflag:s23] =	ssyncset.done $0x0  }
0x9f: {  	s18 =	simm.s32 $0x9E00;
	[sflag:s23] =	ssyncadd.s32 $0xFFFFE0C0  }
0xa0: {  	[spmem:s2] =	stream.indirect.scatter.add.f32 [tilespmem:s17], [sflag:$0x5], $0x40, s18, s16, $0xb8;
	[tilespmem:$0x1DB00] =	vst v63  }
0xa1: {  	_ =	swait.ge [sflag:s30], $0x1F40  }
0xa2: {  	[sflag:s30] =	ssyncset.done $0x0  }
0xa3: {  	s24 =	simm.s32 $0x4F80;
	[sflag:s30] =	ssyncadd.s32 $0xFFFFE0C0  }
0xa4: {  	[tilespmem:s25], [sflag:$0x4] =	stream.indirect.gather [hbm4b:s4+s16], $0x40, s24, s16, $0xb8;
	[tilespmem:$0x1DB00] =	vst v63  }
0xa5: {  	_ =	swait.ge [sflag:s26], $0x1F40  }
0xa6: {  	[sflag:s26] =	ssyncset.done $0x0  }
0xa7: {  	s18 =	simm.s32 $0x9E80;
	[sflag:s26] =	ssyncadd.s32 $0xFFFFE0C0  }
0xa8: {  	[spmem:s2] =	stream.indirect.scatter.add.f32 [tilespmem:s19], [sflag:$0x6], $0x40, s18, s16, $0xb8;
	[tilespmem:$0x1DB00] =	vst v63  }
0xa9: {  	_ =	swait.ge [sflag:s29], $0x1F40  }
0xaa: {  	[sflag:s29] =	ssyncset.done $0x0  }
0xab: {  	[sflag:s29] =	ssyncadd.s32 $0xFFFFE0C0  }
0xac: {  	_ =	swait.ge [sflag:s31], $0x1F40  }
0xad: {  	[sflag:s31] =	ssyncset.done $0x0  }
0xae: {  	s24 =	simm.s32 $0x9F00;
	[sflag:s31] =	ssyncadd.s32 $0xFFFFE0C0  }
0xaf: {  	[spmem:s2] =	stream.indirect.scatter.add.f32 [tilespmem:s22], [sflag:$0x7], $0x40, s24, s16, $0xb8;
	[tilespmem:$0x1DB00] =	vst v63  }
0xb0: {  	_ =	swait.ge [sflag:s1], $0x1F40  }
0xb1: {  	[sflag:s1] =	ssyncset.done $0x0  }
0xb2: {  	[sflag:s1] =	ssyncadd.s32 $0xFFFFE0C0  }
0xb3: {  	_ =	swait.ge [sflag:s21], $0x1F40  }
0xb4: {  	[sflag:s21] =	ssyncset.done $0x0  }
0xb5: {  	s18 =	simm.s32 $0x9F80;
	[sflag:s21] =	ssyncadd.s32 $0xFFFFE0C0  }
0xb6: {  	[spmem:s2] =	stream.indirect.scatter.add.f32 [tilespmem:s25], [sflag:$0x8], $0x40, s18, s16, $0xb8;
	[tilespmem:$0x1DB00] =	vst v63  }
0xb7: {  	_ =	swait.ge [sflag:s28], $0x1F40  }
0xb8: {  	[sflag:s28] =	ssyncset.done $0x0  }
0xb9: {  	[sflag:s28] =	ssyncadd.s32 $0xFFFFE0C0  }
0xba: {  	s24 =	stileid.u32;
	_ =	swait.ge [sflag:s30], $0x1F40  }
0xbb: {  	s0 =	sadd.s32 $0x1, s0;
	s6 =	sshll.u32 s24, $0x6;
	[sflag:s30] =	ssyncset.done $0x0  }
0xbc: {  	p0 =	sne.s32 s0, s12;
	s6 =	sor.u32 $0x1C09, s6;
	[sflag:s30] =	ssyncadd.s32 $0xFFFFE0C0  }
.Ltmp2:
0xbd: {  	s18 =	sshrl.u32 s5, $0x3;
	[bflag:$0x0] =	sbarrier.arrive $0xFFFF;
	(pc) =	sbr.rel @p0 .LBB2_1-.Ltmp2, $4  }
0xbe: {  	[hbm:s11], [sflag:s6] =	dma.local [spmem:s18], $0x13C0  }
0xbf: {  	_ =	swait.ge [sflag:s14], $0x13C0  }
0xc0: {  	[sflag:s14] =	ssyncset.done $0x0  }
0xc1: {  	[sflag:s14] =	ssyncadd.s32 $0xFFFFEC40  }
0xc2: {  	_ =	sfence.sel $0x180000  }
0xc3: {  	[bflag:$0x0] =	sbarrier.arrive $0xFFFF  }
0xc4: {  	_ =	strace $0x90000050  }
0xc5: {  	s0 =	stileid.u32;
	[bflag:$0x2] =	sbarrier.arrive $0xFFFF  }
0xc6: {  	p0 =	sne.s32 s0, $0x0;
	s0 =	rddreg [dreg:$0x2]  }
0xc7: {  	s0 =	sadd.s32 @!p0 $0x100000, s0  }
0xc8: {  	[sflag:s0] =	ssyncadd.tile.s32 @!p0 $0x1;
	_ =	shalt  }
.Lfunc_end2:
_tile_overlayer_lowered:
.L_overlay_start_2:
0xc9: {  	(tag) =	ssettag $0x2  }
0xca: {  	s0 =	rddreg [dreg:$0x0];
	s2 =	stileid.u32  }
0xcb: {  	s1 =	rddreg [dreg:$0x1];
	p0 =	sne.s32 s2, $0x0  }
0xcc: {  	s3 =	rddreg [dreg:$0x2];
	[bflag:$0x3] =	sbarrier.arrive $0xFFFF;
	s2 =	simm.s32 @!p0 $0x1C09  }
0xcd: {  	[timem:s3], [sflag:s2] =	dma.local @!p0 [hbm:s0], s1  }
0xce: {  	s0 =	simm.s32 @!p0 $0x9  }
0xcf: {  	_ =	swait.ge @!p0 [sflag:s0], s1  }
0xd0: {  	s1 =	ssub.s32 @!p0 $0x0, s1;
	[sflag:s0] =	ssyncset.done @!p0 $0x0  }
0xd1: {  	[sflag:s0] =	ssyncadd.s32 @!p0 s1  }
0xd2: {  	[bflag:$0x3] =	sbarrier.arrive $0xFFFF  }
0xd3: {  	_ =	shalt  }

</sc_bundles>
